<compile_context>
chip_gen: v7x
topology: tpu7x:2x2x1
jax: 0.10.2.dev20260603
libtpu: 0.0.44.dev20260713+nightly
codegen_flags: <defaults>
</compile_context>

<pallas_src>
import functools

import jax
import jax.numpy as jnp
from jax import lax
from jax.experimental import pallas as pl
from jax.experimental.pallas import tpu as pltpu
from jax.experimental.pallas import tpu_sc as plsc

N = 10000
E = 320000
D = 128

NC = 2
NS = 16
NW = NC * NS

C = 128
EPW = E // NW
G = (EPW + 2 * C - 1) // (2 * C) * 2
PE = NW * G * C

ROWS_PT = (-(-(N + 1) // NS) + 7) // 8 * 8
NP_ = ROWS_PT * NS


def _sc_agg_body(x_hbm, srcp_hbm, dstp_hbm, agg_out, cnt_out,
                 src_v, dst_v, rows_v, ones_v, z16_v, agg_sp, cnt_sp,
                 si, sg, ss, with_cnt):
    c = lax.axis_index("c")
    s = lax.axis_index("s")
    wid = c * NS + s

    zero = jnp.zeros((16,), jnp.float32)
    one = jnp.ones((16,), jnp.float32)

    def zrow(r, _):
        for k in range(D // 16):
            rows_v[0, r, pl.ds(k * 16, 16)] = zero
        return 0
    lax.fori_loop(0, C, zrow, 0)

    if with_cnt:
        def zrow16(r, _):
            ones_v[r, pl.ds(0, 16)] = one
            return 0
        lax.fori_loop(0, C, zrow16, 0)
        for r in range(8):
            z16_v[r, pl.ds(0, 16)] = zero

    base = s * ROWS_PT
    n_full = ROWS_PT // C
    for j in range(n_full):
        pltpu.sync_copy(rows_v.at[0], agg_sp.at[pl.ds(base + j * C, C)])
    rem = ROWS_PT - n_full * C
    if rem > 0:
        pltpu.sync_copy(rows_v.at[0, pl.ds(0, rem)],
                        agg_sp.at[pl.ds(base + n_full * C, rem)])
    if with_cnt:
        def zcnt(j, _):
            pltpu.sync_copy(z16_v, cnt_sp.at[pl.ds(base + j * 8, 8)])
            return 0
        lax.fori_loop(0, ROWS_PT // 8, zcnt, 0)

    plsc.subcore_barrier()

    def issue_idx(g, m):
        pltpu.async_copy(srcp_hbm.at[wid, g], src_v.at[m], si.at[m])
        pltpu.async_copy(dstp_hbm.at[wid, g], dst_v.at[m], si.at[m])

    def wait_idx(m):
        d = pltpu.make_async_copy(srcp_hbm.at[wid, 0], src_v.at[m], si.at[m])
        d.wait()
        d.wait()

    def issue_gather(g, m, p):
        return pltpu.async_copy(x_hbm.at[src_v.at[m]], rows_v.at[p], sg.at[p])

    def issue_scatter(m, p):
        pltpu.async_copy(rows_v.at[p], agg_sp.at[dst_v.at[m]], ss.at[p],
                         add=True)
        if with_cnt:
            pltpu.async_copy(ones_v, cnt_sp.at[dst_v.at[m]], ss.at[p],
                             add=True)

    def wait_scatter(p):
        pltpu.make_async_copy(x_hbm.at[pl.ds(0, C)], rows_v.at[p],
                              ss.at[p]).wait()
        if with_cnt:
            pltpu.make_async_copy(cnt_out.at[0, pl.ds(0, C)], ones_v,
                                  ss.at[p]).wait()

    issue_idx(0, 0)
    issue_idx(1, 1)
    for g in (0, 1):
        wait_idx(g)
        issue_idx(g + 2, g + 2)
        issue_gather(g, g, g).wait()
        issue_scatter(g, g)

    def chunk(g, _):
        p = g % 2
        m = g % 4
        m2 = (g + 2) % 4
        wait_scatter(p)

        @pl.when(g + 2 < G)
        def _():
            issue_idx(g + 2, m2)

        wait_idx(m)
        issue_gather(g, m, p).wait()
        issue_scatter(m, p)
        return 0
    lax.fori_loop(2, G, chunk, 0)

    wait_scatter(0)
    wait_scatter(1)

    plsc.subcore_barrier()

    pltpu.sync_copy(agg_sp.at[pl.ds(base, ROWS_PT)],
                    agg_out.at[c, pl.ds(base, ROWS_PT)])
    if with_cnt:
        pltpu.sync_copy(cnt_sp.at[pl.ds(base, ROWS_PT)],
                        cnt_out.at[c, pl.ds(base, ROWS_PT)])


def _make_sc_agg(with_cnt):
    mesh = plsc.VectorSubcoreMesh(core_axis_name="c", subcore_axis_name="s")
    out_type = [jax.ShapeDtypeStruct((NC, NP_, D), jnp.float32)]
    if with_cnt:
        out_type.append(jax.ShapeDtypeStruct((NC, NP_, 16), jnp.float32))
    scratch = [
        pltpu.VMEM((4, C), jnp.int32),
        pltpu.VMEM((4, C), jnp.int32),
        pltpu.VMEM((2, C, D), jnp.float32),
        pltpu.VMEM((C, 16), jnp.float32),
        pltpu.VMEM((8, 16), jnp.float32),
        pltpu.VMEM_SHARED((NP_, D), jnp.float32),
        pltpu.VMEM_SHARED((NP_, 16), jnp.float32),
        pltpu.SemaphoreType.DMA((4,)),
        pltpu.SemaphoreType.DMA((2,)),
        pltpu.SemaphoreType.DMA((2,)),
    ]

    if with_cnt:
        def body(x_hbm, srcp, dstp, agg_out, cnt_out,
                 src_v, dst_v, rows_v, ones_v, z16_v, agg_sp, cnt_sp,
                 si, sg, ss):
            _sc_agg_body(x_hbm, srcp, dstp, agg_out, cnt_out,
                         src_v, dst_v, rows_v, ones_v, z16_v, agg_sp, cnt_sp,
                         si, sg, ss, True)
    else:
        def body(x_hbm, srcp, dstp, agg_out,
                 src_v, dst_v, rows_v, ones_v, z16_v, agg_sp, cnt_sp,
                 si, sg, ss):
            _sc_agg_body(x_hbm, srcp, dstp, agg_out, None,
                         src_v, dst_v, rows_v, ones_v, z16_v, agg_sp, cnt_sp,
                         si, sg, ss, False)

    return pl.kernel(body, out_type=out_type, mesh=mesh,
                     scratch_types=scratch,
                     compiler_params=pltpu.CompilerParams(
                         use_tc_tiling_on_sc=False))


_sc_agg_cnt = _make_sc_agg(True)
_sc_agg = _make_sc_agg(False)

BLK = 1000
_DN = (((1,), (1,)), ((), ()))


def _tc_layer1_body(aggp, cntp, x, wl, bl, wr, h_out):
    agg = aggp[0] + aggp[1]
    cnt = cntp[0, :, 0:1] + cntp[1, :, 0:1]
    mean = agg / jnp.maximum(cnt, 1.0)
    h = (lax.dot_general(mean, wl[...], _DN,
                         precision=lax.Precision.HIGHEST)
         + lax.dot_general(x[...], wr[...], _DN,
                           precision=lax.Precision.HIGHEST)
         + bl[...])
    h_out[...] = jnp.maximum(h, 0.0)


def _tc_layer2_body(aggp, cntp, h, wl, bl, wr, out):
    agg = aggp[0] + aggp[1]
    cnt = cntp[0, :, 0:1] + cntp[1, :, 0:1]
    mean = agg / jnp.maximum(cnt, 1.0)
    o = (lax.dot_general(mean, wl[...], _DN,
                         precision=lax.Precision.HIGHEST)
         + lax.dot_general(h[...], wr[...], _DN,
                           precision=lax.Precision.HIGHEST)
         + bl[...])
    norm = jnp.sqrt(jnp.sum(o * o, axis=1, keepdims=True))
    out[...] = o / jnp.maximum(norm, 1e-12)


def _tc_layer(body):
    return pl.pallas_call(
        body,
        grid=(N // BLK,),
        in_specs=[
            pl.BlockSpec((NC, BLK, D), lambda i: (0, i, 0)),
            pl.BlockSpec((NC, BLK, 16), lambda i: (0, i, 0)),
            pl.BlockSpec((BLK, D), lambda i: (i, 0)),
            pl.BlockSpec((D, D), lambda i: (0, 0)),
            pl.BlockSpec((1, D), lambda i: (0, 0)),
            pl.BlockSpec((D, D), lambda i: (0, 0)),
        ],
        out_specs=pl.BlockSpec((BLK, D), lambda i: (i, 0)),
        out_shape=jax.ShapeDtypeStruct((N, D), jnp.float32),
    )


_tc_layer1 = _tc_layer(_tc_layer1_body)
_tc_layer2 = _tc_layer(_tc_layer2_body)


def kernel(x, edge_index, Wl1, bl1, Wr1, Wl2, bl2, Wr2):
    src = edge_index[0]
    dst = edge_index[1]
    pad = PE - E
    srcp = jnp.concatenate(
        [src, jnp.zeros((pad,), jnp.int32)]).reshape(NW, G, C)
    dstp = jnp.concatenate(
        [dst, jnp.full((pad,), N, jnp.int32)]).reshape(NW, G, C)

    agg1, cnt = _sc_agg_cnt(x, srcp, dstp)
    h = _tc_layer1(agg1, cnt, x, Wl1, bl1.reshape(1, D), Wr1)
    (agg2,) = _sc_agg(h, srcp, dstp)
    out = _tc_layer2(agg2, cnt, h, Wl2, bl2.reshape(1, D), Wr2)
    return out

# --- scband reference (transcript-rebuilt; emitter-appended) ---
"""Pipeline reference for scband-graph-sage-1133871366801 (READ-ONLY COPY).

The authoritative reference and input builder live on the scoring server;
editing this copy changes nothing except your own understanding.
"""

import jax, jax.numpy as jnp
import numpy as np

N = 10000
E = 320000
D_IN = 128
D_H = 128
D_OUT = 128


def setup_inputs(seed: int = 0) -> dict:
    key = jax.random.key(seed)
    ks = jax.random.split(key, 8)
    x = jax.random.normal(ks[0], (N, D_IN), dtype=jnp.float32)
    edge_index = jax.random.randint(ks[1], (2, E), 0, N, dtype=jnp.int32)
    s1 = 1.0 / np.sqrt(D_IN)
    s2 = 1.0 / np.sqrt(D_H)
    Wl1 = jax.random.normal(ks[2], (D_H, D_IN), dtype=jnp.float32) * s1
    bl1 = jnp.zeros((D_H,), dtype=jnp.float32)
    Wr1 = jax.random.normal(ks[3], (D_H, D_IN), dtype=jnp.float32) * s1
    Wl2 = jax.random.normal(ks[4], (D_OUT, D_H), dtype=jnp.float32) * s2
    bl2 = jnp.zeros((D_OUT,), dtype=jnp.float32)
    Wr2 = jax.random.normal(ks[5], (D_OUT, D_H), dtype=jnp.float32) * s2
    return {"x": x, "edge_index": edge_index, "Wl1": Wl1, "bl1": bl1, "Wr1": Wr1, "Wl2": Wl2, "bl2": bl2, "Wr2": Wr2}


def _sage_conv(x, edge_index, Wl, bl, Wr):
    # PyG-style SAGEConv with mean aggregation:
    #   out = lin_l(mean_{j in N(i)} x_j) + lin_r(x_i)
    src = edge_index[0]
    dst = edge_index[1]
    msg = jnp.take(x, src, axis=0)  # gather source node features per edge
    agg = jax.ops.segment_sum(msg, dst, num_segments=N)  # scatter-add to dst
    cnt = jax.ops.segment_sum(jnp.ones((edge_index.shape[1], 1), dtype=x.dtype), dst, num_segments=N)
    mean = agg / jnp.maximum(cnt, 1.0)
    return mean @ Wl.T + bl + x @ Wr.T


def reference(x, edge_index, Wl1, bl1, Wr1, Wl2, bl2, Wr2):
    h = _sage_conv(x, edge_index, Wl1, bl1, Wr1)
    h = jax.nn.relu(h)
    # dropout p=0.0 / eval mode -> identity
    out = _sage_conv(h, edge_index, Wl2, bl2, Wr2)
    # F.normalize(out, p=2, dim=1)
    norm = jnp.maximum(jnp.linalg.norm(out, axis=1, keepdims=True), 1e-12)
    return out / norm

if __name__ == "__main__":
    import jax
    _d = setup_inputs()
    print(jax.jit(kernel)(*tuple(_d.values())))

</pallas_src>

<mosaic_0001>
#map = affine_map<(d0, d1) -> (0, 0)>
#map1 = affine_map<(d0, d1) -> (0, 0, 0)>
module attributes {stable_mosaic.version = 14 : i64} {
  func.func @body(%arg0: i32, %arg1: i32, %arg2: memref<10000x128xf32, #tpu.memory_space<hbm>>, %arg3: memref<32x80x128xi32, #tpu.memory_space<hbm>>, %arg4: memref<32x80x128xi32, #tpu.memory_space<hbm>>, %arg5: memref<2x10112x128xf32, #tpu.memory_space<hbm>>, %arg6: memref<2x10112x16xf32, #tpu.memory_space<hbm>>, %arg7: memref<4x128xi32, #tpu.memory_space<vmem>>, %arg8: memref<4x128xi32, #tpu.memory_space<vmem>>, %arg9: memref<2x128x128xf32, #tpu.memory_space<vmem>>, %arg10: memref<128x16xf32, #tpu.memory_space<vmem>>, %arg11: memref<8x16xf32, #tpu.memory_space<vmem>>, %arg12: memref<10112x128xf32, #tpu.memory_space<vmem_shared>>, %arg13: memref<10112x16xf32, #tpu.memory_space<vmem_shared>>, %arg14: memref<4x!tpu.dma_semaphore, #tpu.memory_space<semaphore_mem>>, %arg15: memref<2x!tpu.dma_semaphore, #tpu.memory_space<semaphore_mem>>, %arg16: memref<2x!tpu.dma_semaphore, #tpu.memory_space<semaphore_mem>>) attributes {dimension_semantics = [#tpu.dimension_semantics<core_parallel>, #tpu.dimension_semantics<subcore_parallel>], iteration_bounds = array<i64: 2, 16>, scalar_prefetch = 0 : i64, scratch_operands = 10 : i64, tpu.core_type = #tpu.core_type<sc_vector_subcore>, window_params = [{transform_indices = #map}, {transform_indices = #map1}, {transform_indices = #map1}, {transform_indices = #map1}, {transform_indices = #map1}]} {
    %mul3A = arith.constant 16 : i32
    %mul3A_0 = arith.muli %arg0, %mul3A : i32
    %add3A = arith.addi %mul3A_0, %arg1 : i32
    %broadcast_in_dim3A = arith.constant 0.000000e+00 : f32
    %broadcast_in_dim3A_1 = vector.broadcast %broadcast_in_dim3A : f32 to vector<16xf32>
    %broadcast_in_dim3A_2 = arith.constant 1.000000e+00 : f32
    %broadcast_in_dim3A_3 = vector.broadcast %broadcast_in_dim3A_2 : f32 to vector<16xf32>
    %scan3A = arith.constant 0 : i32
    %scan3A_4 = arith.constant 0 : i32
    %scan3A_5 = arith.constant 128 : i32
    %scan3A_6 = arith.addi %scan3A_4, %scan3A_5 : i32
    %scan3A_7 = arith.constant 1 : i32
    %scan3A_8 = scf.for %scan3A_467 = %scan3A_4 to %scan3A_6 step %scan3A_7 iter_args(%scan3A_468 = %scan3A) -> (i32)  : i32 {
      %swap3A_469 = arith.constant 0 : i32
      %swap3A_470 = arith.index_cast %swap3A_469 : i32 to index
      %swap3A_471 = arith.index_cast %scan3A_467 : i32 to index
      %swap3A_472 = arith.constant 0 : index
      %swap3A_473 = tpu.vector_load %arg9[%swap3A_470, %swap3A_471, %swap3A_472] {strides = array<i32>} : memref<2x128x128xf32, #tpu.memory_space<vmem>>, vector<1x1x16xf32>,
      %swap3A_474 = vector.shape_cast %swap3A_473 : vector<1x1x16xf32> to vector<16xf32>
      %swap3A_475 = vector.shape_cast %broadcast_in_dim3A_1 : vector<16xf32> to vector<1x1x16xf32>
      tpu.vector_store %arg9[%swap3A_470, %swap3A_471, %swap3A_472], %swap3A_475 {strides = array<i32>} : memref<2x128x128xf32, #tpu.memory_space<vmem>>, vector<1x1x16xf32>,
      %swap3A_476 = arith.constant 0 : i32
      %swap3A_477 = arith.index_cast %swap3A_476 : i32 to index
      %swap3A_478 = arith.index_cast %scan3A_467 : i32 to index
      %swap3A_479 = arith.constant 16 : index
      %swap3A_480 = tpu.vector_load %arg9[%swap3A_477, %swap3A_478, %swap3A_479] {strides = array<i32>} : memref<2x128x128xf32, #tpu.memory_space<vmem>>, vector<1x1x16xf32>,
      %swap3A_481 = vector.shape_cast %swap3A_480 : vector<1x1x16xf32> to vector<16xf32>
      %swap3A_482 = vector.shape_cast %broadcast_in_dim3A_1 : vector<16xf32> to vector<1x1x16xf32>
      tpu.vector_store %arg9[%swap3A_477, %swap3A_478, %swap3A_479], %swap3A_482 {strides = array<i32>} : memref<2x128x128xf32, #tpu.memory_space<vmem>>, vector<1x1x16xf32>,
      %swap3A_483 = arith.constant 0 : i32
      %swap3A_484 = arith.index_cast %swap3A_483 : i32 to index
      %swap3A_485 = arith.index_cast %scan3A_467 : i32 to index
      %swap3A_486 = arith.constant 32 : index
      %swap3A_487 = tpu.vector_load %arg9[%swap3A_484, %swap3A_485, %swap3A_486] {strides = array<i32>} : memref<2x128x128xf32, #tpu.memory_space<vmem>>, vector<1x1x16xf32>,
      %swap3A_488 = vector.shape_cast %swap3A_487 : vector<1x1x16xf32> to vector<16xf32>
      %swap3A_489 = vector.shape_cast %broadcast_in_dim3A_1 : vector<16xf32> to vector<1x1x16xf32>
      tpu.vector_store %arg9[%swap3A_484, %swap3A_485, %swap3A_486], %swap3A_489 {strides = array<i32>} : memref<2x128x128xf32, #tpu.memory_space<vmem>>, vector<1x1x16xf32>,
      %swap3A_490 = arith.constant 0 : i32
      %swap3A_491 = arith.index_cast %swap3A_490 : i32 to index
      %swap3A_492 = arith.index_cast %scan3A_467 : i32 to index
      %swap3A_493 = arith.constant 48 : index
      %swap3A_494 = tpu.vector_load %arg9[%swap3A_491, %swap3A_492, %swap3A_493] {strides = array<i32>} : memref<2x128x128xf32, #tpu.memory_space<vmem>>, vector<1x1x16xf32>,
      %swap3A_495 = vector.shape_cast %swap3A_494 : vector<1x1x16xf32> to vector<16xf32>
      %swap3A_496 = vector.shape_cast %broadcast_in_dim3A_1 : vector<16xf32> to vector<1x1x16xf32>
      tpu.vector_store %arg9[%swap3A_491, %swap3A_492, %swap3A_493], %swap3A_496 {strides = array<i32>} : memref<2x128x128xf32, #tpu.memory_space<vmem>>, vector<1x1x16xf32>,
      %swap3A_497 = arith.constant 0 : i32
      %swap3A_498 = arith.index_cast %swap3A_497 : i32 to index
      %swap3A_499 = arith.index_cast %scan3A_467 : i32 to index
      %swap3A_500 = arith.constant 64 : index
      %swap3A_501 = tpu.vector_load %arg9[%swap3A_498, %swap3A_499, %swap3A_500] {strides = array<i32>} : memref<2x128x128xf32, #tpu.memory_space<vmem>>, vector<1x1x16xf32>,
      %swap3A_502 = vector.shape_cast %swap3A_501 : vector<1x1x16xf32> to vector<16xf32>
      %swap3A_503 = vector.shape_cast %broadcast_in_dim3A_1 : vector<16xf32> to vector<1x1x16xf32>
      tpu.vector_store %arg9[%swap3A_498, %swap3A_499, %swap3A_500], %swap3A_503 {strides = array<i32>} : memref<2x128x128xf32, #tpu.memory_space<vmem>>, vector<1x1x16xf32>,
      %swap3A_504 = arith.constant 0 : i32
      %swap3A_505 = arith.index_cast %swap3A_504 : i32 to index
      %swap3A_506 = arith.index_cast %scan3A_467 : i32 to index
      %swap3A_507 = arith.constant 80 : index
      %swap3A_508 = tpu.vector_load %arg9[%swap3A_505, %swap3A_506, %swap3A_507] {strides = array<i32>} : memref<2x128x128xf32, #tpu.memory_space<vmem>>, vector<1x1x16xf32>,
      %swap3A_509 = vector.shape_cast %swap3A_508 : vector<1x1x16xf32> to vector<16xf32>
      %swap3A_510 = vector.shape_cast %broadcast_in_dim3A_1 : vector<16xf32> to vector<1x1x16xf32>
      tpu.vector_store %arg9[%swap3A_505, %swap3A_506, %swap3A_507], %swap3A_510 {strides = array<i32>} : memref<2x128x128xf32, #tpu.memory_space<vmem>>, vector<1x1x16xf32>,
      %swap3A_511 = arith.constant 0 : i32
      %swap3A_512 = arith.index_cast %swap3A_511 : i32 to index
      %swap3A_513 = arith.index_cast %scan3A_467 : i32 to index
      %swap3A_514 = arith.constant 96 : index
      %swap3A_515 = tpu.vector_load %arg9[%swap3A_512, %swap3A_513, %swap3A_514] {strides = array<i32>} : memref<2x128x128xf32, #tpu.memory_space<vmem>>, vector<1x1x16xf32>,
      %swap3A_516 = vector.shape_cast %swap3A_515 : vector<1x1x16xf32> to vector<16xf32>
      %swap3A_517 = vector.shape_cast %broadcast_in_dim3A_1 : vector<16xf32> to vector<1x1x16xf32>
      tpu.vector_store %arg9[%swap3A_512, %swap3A_513, %swap3A_514], %swap3A_517 {strides = array<i32>} : memref<2x128x128xf32, #tpu.memory_space<vmem>>, vector<1x1x16xf32>,
      %swap3A_518 = arith.constant 0 : i32
      %swap3A_519 = arith.index_cast %swap3A_518 : i32 to index
      %swap3A_520 = arith.index_cast %scan3A_467 : i32 to index
      %swap3A_521 = arith.constant 112 : index
      %swap3A_522 = tpu.vector_load %arg9[%swap3A_519, %swap3A_520, %swap3A_521] {strides = array<i32>} : memref<2x128x128xf32, #tpu.memory_space<vmem>>, vector<1x1x16xf32>,
      %swap3A_523 = vector.shape_cast %swap3A_522 : vector<1x1x16xf32> to vector<16xf32>
      %swap3A_524 = vector.shape_cast %broadcast_in_dim3A_1 : vector<16xf32> to vector<1x1x16xf32>
      tpu.vector_store %arg9[%swap3A_519, %swap3A_520, %swap3A_521], %swap3A_524 {strides = array<i32>} : memref<2x128x128xf32, #tpu.memory_space<vmem>>, vector<1x1x16xf32>,
      %scan3A_525 = arith.constant 0 : i32
      scf.yield %scan3A_525 : i32
    }
    %scan3A_9 = arith.constant 128 : i32
    %scan3A_10 = arith.constant 0 : i32
    %scan3A_11 = arith.constant 0 : i32
    %scan3A_12 = arith.constant 128 : i32
    %scan3A_13 = arith.addi %scan3A_11, %scan3A_12 : i32
    %scan3A_14 = arith.constant 1 : i32
    %scan3A_15 = scf.for %scan3A_467 = %scan3A_11 to %scan3A_13 step %scan3A_14 iter_args(%scan3A_468 = %scan3A_10) -> (i32)  : i32 {
      %swap3A_469 = arith.index_cast %scan3A_467 : i32 to index
      %swap3A_470 = arith.constant 0 : index
      %swap3A_471 = tpu.vector_load %arg10[%swap3A_469, %swap3A_470] {strides = array<i32>} : memref<128x16xf32, #tpu.memory_space<vmem>>, vector<1x16xf32>,
      %swap3A_472 = vector.shape_cast %swap3A_471 : vector<1x16xf32> to vector<16xf32>
      %swap3A_473 = vector.shape_cast %broadcast_in_dim3A_3 : vector<16xf32> to vector<1x16xf32>
      tpu.vector_store %arg10[%swap3A_469, %swap3A_470], %swap3A_473 {strides = array<i32>} : memref<128x16xf32, #tpu.memory_space<vmem>>, vector<1x16xf32>,
      %scan3A_474 = arith.constant 0 : i32
      scf.yield %scan3A_474 : i32
    }
    %scan3A_16 = arith.constant 128 : i32
    %swap3A = arith.constant 0 : i32
    %swap3A_17 = arith.index_cast %swap3A : i32 to index
    %swap3A_18 = arith.constant 0 : index
    %swap3A_19 = tpu.vector_load %arg11[%swap3A_17, %swap3A_18] {strides = array<i32>} : memref<8x16xf32, #tpu.memory_space<vmem>>, vector<1x16xf32>,
    %swap3A_20 = vector.shape_cast %swap3A_19 : vector<1x16xf32> to vector<16xf32>
    %swap3A_21 = vector.shape_cast %broadcast_in_dim3A_1 : vector<16xf32> to vector<1x16xf32>
    tpu.vector_store %arg11[%swap3A_17, %swap3A_18], %swap3A_21 {strides = array<i32>} : memref<8x16xf32, #tpu.memory_space<vmem>>, vector<1x16xf32>,
    %swap3A_22 = arith.constant 1 : i32
    %swap3A_23 = arith.index_cast %swap3A_22 : i32 to index
    %swap3A_24 = arith.constant 0 : index
    %swap3A_25 = tpu.vector_load %arg11[%swap3A_23, %swap3A_24] {strides = array<i32>} : memref<8x16xf32, #tpu.memory_space<vmem>>, vector<1x16xf32>,
    %swap3A_26 = vector.shape_cast %swap3A_25 : vector<1x16xf32> to vector<16xf32>
    %swap3A_27 = vector.shape_cast %broadcast_in_dim3A_1 : vector<16xf32> to vector<1x16xf32>
    tpu.vector_store %arg11[%swap3A_23, %swap3A_24], %swap3A_27 {strides = array<i32>} : memref<8x16xf32, #tpu.memory_space<vmem>>, vector<1x16xf32>,
    %swap3A_28 = arith.constant 2 : i32
    %swap3A_29 = arith.index_cast %swap3A_28 : i32 to index
    %swap3A_30 = arith.constant 0 : index
    %swap3A_31 = tpu.vector_load %arg11[%swap3A_29, %swap3A_30] {strides = array<i32>} : memref<8x16xf32, #tpu.memory_space<vmem>>, vector<1x16xf32>,
    %swap3A_32 = vector.shape_cast %swap3A_31 : vector<1x16xf32> to vector<16xf32>
    %swap3A_33 = vector.shape_cast %broadcast_in_dim3A_1 : vector<16xf32> to vector<1x16xf32>
    tpu.vector_store %arg11[%swap3A_29, %swap3A_30], %swap3A_33 {strides = array<i32>} : memref<8x16xf32, #tpu.memory_space<vmem>>, vector<1x16xf32>,
    %swap3A_34 = arith.constant 3 : i32
    %swap3A_35 = arith.index_cast %swap3A_34 : i32 to index
    %swap3A_36 = arith.constant 0 : index
    %swap3A_37 = tpu.vector_load %arg11[%swap3A_35, %swap3A_36] {strides = array<i32>} : memref<8x16xf32, #tpu.memory_space<vmem>>, vector<1x16xf32>,
    %swap3A_38 = vector.shape_cast %swap3A_37 : vector<1x16xf32> to vector<16xf32>
    %swap3A_39 = vector.shape_cast %broadcast_in_dim3A_1 : vector<16xf32> to vector<1x16xf32>
    tpu.vector_store %arg11[%swap3A_35, %swap3A_36], %swap3A_39 {strides = array<i32>} : memref<8x16xf32, #tpu.memory_space<vmem>>, vector<1x16xf32>,
    %swap3A_40 = arith.constant 4 : i32
    %swap3A_41 = arith.index_cast %swap3A_40 : i32 to index
    %swap3A_42 = arith.constant 0 : index
    %swap3A_43 = tpu.vector_load %arg11[%swap3A_41, %swap3A_42] {strides = array<i32>} : memref<8x16xf32, #tpu.memory_space<vmem>>, vector<1x16xf32>,
    %swap3A_44 = vector.shape_cast %swap3A_43 : vector<1x16xf32> to vector<16xf32>
    %swap3A_45 = vector.shape_cast %broadcast_in_dim3A_1 : vector<16xf32> to vector<1x16xf32>
    tpu.vector_store %arg11[%swap3A_41, %swap3A_42], %swap3A_45 {strides = array<i32>} : memref<8x16xf32, #tpu.memory_space<vmem>>, vector<1x16xf32>,
    %swap3A_46 = arith.constant 5 : i32
    %swap3A_47 = arith.index_cast %swap3A_46 : i32 to index
    %swap3A_48 = arith.constant 0 : index
    %swap3A_49 = tpu.vector_load %arg11[%swap3A_47, %swap3A_48] {strides = array<i32>} : memref<8x16xf32, #tpu.memory_space<vmem>>, vector<1x16xf32>,
    %swap3A_50 = vector.shape_cast %swap3A_49 : vector<1x16xf32> to vector<16xf32>
    %swap3A_51 = vector.shape_cast %broadcast_in_dim3A_1 : vector<16xf32> to vector<1x16xf32>
    tpu.vector_store %arg11[%swap3A_47, %swap3A_48], %swap3A_51 {strides = array<i32>} : memref<8x16xf32, #tpu.memory_space<vmem>>, vector<1x16xf32>,
    %swap3A_52 = arith.constant 6 : i32
    %swap3A_53 = arith.index_cast %swap3A_52 : i32 to index
    %swap3A_54 = arith.constant 0 : index
    %swap3A_55 = tpu.vector_load %arg11[%swap3A_53, %swap3A_54] {strides = array<i32>} : memref<8x16xf32, #tpu.memory_space<vmem>>, vector<1x16xf32>,
    %swap3A_56 = vector.shape_cast %swap3A_55 : vector<1x16xf32> to vector<16xf32>
    %swap3A_57 = vector.shape_cast %broadcast_in_dim3A_1 : vector<16xf32> to vector<1x16xf32>
    tpu.vector_store %arg11[%swap3A_53, %swap3A_54], %swap3A_57 {strides = array<i32>} : memref<8x16xf32, #tpu.memory_space<vmem>>, vector<1x16xf32>,
    %swap3A_58 = arith.constant 7 : i32
    %swap3A_59 = arith.index_cast %swap3A_58 : i32 to index
    %swap3A_60 = arith.constant 0 : index
    %swap3A_61 = tpu.vector_load %arg11[%swap3A_59, %swap3A_60] {strides = array<i32>} : memref<8x16xf32, #tpu.memory_space<vmem>>, vector<1x16xf32>,
    %swap3A_62 = vector.shape_cast %swap3A_61 : vector<1x16xf32> to vector<16xf32>
    %swap3A_63 = vector.shape_cast %broadcast_in_dim3A_1 : vector<16xf32> to vector<1x16xf32>
    tpu.vector_store %arg11[%swap3A_59, %swap3A_60], %swap3A_63 {strides = array<i32>} : memref<8x16xf32, #tpu.memory_space<vmem>>, vector<1x16xf32>,
    %mul3A_64 = arith.constant 632 : i32
    %mul3A_65 = arith.muli %arg1, %mul3A_64 : i32
    %add3A_66 = arith.constant 0 : i32
    %add3A_67 = arith.addi %mul3A_65, %add3A_66 : i32
    %run_scoped3A = arith.constant 0 : i32
    "tpu.region"() ({
      %run_scoped3A_467 = tpu.sem_alloc : memref<!tpu.dma_semaphore, #tpu.memory_space<semaphore_mem>>
      %dma_start3A_468 = arith.constant 0 : i32
      %dma_start3A_469 = arith.constant 0 : i32
      %dma_start3A_470 = tpu.memref_slice %arg9[%run_scoped3A, %dma_start3A_468, %dma_start3A_469] : memref<2x128x128xf32, #tpu.memory_space<vmem>> -> memref<1x128x128xf32, #tpu.memory_space<vmem>>
      %dma_start3A_471 = tpu.memref_squeeze %dma_start3A_470 : memref<1x128x128xf32, #tpu.memory_space<vmem>> -> memref<128x128xf32, #tpu.memory_space<vmem>>
      %dma_start3A_472 = arith.constant 0 : i32
      %dma_start3A_473 = tpu.memref_slice %arg12[%add3A_67, %dma_start3A_472] : memref<10112x128xf32, #tpu.memory_space<vmem_shared>> -> memref<128x128xf32, #tpu.memory_space<vmem_shared>>
      %dma_start3A_474 = arith.constant 0 : i32
      %dma_start3A_475 = tpu.memref_slice %arg12[%add3A_67, %dma_start3A_474] : memref<10112x128xf32, #tpu.memory_space<vmem_shared>> -> memref<128x128xf32, #tpu.memory_space<vmem_shared>>
      %dma_start3A_476 = arith.constant 0 : i32
      %dma_start3A_477 = arith.constant 0 : i32
      %dma_start3A_478 = tpu.memref_slice %arg9[%run_scoped3A, %dma_start3A_476, %dma_start3A_477] : memref<2x128x128xf32, #tpu.memory_space<vmem>> -> memref<1x128x128xf32, #tpu.memory_space<vmem>>
      %dma_start3A_479 = tpu.memref_squeeze %dma_start3A_478 : memref<1x128x128xf32, #tpu.memory_space<vmem>> -> memref<128x128xf32, #tpu.memory_space<vmem>>
      tpu.enqueue_dma source(%dma_start3A_479 : memref<128x128xf32, #tpu.memory_space<vmem>>) target(%dma_start3A_475 : memref<128x128xf32, #tpu.memory_space<vmem_shared>>) target_semaphore(%run_scoped3A_467 : memref<!tpu.dma_semaphore, #tpu.memory_space<semaphore_mem>>)
      %dma_wait3A_480 = arith.constant 0 : i32
      %dma_wait3A_481 = arith.constant 0 : i32
      %dma_wait3A_482 = tpu.memref_slice %arg9[%run_scoped3A, %dma_wait3A_480, %dma_wait3A_481] : memref<2x128x128xf32, #tpu.memory_space<vmem>> -> memref<1x128x128xf32, #tpu.memory_space<vmem>>
      %dma_wait3A_483 = tpu.memref_squeeze %dma_wait3A_482 : memref<1x128x128xf32, #tpu.memory_space<vmem>> -> memref<128x128xf32, #tpu.memory_space<vmem>>
      %dma_wait3A_484 = arith.constant 0 : i32
      %dma_wait3A_485 = tpu.memref_slice %arg12[%add3A_67, %dma_wait3A_484] : memref<10112x128xf32, #tpu.memory_space<vmem_shared>> -> memref<128x128xf32, #tpu.memory_space<vmem_shared>>
      %dma_wait3A_486 = arith.constant 0 : i32
      %dma_wait3A_487 = tpu.memref_slice %arg12[%add3A_67, %dma_wait3A_486] : memref<10112x128xf32, #tpu.memory_space<vmem_shared>> -> memref<128x128xf32, #tpu.memory_space<vmem_shared>>
      %dma_wait3A_488 = arith.constant 0 : i32
      %dma_wait3A_489 = arith.constant 0 : i32
      %dma_wait3A_490 = tpu.memref_slice %arg9[%run_scoped3A, %dma_wait3A_488, %dma_wait3A_489] : memref<2x128x128xf32, #tpu.memory_space<vmem>> -> memref<1x128x128xf32, #tpu.memory_space<vmem>>
      %dma_wait3A_491 = tpu.memref_squeeze %dma_wait3A_490 : memref<1x128x128xf32, #tpu.memory_space<vmem>> -> memref<128x128xf32, #tpu.memory_space<vmem>>
      tpu.wait_dma2 semaphore(%run_scoped3A_467 : memref<!tpu.dma_semaphore, #tpu.memory_space<semaphore_mem>>) src(%dma_wait3A_491 : memref<128x128xf32, #tpu.memory_space<vmem>>) dst(%dma_wait3A_487 : memref<128x128xf32, #tpu.memory_space<vmem_shared>>)
      tpu.yield
    }) : () -> ()
    %add3A_68 = arith.constant 128 : i32
    %add3A_69 = arith.addi %mul3A_65, %add3A_68 : i32
    %run_scoped3A_70 = arith.constant 0 : i32
    "tpu.region"() ({
      %run_scoped3A_467 = tpu.sem_alloc : memref<!tpu.dma_semaphore, #tpu.memory_space<semaphore_mem>>
      %dma_start3A_468 = arith.constant 0 : i32
      %dma_start3A_469 = arith.constant 0 : i32
      %dma_start3A_470 = tpu.memref_slice %arg9[%run_scoped3A_70, %dma_start3A_468, %dma_start3A_469] : memref<2x128x128xf32, #tpu.memory_space<vmem>> -> memref<1x128x128xf32, #tpu.memory_space<vmem>>
      %dma_start3A_471 = tpu.memref_squeeze %dma_start3A_470 : memref<1x128x128xf32, #tpu.memory_space<vmem>> -> memref<128x128xf32, #tpu.memory_space<vmem>>
      %dma_start3A_472 = arith.constant 0 : i32
      %dma_start3A_473 = tpu.memref_slice %arg12[%add3A_69, %dma_start3A_472] : memref<10112x128xf32, #tpu.memory_space<vmem_shared>> -> memref<128x128xf32, #tpu.memory_space<vmem_shared>>
      %dma_start3A_474 = arith.constant 0 : i32
      %dma_start3A_475 = tpu.memref_slice %arg12[%add3A_69, %dma_start3A_474] : memref<10112x128xf32, #tpu.memory_space<vmem_shared>> -> memref<128x128xf32, #tpu.memory_space<vmem_shared>>
      %dma_start3A_476 = arith.constant 0 : i32
      %dma_start3A_477 = arith.constant 0 : i32
      %dma_start3A_478 = tpu.memref_slice %arg9[%run_scoped3A_70, %dma_start3A_476, %dma_start3A_477] : memref<2x128x128xf32, #tpu.memory_space<vmem>> -> memref<1x128x128xf32, #tpu.memory_space<vmem>>
      %dma_start3A_479 = tpu.memref_squeeze %dma_start3A_478 : memref<1x128x128xf32, #tpu.memory_space<vmem>> -> memref<128x128xf32, #tpu.memory_space<vmem>>
      tpu.enqueue_dma source(%dma_start3A_479 : memref<128x128xf32, #tpu.memory_space<vmem>>) target(%dma_start3A_475 : memref<128x128xf32, #tpu.memory_space<vmem_shared>>) target_semaphore(%run_scoped3A_467 : memref<!tpu.dma_semaphore, #tpu.memory_space<semaphore_mem>>)
      %dma_wait3A_480 = arith.constant 0 : i32
      %dma_wait3A_481 = arith.constant 0 : i32
      %dma_wait3A_482 = tpu.memref_slice %arg9[%run_scoped3A_70, %dma_wait3A_480, %dma_wait3A_481] : memref<2x128x128xf32, #tpu.memory_space<vmem>> -> memref<1x128x128xf32, #tpu.memory_space<vmem>>
      %dma_wait3A_483 = tpu.memref_squeeze %dma_wait3A_482 : memref<1x128x128xf32, #tpu.memory_space<vmem>> -> memref<128x128xf32, #tpu.memory_space<vmem>>
      %dma_wait3A_484 = arith.constant 0 : i32
      %dma_wait3A_485 = tpu.memref_slice %arg12[%add3A_69, %dma_wait3A_484] : memref<10112x128xf32, #tpu.memory_space<vmem_shared>> -> memref<128x128xf32, #tpu.memory_space<vmem_shared>>
      %dma_wait3A_486 = arith.constant 0 : i32
      %dma_wait3A_487 = tpu.memref_slice %arg12[%add3A_69, %dma_wait3A_486] : memref<10112x128xf32, #tpu.memory_space<vmem_shared>> -> memref<128x128xf32, #tpu.memory_space<vmem_shared>>
      %dma_wait3A_488 = arith.constant 0 : i32
      %dma_wait3A_489 = arith.constant 0 : i32
      %dma_wait3A_490 = tpu.memref_slice %arg9[%run_scoped3A_70, %dma_wait3A_488, %dma_wait3A_489] : memref<2x128x128xf32, #tpu.memory_space<vmem>> -> memref<1x128x128xf32, #tpu.memory_space<vmem>>
      %dma_wait3A_491 = tpu.memref_squeeze %dma_wait3A_490 : memref<1x128x128xf32, #tpu.memory_space<vmem>> -> memref<128x128xf32, #tpu.memory_space<vmem>>
      tpu.wait_dma2 semaphore(%run_scoped3A_467 : memref<!tpu.dma_semaphore, #tpu.memory_space<semaphore_mem>>) src(%dma_wait3A_491 : memref<128x128xf32, #tpu.memory_space<vmem>>) dst(%dma_wait3A_487 : memref<128x128xf32, #tpu.memory_space<vmem_shared>>)
      tpu.yield
    }) : () -> ()
    %add3A_71 = arith.constant 256 : i32
    %add3A_72 = arith.addi %mul3A_65, %add3A_71 : i32
    %run_scoped3A_73 = arith.constant 0 : i32
    "tpu.region"() ({
      %run_scoped3A_467 = tpu.sem_alloc : memref<!tpu.dma_semaphore, #tpu.memory_space<semaphore_mem>>
      %dma_start3A_468 = arith.constant 0 : i32
      %dma_start3A_469 = arith.constant 0 : i32
      %dma_start3A_470 = tpu.memref_slice %arg9[%run_scoped3A_73, %dma_start3A_468, %dma_start3A_469] : memref<2x128x128xf32, #tpu.memory_space<vmem>> -> memref<1x128x128xf32, #tpu.memory_space<vmem>>
      %dma_start3A_471 = tpu.memref_squeeze %dma_start3A_470 : memref<1x128x128xf32, #tpu.memory_space<vmem>> -> memref<128x128xf32, #tpu.memory_space<vmem>>
      %dma_start3A_472 = arith.constant 0 : i32
      %dma_start3A_473 = tpu.memref_slice %arg12[%add3A_72, %dma_start3A_472] : memref<10112x128xf32, #tpu.memory_space<vmem_shared>> -> memref<128x128xf32, #tpu.memory_space<vmem_shared>>
      %dma_start3A_474 = arith.constant 0 : i32
      %dma_start3A_475 = tpu.memref_slice %arg12[%add3A_72, %dma_start3A_474] : memref<10112x128xf32, #tpu.memory_space<vmem_shared>> -> memref<128x128xf32, #tpu.memory_space<vmem_shared>>
      %dma_start3A_476 = arith.constant 0 : i32
      %dma_start3A_477 = arith.constant 0 : i32
      %dma_start3A_478 = tpu.memref_slice %arg9[%run_scoped3A_73, %dma_start3A_476, %dma_start3A_477] : memref<2x128x128xf32, #tpu.memory_space<vmem>> -> memref<1x128x128xf32, #tpu.memory_space<vmem>>
      %dma_start3A_479 = tpu.memref_squeeze %dma_start3A_478 : memref<1x128x128xf32, #tpu.memory_space<vmem>> -> memref<128x128xf32, #tpu.memory_space<vmem>>
      tpu.enqueue_dma source(%dma_start3A_479 : memref<128x128xf32, #tpu.memory_space<vmem>>) target(%dma_start3A_475 : memref<128x128xf32, #tpu.memory_space<vmem_shared>>) target_semaphore(%run_scoped3A_467 : memref<!tpu.dma_semaphore, #tpu.memory_space<semaphore_mem>>)
      %dma_wait3A_480 = arith.constant 0 : i32
      %dma_wait3A_481 = arith.constant 0 : i32
      %dma_wait3A_482 = tpu.memref_slice %arg9[%run_scoped3A_73, %dma_wait3A_480, %dma_wait3A_481] : memref<2x128x128xf32, #tpu.memory_space<vmem>> -> memref<1x128x128xf32, #tpu.memory_space<vmem>>
      %dma_wait3A_483 = tpu.memref_squeeze %dma_wait3A_482 : memref<1x128x128xf32, #tpu.memory_space<vmem>> -> memref<128x128xf32, #tpu.memory_space<vmem>>
      %dma_wait3A_484 = arith.constant 0 : i32
      %dma_wait3A_485 = tpu.memref_slice %arg12[%add3A_72, %dma_wait3A_484] : memref<10112x128xf32, #tpu.memory_space<vmem_shared>> -> memref<128x128xf32, #tpu.memory_space<vmem_shared>>
      %dma_wait3A_486 = arith.constant 0 : i32
      %dma_wait3A_487 = tpu.memref_slice %arg12[%add3A_72, %dma_wait3A_486] : memref<10112x128xf32, #tpu.memory_space<vmem_shared>> -> memref<128x128xf32, #tpu.memory_space<vmem_shared>>
      %dma_wait3A_488 = arith.constant 0 : i32
      %dma_wait3A_489 = arith.constant 0 : i32
      %dma_wait3A_490 = tpu.memref_slice %arg9[%run_scoped3A_73, %dma_wait3A_488, %dma_wait3A_489] : memref<2x128x128xf32, #tpu.memory_space<vmem>> -> memref<1x128x128xf32, #tpu.memory_space<vmem>>
      %dma_wait3A_491 = tpu.memref_squeeze %dma_wait3A_490 : memref<1x128x128xf32, #tpu.memory_space<vmem>> -> memref<128x128xf32, #tpu.memory_space<vmem>>
      tpu.wait_dma2 semaphore(%run_scoped3A_467 : memref<!tpu.dma_semaphore, #tpu.memory_space<semaphore_mem>>) src(%dma_wait3A_491 : memref<128x128xf32, #tpu.memory_space<vmem>>) dst(%dma_wait3A_487 : memref<128x128xf32, #tpu.memory_space<vmem_shared>>)
      tpu.yield
    }) : () -> ()
    %add3A_74 = arith.constant 384 : i32
    %add3A_75 = arith.addi %mul3A_65, %add3A_74 : i32
    %run_scoped3A_76 = arith.constant 0 : i32
    "tpu.region"() ({
      %run_scoped3A_467 = tpu.sem_alloc : memref<!tpu.dma_semaphore, #tpu.memory_space<semaphore_mem>>
      %dma_start3A_468 = arith.constant 0 : i32
      %dma_start3A_469 = arith.constant 0 : i32
      %dma_start3A_470 = tpu.memref_slice %arg9[%run_scoped3A_76, %dma_start3A_468, %dma_start3A_469] : memref<2x128x128xf32, #tpu.memory_space<vmem>> -> memref<1x128x128xf32, #tpu.memory_space<vmem>>
      %dma_start3A_471 = tpu.memref_squeeze %dma_start3A_470 : memref<1x128x128xf32, #tpu.memory_space<vmem>> -> memref<128x128xf32, #tpu.memory_space<vmem>>
      %dma_start3A_472 = arith.constant 0 : i32
      %dma_start3A_473 = tpu.memref_slice %arg12[%add3A_75, %dma_start3A_472] : memref<10112x128xf32, #tpu.memory_space<vmem_shared>> -> memref<128x128xf32, #tpu.memory_space<vmem_shared>>
      %dma_start3A_474 = arith.constant 0 : i32
      %dma_start3A_475 = tpu.memref_slice %arg12[%add3A_75, %dma_start3A_474] : memref<10112x128xf32, #tpu.memory_space<vmem_shared>> -> memref<128x128xf32, #tpu.memory_space<vmem_shared>>
      %dma_start3A_476 = arith.constant 0 : i32
      %dma_start3A_477 = arith.constant 0 : i32
      %dma_start3A_478 = tpu.memref_slice %arg9[%run_scoped3A_76, %dma_start3A_476, %dma_start3A_477] : memref<2x128x128xf32, #tpu.memory_space<vmem>> -> memref<1x128x128xf32, #tpu.memory_space<vmem>>
      %dma_start3A_479 = tpu.memref_squeeze %dma_start3A_478 : memref<1x128x128xf32, #tpu.memory_space<vmem>> -> memref<128x128xf32, #tpu.memory_space<vmem>>
      tpu.enqueue_dma source(%dma_start3A_479 : memref<128x128xf32, #tpu.memory_space<vmem>>) target(%dma_start3A_475 : memref<128x128xf32, #tpu.memory_space<vmem_shared>>) target_semaphore(%run_scoped3A_467 : memref<!tpu.dma_semaphore, #tpu.memory_space<semaphore_mem>>)
      %dma_wait3A_480 = arith.constant 0 : i32
      %dma_wait3A_481 = arith.constant 0 : i32
      %dma_wait3A_482 = tpu.memref_slice %arg9[%run_scoped3A_76, %dma_wait3A_480, %dma_wait3A_481] : memref<2x128x128xf32, #tpu.memory_space<vmem>> -> memref<1x128x128xf32, #tpu.memory_space<vmem>>
      %dma_wait3A_483 = tpu.memref_squeeze %dma_wait3A_482 : memref<1x128x128xf32, #tpu.memory_space<vmem>> -> memref<128x128xf32, #tpu.memory_space<vmem>>
      %dma_wait3A_484 = arith.constant 0 : i32
      %dma_wait3A_485 = tpu.memref_slice %arg12[%add3A_75, %dma_wait3A_484] : memref<10112x128xf32, #tpu.memory_space<vmem_shared>> -> memref<128x128xf32, #tpu.memory_space<vmem_shared>>
      %dma_wait3A_486 = arith.constant 0 : i32
      %dma_wait3A_487 = tpu.memref_slice %arg12[%add3A_75, %dma_wait3A_486] : memref<10112x128xf32, #tpu.memory_space<vmem_shared>> -> memref<128x128xf32, #tpu.memory_space<vmem_shared>>
      %dma_wait3A_488 = arith.constant 0 : i32
      %dma_wait3A_489 = arith.constant 0 : i32
      %dma_wait3A_490 = tpu.memref_slice %arg9[%run_scoped3A_76, %dma_wait3A_488, %dma_wait3A_489] : memref<2x128x128xf32, #tpu.memory_space<vmem>> -> memref<1x128x128xf32, #tpu.memory_space<vmem>>
      %dma_wait3A_491 = tpu.memref_squeeze %dma_wait3A_490 : memref<1x128x128xf32, #tpu.memory_space<vmem>> -> memref<128x128xf32, #tpu.memory_space<vmem>>
      tpu.wait_dma2 semaphore(%run_scoped3A_467 : memref<!tpu.dma_semaphore, #tpu.memory_space<semaphore_mem>>) src(%dma_wait3A_491 : memref<128x128xf32, #tpu.memory_space<vmem>>) dst(%dma_wait3A_487 : memref<128x128xf32, #tpu.memory_space<vmem_shared>>)
      tpu.yield
    }) : () -> ()
    %add3A_77 = arith.constant 512 : i32
    %add3A_78 = arith.addi %mul3A_65, %add3A_77 : i32
    %run_scoped3A_79 = arith.constant 0 : i32
    "tpu.region"() ({
      %run_scoped3A_467 = tpu.sem_alloc : memref<!tpu.dma_semaphore, #tpu.memory_space<semaphore_mem>>
      %dma_start3A_468 = arith.constant 0 : i32
      %dma_start3A_469 = arith.constant 0 : i32
      %dma_start3A_470 = tpu.memref_slice %arg9[%run_scoped3A_79, %dma_start3A_468, %dma_start3A_469] : memref<2x128x128xf32, #tpu.memory_space<vmem>> -> memref<1x120x128xf32, #tpu.memory_space<vmem>>
      %dma_start3A_471 = tpu.memref_squeeze %dma_start3A_470 : memref<1x120x128xf32, #tpu.memory_space<vmem>> -> memref<120x128xf32, #tpu.memory_space<vmem>>
      %dma_start3A_472 = arith.constant 0 : i32
      %dma_start3A_473 = tpu.memref_slice %arg12[%add3A_78, %dma_start3A_472] : memref<10112x128xf32, #tpu.memory_space<vmem_shared>> -> memref<120x128xf32, #tpu.memory_space<vmem_shared>>
      %dma_start3A_474 = arith.constant 0 : i32
      %dma_start3A_475 = tpu.memref_slice %arg12[%add3A_78, %dma_start3A_474] : memref<10112x128xf32, #tpu.memory_space<vmem_shared>> -> memref<120x128xf32, #tpu.memory_space<vmem_shared>>
      %dma_start3A_476 = arith.constant 0 : i32
      %dma_start3A_477 = arith.constant 0 : i32
      %dma_start3A_478 = tpu.memref_slice %arg9[%run_scoped3A_79, %dma_start3A_476, %dma_start3A_477] : memref<2x128x128xf32, #tpu.memory_space<vmem>> -> memref<1x120x128xf32, #tpu.memory_space<vmem>>
      %dma_start3A_479 = tpu.memref_squeeze %dma_start3A_478 : memref<1x120x128xf32, #tpu.memory_space<vmem>> -> memref<120x128xf32, #tpu.memory_space<vmem>>
      tpu.enqueue_dma source(%dma_start3A_479 : memref<120x128xf32, #tpu.memory_space<vmem>>) target(%dma_start3A_475 : memref<120x128xf32, #tpu.memory_space<vmem_shared>>) target_semaphore(%run_scoped3A_467 : memref<!tpu.dma_semaphore, #tpu.memory_space<semaphore_mem>>)
      %dma_wait3A_480 = arith.constant 0 : i32
      %dma_wait3A_481 = arith.constant 0 : i32
      %dma_wait3A_482 = tpu.memref_slice %arg9[%run_scoped3A_79, %dma_wait3A_480, %dma_wait3A_481] : memref<2x128x128xf32, #tpu.memory_space<vmem>> -> memref<1x120x128xf32, #tpu.memory_space<vmem>>
      %dma_wait3A_483 = tpu.memref_squeeze %dma_wait3A_482 : memref<1x120x128xf32, #tpu.memory_space<vmem>> -> memref<120x128xf32, #tpu.memory_space<vmem>>
      %dma_wait3A_484 = arith.constant 0 : i32
      %dma_wait3A_485 = tpu.memref_slice %arg12[%add3A_78, %dma_wait3A_484] : memref<10112x128xf32, #tpu.memory_space<vmem_shared>> -> memref<120x128xf32, #tpu.memory_space<vmem_shared>>
      %dma_wait3A_486 = arith.constant 0 : i32
      %dma_wait3A_487 = tpu.memref_slice %arg12[%add3A_78, %dma_wait3A_486] : memref<10112x128xf32, #tpu.memory_space<vmem_shared>> -> memref<120x128xf32, #tpu.memory_space<vmem_shared>>
      %dma_wait3A_488 = arith.constant 0 : i32
      %dma_wait3A_489 = arith.constant 0 : i32
      %dma_wait3A_490 = tpu.memref_slice %arg9[%run_scoped3A_79, %dma_wait3A_488, %dma_wait3A_489] : memref<2x128x128xf32, #tpu.memory_space<vmem>> -> memref<1x120x128xf32, #tpu.memory_space<vmem>>
      %dma_wait3A_491 = tpu.memref_squeeze %dma_wait3A_490 : memref<1x120x128xf32, #tpu.memory_space<vmem>> -> memref<120x128xf32, #tpu.memory_space<vmem>>
      tpu.wait_dma2 semaphore(%run_scoped3A_467 : memref<!tpu.dma_semaphore, #tpu.memory_space<semaphore_mem>>) src(%dma_wait3A_491 : memref<120x128xf32, #tpu.memory_space<vmem>>) dst(%dma_wait3A_487 : memref<120x128xf32, #tpu.memory_space<vmem_shared>>)
      tpu.yield
    }) : () -> ()
    %scan3A_80 = arith.constant 0 : i32
    %scan3A_81 = arith.constant 0 : i32
    %scan3A_82 = arith.constant 79 : i32
    %scan3A_83 = arith.addi %scan3A_81, %scan3A_82 : i32
    %scan3A_84 = arith.constant 1 : i32
    %scan3A_85 = scf.for %scan3A_467 = %scan3A_81 to %scan3A_83 step %scan3A_84 iter_args(%scan3A_468 = %scan3A_80) -> (i32)  : i32 {
      %mul3A_469 = arith.constant 8 : i32
      %mul3A_470 = arith.muli %scan3A_467, %mul3A_469 : i32
      %add3A_471 = arith.addi %mul3A_65, %mul3A_470 : i32
      "tpu.region"() ({
        %run_scoped3A_473 = tpu.sem_alloc : memref<!tpu.dma_semaphore, #tpu.memory_space<semaphore_mem>>
        %dma_start3A_474 = arith.constant 0 : i32
        %dma_start3A_475 = tpu.memref_slice %arg13[%add3A_471, %dma_start3A_474] : memref<10112x16xf32, #tpu.memory_space<vmem_shared>> -> memref<8x16xf32, #tpu.memory_space<vmem_shared>>
        %dma_start3A_476 = arith.constant 0 : i32
        %dma_start3A_477 = tpu.memref_slice %arg13[%add3A_471, %dma_start3A_476] : memref<10112x16xf32, #tpu.memory_space<vmem_shared>> -> memref<8x16xf32, #tpu.memory_space<vmem_shared>>
        tpu.enqueue_dma source(%arg11 : memref<8x16xf32, #tpu.memory_space<vmem>>) target(%dma_start3A_477 : memref<8x16xf32, #tpu.memory_space<vmem_shared>>) target_semaphore(%run_scoped3A_473 : memref<!tpu.dma_semaphore, #tpu.memory_space<semaphore_mem>>)
        %dma_wait3A_478 = arith.constant 0 : i32
        %dma_wait3A_479 = tpu.memref_slice %arg13[%add3A_471, %dma_wait3A_478] : memref<10112x16xf32, #tpu.memory_space<vmem_shared>> -> memref<8x16xf32, #tpu.memory_space<vmem_shared>>
        %dma_wait3A_480 = arith.constant 0 : i32
        %dma_wait3A_481 = tpu.memref_slice %arg13[%add3A_471, %dma_wait3A_480] : memref<10112x16xf32, #tpu.memory_space<vmem_shared>> -> memref<8x16xf32, #tpu.memory_space<vmem_shared>>
        tpu.wait_dma2 semaphore(%run_scoped3A_473 : memref<!tpu.dma_semaphore, #tpu.memory_space<semaphore_mem>>) src(%arg11 : memref<8x16xf32, #tpu.memory_space<vmem>>) dst(%dma_wait3A_481 : memref<8x16xf32, #tpu.memory_space<vmem_shared>>)
        tpu.yield
      }) : () -> ()
      %scan3A_472 = arith.constant 0 : i32
      scf.yield %scan3A_472 : i32
    }
    %scan3A_86 = arith.constant 79 : i32
    %barrier3A = arith.constant 0 : index
    tpu.barrier barrier_id(%barrier3A)
    %dma_start3A = arith.constant 0 : i32
    %dma_start3A_87 = arith.constant 0 : i32
    %dma_start3A_88 = arith.constant 0 : i32
    %dma_start3A_89 = arith.constant 0 : i32
    %dma_start3A_90 = tpu.memref_slice %arg7[%dma_start3A_87, %dma_start3A_89] : memref<4x128xi32, #tpu.memory_space<vmem>> -> memref<1x128xi32, #tpu.memory_space<vmem>>
    %dma_start3A_91 = tpu.memref_squeeze %dma_start3A_90 : memref<1x128xi32, #tpu.memory_space<vmem>> -> memref<128xi32, #tpu.memory_space<vmem>>
    %dma_start3A_92 = arith.constant 0 : i32
    %dma_start3A_93 = tpu.memref_slice %arg3[%add3A, %dma_start3A, %dma_start3A_92] : memref<32x80x128xi32, #tpu.memory_space<hbm>> -> memref<1x1x128xi32, #tpu.memory_space<hbm>>
    %dma_start3A_94 = tpu.memref_squeeze %dma_start3A_93 : memref<1x1x128xi32, #tpu.memory_space<hbm>> -> memref<128xi32, #tpu.memory_space<hbm>>
    %dma_start3A_95 = tpu.memref_slice %arg14[%dma_start3A_88] : memref<4x!tpu.dma_semaphore, #tpu.memory_space<semaphore_mem>> -> memref<1x!tpu.dma_semaphore, #tpu.memory_space<semaphore_mem>>
    %dma_start3A_96 = tpu.memref_squeeze %dma_start3A_95 : memref<1x!tpu.dma_semaphore, #tpu.memory_space<semaphore_mem>> -> memref<!tpu.dma_semaphore, #tpu.memory_space<semaphore_mem>>
    %dma_start3A_97 = arith.constant 0 : i32
    %dma_start3A_98 = tpu.memref_slice %arg7[%dma_start3A_87, %dma_start3A_97] : memref<4x128xi32, #tpu.memory_space<vmem>> -> memref<1x128xi32, #tpu.memory_space<vmem>>
    %dma_start3A_99 = tpu.memref_squeeze %dma_start3A_98 : memref<1x128xi32, #tpu.memory_space<vmem>> -> memref<128xi32, #tpu.memory_space<vmem>>
    %dma_start3A_100 = arith.constant 0 : i32
    %dma_start3A_101 = tpu.memref_slice %arg3[%add3A, %dma_start3A, %dma_start3A_100] : memref<32x80x128xi32, #tpu.memory_space<hbm>> -> memref<1x1x128xi32, #tpu.memory_space<hbm>>
    %dma_start3A_102 = tpu.memref_squeeze %dma_start3A_101 : memref<1x1x128xi32, #tpu.memory_space<hbm>> -> memref<128xi32, #tpu.memory_space<hbm>>
    tpu.enqueue_dma source(%dma_start3A_102 : memref<128xi32, #tpu.memory_space<hbm>>) target(%dma_start3A_99 : memref<128xi32, #tpu.memory_space<vmem>>) target_semaphore(%dma_start3A_96 : memref<!tpu.dma_semaphore, #tpu.memory_space<semaphore_mem>>)
    %dma_start3A_103 = arith.constant 0 : i32
    %dma_start3A_104 = arith.constant 0 : i32
    %dma_start3A_105 = arith.constant 0 : i32
    %dma_start3A_106 = arith.constant 0 : i32
    %dma_start3A_107 = tpu.memref_slice %arg8[%dma_start3A_104, %dma_start3A_106] : memref<4x128xi32, #tpu.memory_space<vmem>> -> memref<1x128xi32, #tpu.memory_space<vmem>>
    %dma_start3A_108 = tpu.memref_squeeze %dma_start3A_107 : memref<1x128xi32, #tpu.memory_space<vmem>> -> memref<128xi32, #tpu.memory_space<vmem>>
    %dma_start3A_109 = arith.constant 0 : i32
    %dma_start3A_110 = tpu.memref_slice %arg4[%add3A, %dma_start3A_103, %dma_start3A_109] : memref<32x80x128xi32, #tpu.memory_space<hbm>> -> memref<1x1x128xi32, #tpu.memory_space<hbm>>
    %dma_start3A_111 = tpu.memref_squeeze %dma_start3A_110 : memref<1x1x128xi32, #tpu.memory_space<hbm>> -> memref<128xi32, #tpu.memory_space<hbm>>
    %dma_start3A_112 = tpu.memref_slice %arg14[%dma_start3A_105] : memref<4x!tpu.dma_semaphore, #tpu.memory_space<semaphore_mem>> -> memref<1x!tpu.dma_semaphore, #tpu.memory_space<semaphore_mem>>
    %dma_start3A_113 = tpu.memref_squeeze %dma_start3A_112 : memref<1x!tpu.dma_semaphore, #tpu.memory_space<semaphore_mem>> -> memref<!tpu.dma_semaphore, #tpu.memory_space<semaphore_mem>>
    %dma_start3A_114 = arith.constant 0 : i32
    %dma_start3A_115 = tpu.memref_slice %arg8[%dma_start3A_104, %dma_start3A_114] : memref<4x128xi32, #tpu.memory_space<vmem>> -> memref<1x128xi32, #tpu.memory_space<vmem>>
    %dma_start3A_116 = tpu.memref_squeeze %dma_start3A_115 : memref<1x128xi32, #tpu.memory_space<vmem>> -> memref<128xi32, #tpu.memory_space<vmem>>
    %dma_start3A_117 = arith.constant 0 : i32
    %dma_start3A_118 = tpu.memref_slice %arg4[%add3A, %dma_start3A_103, %dma_start3A_117] : memref<32x80x128xi32, #tpu.memory_space<hbm>> -> memref<1x1x128xi32, #tpu.memory_space<hbm>>
    %dma_start3A_119 = tpu.memref_squeeze %dma_start3A_118 : memref<1x1x128xi32, #tpu.memory_space<hbm>> -> memref<128xi32, #tpu.memory_space<hbm>>
    tpu.enqueue_dma source(%dma_start3A_119 : memref<128xi32, #tpu.memory_space<hbm>>) target(%dma_start3A_116 : memref<128xi32, #tpu.memory_space<vmem>>) target_semaphore(%dma_start3A_113 : memref<!tpu.dma_semaphore, #tpu.memory_space<semaphore_mem>>)
    %dma_start3A_120 = arith.constant 1 : i32
    %dma_start3A_121 = arith.constant 1 : i32
    %dma_start3A_122 = arith.constant 1 : i32
    %dma_start3A_123 = arith.constant 0 : i32
    %dma_start3A_124 = tpu.memref_slice %arg7[%dma_start3A_121, %dma_start3A_123] : memref<4x128xi32, #tpu.memory_space<vmem>> -> memref<1x128xi32, #tpu.memory_space<vmem>>
    %dma_start3A_125 = tpu.memref_squeeze %dma_start3A_124 : memref<1x128xi32, #tpu.memory_space<vmem>> -> memref<128xi32, #tpu.memory_space<vmem>>
    %dma_start3A_126 = arith.constant 0 : i32
    %dma_start3A_127 = tpu.memref_slice %arg3[%add3A, %dma_start3A_120, %dma_start3A_126] : memref<32x80x128xi32, #tpu.memory_space<hbm>> -> memref<1x1x128xi32, #tpu.memory_space<hbm>>
    %dma_start3A_128 = tpu.memref_squeeze %dma_start3A_127 : memref<1x1x128xi32, #tpu.memory_space<hbm>> -> memref<128xi32, #tpu.memory_space<hbm>>
    %dma_start3A_129 = tpu.memref_slice %arg14[%dma_start3A_122] : memref<4x!tpu.dma_semaphore, #tpu.memory_space<semaphore_mem>> -> memref<1x!tpu.dma_semaphore, #tpu.memory_space<semaphore_mem>>
    %dma_start3A_130 = tpu.memref_squeeze %dma_start3A_129 : memref<1x!tpu.dma_semaphore, #tpu.memory_space<semaphore_mem>> -> memref<!tpu.dma_semaphore, #tpu.memory_space<semaphore_mem>>
    %dma_start3A_131 = arith.constant 0 : i32
    %dma_start3A_132 = tpu.memref_slice %arg7[%dma_start3A_121, %dma_start3A_131] : memref<4x128xi32, #tpu.memory_space<vmem>> -> memref<1x128xi32, #tpu.memory_space<vmem>>
    %dma_start3A_133 = tpu.memref_squeeze %dma_start3A_132 : memref<1x128xi32, #tpu.memory_space<vmem>> -> memref<128xi32, #tpu.memory_space<vmem>>
    %dma_start3A_134 = arith.constant 0 : i32
    %dma_start3A_135 = tpu.memref_slice %arg3[%add3A, %dma_start3A_120, %dma_start3A_134] : memref<32x80x128xi32, #tpu.memory_space<hbm>> -> memref<1x1x128xi32, #tpu.memory_space<hbm>>
    %dma_start3A_136 = tpu.memref_squeeze %dma_start3A_135 : memref<1x1x128xi32, #tpu.memory_space<hbm>> -> memref<128xi32, #tpu.memory_space<hbm>>
    tpu.enqueue_dma source(%dma_start3A_136 : memref<128xi32, #tpu.memory_space<hbm>>) target(%dma_start3A_133 : memref<128xi32, #tpu.memory_space<vmem>>) target_semaphore(%dma_start3A_130 : memref<!tpu.dma_semaphore, #tpu.memory_space<semaphore_mem>>)
    %dma_start3A_137 = arith.constant 1 : i32
    %dma_start3A_138 = arith.constant 1 : i32
    %dma_start3A_139 = arith.constant 1 : i32
    %dma_start3A_140 = arith.constant 0 : i32
    %dma_start3A_141 = tpu.memref_slice %arg8[%dma_start3A_138, %dma_start3A_140] : memref<4x128xi32, #tpu.memory_space<vmem>> -> memref<1x128xi32, #tpu.memory_space<vmem>>
    %dma_start3A_142 = tpu.memref_squeeze %dma_start3A_141 : memref<1x128xi32, #tpu.memory_space<vmem>> -> memref<128xi32, #tpu.memory_space<vmem>>
    %dma_start3A_143 = arith.constant 0 : i32
    %dma_start3A_144 = tpu.memref_slice %arg4[%add3A, %dma_start3A_137, %dma_start3A_143] : memref<32x80x128xi32, #tpu.memory_space<hbm>> -> memref<1x1x128xi32, #tpu.memory_space<hbm>>
    %dma_start3A_145 = tpu.memref_squeeze %dma_start3A_144 : memref<1x1x128xi32, #tpu.memory_space<hbm>> -> memref<128xi32, #tpu.memory_space<hbm>>
    %dma_start3A_146 = tpu.memref_slice %arg14[%dma_start3A_139] : memref<4x!tpu.dma_semaphore, #tpu.memory_space<semaphore_mem>> -> memref<1x!tpu.dma_semaphore, #tpu.memory_space<semaphore_mem>>
    %dma_start3A_147 = tpu.memref_squeeze %dma_start3A_146 : memref<1x!tpu.dma_semaphore, #tpu.memory_space<semaphore_mem>> -> memref<!tpu.dma_semaphore, #tpu.memory_space<semaphore_mem>>
    %dma_start3A_148 = arith.constant 0 : i32
    %dma_start3A_149 = tpu.memref_slice %arg8[%dma_start3A_138, %dma_start3A_148] : memref<4x128xi32, #tpu.memory_space<vmem>> -> memref<1x128xi32, #tpu.memory_space<vmem>>
    %dma_start3A_150 = tpu.memref_squeeze %dma_start3A_149 : memref<1x128xi32, #tpu.memory_space<vmem>> -> memref<128xi32, #tpu.memory_space<vmem>>
    %dma_start3A_151 = arith.constant 0 : i32
    %dma_start3A_152 = tpu.memref_slice %arg4[%add3A, %dma_start3A_137, %dma_start3A_151] : memref<32x80x128xi32, #tpu.memory_space<hbm>> -> memref<1x1x128xi32, #tpu.memory_space<hbm>>
    %dma_start3A_153 = tpu.memref_squeeze %dma_start3A_152 : memref<1x1x128xi32, #tpu.memory_space<hbm>> -> memref<128xi32, #tpu.memory_space<hbm>>
    tpu.enqueue_dma source(%dma_start3A_153 : memref<128xi32, #tpu.memory_space<hbm>>) target(%dma_start3A_150 : memref<128xi32, #tpu.memory_space<vmem>>) target_semaphore(%dma_start3A_147 : memref<!tpu.dma_semaphore, #tpu.memory_space<semaphore_mem>>)
    %dma_wait3A = arith.constant 0 : i32
    %dma_wait3A_154 = arith.constant 0 : i32
    %dma_wait3A_155 = arith.constant 0 : i32
    %dma_wait3A_156 = arith.constant 0 : i32
    %dma_wait3A_157 = tpu.memref_slice %arg7[%dma_wait3A_154, %dma_wait3A_156] : memref<4x128xi32, #tpu.memory_space<vmem>> -> memref<1x128xi32, #tpu.memory_space<vmem>>
    %dma_wait3A_158 = tpu.memref_squeeze %dma_wait3A_157 : memref<1x128xi32, #tpu.memory_space<vmem>> -> memref<128xi32, #tpu.memory_space<vmem>>
    %dma_wait3A_159 = arith.constant 0 : i32
    %dma_wait3A_160 = tpu.memref_slice %arg3[%add3A, %dma_wait3A, %dma_wait3A_159] : memref<32x80x128xi32, #tpu.memory_space<hbm>> -> memref<1x1x128xi32, #tpu.memory_space<hbm>>
    %dma_wait3A_161 = tpu.memref_squeeze %dma_wait3A_160 : memref<1x1x128xi32, #tpu.memory_space<hbm>> -> memref<128xi32, #tpu.memory_space<hbm>>
    %dma_wait3A_162 = tpu.memref_slice %arg14[%dma_wait3A_155] : memref<4x!tpu.dma_semaphore, #tpu.memory_space<semaphore_mem>> -> memref<1x!tpu.dma_semaphore, #tpu.memory_space<semaphore_mem>>
    %dma_wait3A_163 = tpu.memref_squeeze %dma_wait3A_162 : memref<1x!tpu.dma_semaphore, #tpu.memory_space<semaphore_mem>> -> memref<!tpu.dma_semaphore, #tpu.memory_space<semaphore_mem>>
    %dma_wait3A_164 = arith.constant 0 : i32
    %dma_wait3A_165 = tpu.memref_slice %arg7[%dma_wait3A_154, %dma_wait3A_164] : memref<4x128xi32, #tpu.memory_space<vmem>> -> memref<1x128xi32, #tpu.memory_space<vmem>>
    %dma_wait3A_166 = tpu.memref_squeeze %dma_wait3A_165 : memref<1x128xi32, #tpu.memory_space<vmem>> -> memref<128xi32, #tpu.memory_space<vmem>>
    %dma_wait3A_167 = arith.constant 0 : i32
    %dma_wait3A_168 = tpu.memref_slice %arg3[%add3A, %dma_wait3A, %dma_wait3A_167] : memref<32x80x128xi32, #tpu.memory_space<hbm>> -> memref<1x1x128xi32, #tpu.memory_space<hbm>>
    %dma_wait3A_169 = tpu.memref_squeeze %dma_wait3A_168 : memref<1x1x128xi32, #tpu.memory_space<hbm>> -> memref<128xi32, #tpu.memory_space<hbm>>
    tpu.wait_dma2 semaphore(%dma_wait3A_163 : memref<!tpu.dma_semaphore, #tpu.memory_space<semaphore_mem>>) src(%dma_wait3A_169 : memref<128xi32, #tpu.memory_space<hbm>>) dst(%dma_wait3A_166 : memref<128xi32, #tpu.memory_space<vmem>>)
    %dma_wait3A_170 = arith.constant 0 : i32
    %dma_wait3A_171 = arith.constant 0 : i32
    %dma_wait3A_172 = arith.constant 0 : i32
    %dma_wait3A_173 = arith.constant 0 : i32
    %dma_wait3A_174 = tpu.memref_slice %arg7[%dma_wait3A_171, %dma_wait3A_173] : memref<4x128xi32, #tpu.memory_space<vmem>> -> memref<1x128xi32, #tpu.memory_space<vmem>>
    %dma_wait3A_175 = tpu.memref_squeeze %dma_wait3A_174 : memref<1x128xi32, #tpu.memory_space<vmem>> -> memref<128xi32, #tpu.memory_space<vmem>>
    %dma_wait3A_176 = arith.constant 0 : i32
    %dma_wait3A_177 = tpu.memref_slice %arg3[%add3A, %dma_wait3A_170, %dma_wait3A_176] : memref<32x80x128xi32, #tpu.memory_space<hbm>> -> memref<1x1x128xi32, #tpu.memory_space<hbm>>
    %dma_wait3A_178 = tpu.memref_squeeze %dma_wait3A_177 : memref<1x1x128xi32, #tpu.memory_space<hbm>> -> memref<128xi32, #tpu.memory_space<hbm>>
    %dma_wait3A_179 = tpu.memref_slice %arg14[%dma_wait3A_172] : memref<4x!tpu.dma_semaphore, #tpu.memory_space<semaphore_mem>> -> memref<1x!tpu.dma_semaphore, #tpu.memory_space<semaphore_mem>>
    %dma_wait3A_180 = tpu.memref_squeeze %dma_wait3A_179 : memref<1x!tpu.dma_semaphore, #tpu.memory_space<semaphore_mem>> -> memref<!tpu.dma_semaphore, #tpu.memory_space<semaphore_mem>>
    %dma_wait3A_181 = arith.constant 0 : i32
    %dma_wait3A_182 = tpu.memref_slice %arg7[%dma_wait3A_171, %dma_wait3A_181] : memref<4x128xi32, #tpu.memory_space<vmem>> -> memref<1x128xi32, #tpu.memory_space<vmem>>
    %dma_wait3A_183 = tpu.memref_squeeze %dma_wait3A_182 : memref<1x128xi32, #tpu.memory_space<vmem>> -> memref<128xi32, #tpu.memory_space<vmem>>
    %dma_wait3A_184 = arith.constant 0 : i32
    %dma_wait3A_185 = tpu.memref_slice %arg3[%add3A, %dma_wait3A_170, %dma_wait3A_184] : memref<32x80x128xi32, #tpu.memory_space<hbm>> -> memref<1x1x128xi32, #tpu.memory_space<hbm>>
    %dma_wait3A_186 = tpu.memref_squeeze %dma_wait3A_185 : memref<1x1x128xi32, #tpu.memory_space<hbm>> -> memref<128xi32, #tpu.memory_space<hbm>>
    tpu.wait_dma2 semaphore(%dma_wait3A_180 : memref<!tpu.dma_semaphore, #tpu.memory_space<semaphore_mem>>) src(%dma_wait3A_186 : memref<128xi32, #tpu.memory_space<hbm>>) dst(%dma_wait3A_183 : memref<128xi32, #tpu.memory_space<vmem>>)
    %dma_start3A_187 = arith.constant 2 : i32
    %dma_start3A_188 = arith.constant 2 : i32
    %dma_start3A_189 = arith.constant 2 : i32
    %dma_start3A_190 = arith.constant 0 : i32
    %dma_start3A_191 = tpu.memref_slice %arg7[%dma_start3A_188, %dma_start3A_190] : memref<4x128xi32, #tpu.memory_space<vmem>> -> memref<1x128xi32, #tpu.memory_space<vmem>>
    %dma_start3A_192 = tpu.memref_squeeze %dma_start3A_191 : memref<1x128xi32, #tpu.memory_space<vmem>> -> memref<128xi32, #tpu.memory_space<vmem>>
    %dma_start3A_193 = arith.constant 0 : i32
    %dma_start3A_194 = tpu.memref_slice %arg3[%add3A, %dma_start3A_187, %dma_start3A_193] : memref<32x80x128xi32, #tpu.memory_space<hbm>> -> memref<1x1x128xi32, #tpu.memory_space<hbm>>
    %dma_start3A_195 = tpu.memref_squeeze %dma_start3A_194 : memref<1x1x128xi32, #tpu.memory_space<hbm>> -> memref<128xi32, #tpu.memory_space<hbm>>
    %dma_start3A_196 = tpu.memref_slice %arg14[%dma_start3A_189] : memref<4x!tpu.dma_semaphore, #tpu.memory_space<semaphore_mem>> -> memref<1x!tpu.dma_semaphore, #tpu.memory_space<semaphore_mem>>
    %dma_start3A_197 = tpu.memref_squeeze %dma_start3A_196 : memref<1x!tpu.dma_semaphore, #tpu.memory_space<semaphore_mem>> -> memref<!tpu.dma_semaphore, #tpu.memory_space<semaphore_mem>>
    %dma_start3A_198 = arith.constant 0 : i32
    %dma_start3A_199 = tpu.memref_slice %arg7[%dma_start3A_188, %dma_start3A_198] : memref<4x128xi32, #tpu.memory_space<vmem>> -> memref<1x128xi32, #tpu.memory_space<vmem>>
    %dma_start3A_200 = tpu.memref_squeeze %dma_start3A_199 : memref<1x128xi32, #tpu.memory_space<vmem>> -> memref<128xi32, #tpu.memory_space<vmem>>
    %dma_start3A_201 = arith.constant 0 : i32
    %dma_start3A_202 = tpu.memref_slice %arg3[%add3A, %dma_start3A_187, %dma_start3A_201] : memref<32x80x128xi32, #tpu.memory_space<hbm>> -> memref<1x1x128xi32, #tpu.memory_space<hbm>>
    %dma_start3A_203 = tpu.memref_squeeze %dma_start3A_202 : memref<1x1x128xi32, #tpu.memory_space<hbm>> -> memref<128xi32, #tpu.memory_space<hbm>>
    tpu.enqueue_dma source(%dma_start3A_203 : memref<128xi32, #tpu.memory_space<hbm>>) target(%dma_start3A_200 : memref<128xi32, #tpu.memory_space<vmem>>) target_semaphore(%dma_start3A_197 : memref<!tpu.dma_semaphore, #tpu.memory_space<semaphore_mem>>)
    %dma_start3A_204 = arith.constant 2 : i32
    %dma_start3A_205 = arith.constant 2 : i32
    %dma_start3A_206 = arith.constant 2 : i32
    %dma_start3A_207 = arith.constant 0 : i32
    %dma_start3A_208 = tpu.memref_slice %arg8[%dma_start3A_205, %dma_start3A_207] : memref<4x128xi32, #tpu.memory_space<vmem>> -> memref<1x128xi32, #tpu.memory_space<vmem>>
    %dma_start3A_209 = tpu.memref_squeeze %dma_start3A_208 : memref<1x128xi32, #tpu.memory_space<vmem>> -> memref<128xi32, #tpu.memory_space<vmem>>
    %dma_start3A_210 = arith.constant 0 : i32
    %dma_start3A_211 = tpu.memref_slice %arg4[%add3A, %dma_start3A_204, %dma_start3A_210] : memref<32x80x128xi32, #tpu.memory_space<hbm>> -> memref<1x1x128xi32, #tpu.memory_space<hbm>>
    %dma_start3A_212 = tpu.memref_squeeze %dma_start3A_211 : memref<1x1x128xi32, #tpu.memory_space<hbm>> -> memref<128xi32, #tpu.memory_space<hbm>>
    %dma_start3A_213 = tpu.memref_slice %arg14[%dma_start3A_206] : memref<4x!tpu.dma_semaphore, #tpu.memory_space<semaphore_mem>> -> memref<1x!tpu.dma_semaphore, #tpu.memory_space<semaphore_mem>>
    %dma_start3A_214 = tpu.memref_squeeze %dma_start3A_213 : memref<1x!tpu.dma_semaphore, #tpu.memory_space<semaphore_mem>> -> memref<!tpu.dma_semaphore, #tpu.memory_space<semaphore_mem>>
    %dma_start3A_215 = arith.constant 0 : i32
    %dma_start3A_216 = tpu.memref_slice %arg8[%dma_start3A_205, %dma_start3A_215] : memref<4x128xi32, #tpu.memory_space<vmem>> -> memref<1x128xi32, #tpu.memory_space<vmem>>
    %dma_start3A_217 = tpu.memref_squeeze %dma_start3A_216 : memref<1x128xi32, #tpu.memory_space<vmem>> -> memref<128xi32, #tpu.memory_space<vmem>>
    %dma_start3A_218 = arith.constant 0 : i32
    %dma_start3A_219 = tpu.memref_slice %arg4[%add3A, %dma_start3A_204, %dma_start3A_218] : memref<32x80x128xi32, #tpu.memory_space<hbm>> -> memref<1x1x128xi32, #tpu.memory_space<hbm>>
    %dma_start3A_220 = tpu.memref_squeeze %dma_start3A_219 : memref<1x1x128xi32, #tpu.memory_space<hbm>> -> memref<128xi32, #tpu.memory_space<hbm>>
    tpu.enqueue_dma source(%dma_start3A_220 : memref<128xi32, #tpu.memory_space<hbm>>) target(%dma_start3A_217 : memref<128xi32, #tpu.memory_space<vmem>>) target_semaphore(%dma_start3A_214 : memref<!tpu.dma_semaphore, #tpu.memory_space<semaphore_mem>>)
    %dma_start3A_221 = arith.constant 0 : i32
    %dma_start3A_222 = arith.constant 0 : i32
    %dma_start3A_223 = arith.constant 0 : i32
    %dma_start3A_224 = arith.constant 0 : i32
    %dma_start3A_225 = arith.constant 0 : i32
    %dma_start3A_226 = tpu.memref_slice %arg9[%dma_start3A_222, %dma_start3A_224, %dma_start3A_225] : memref<2x128x128xf32, #tpu.memory_space<vmem>> -> memref<1x128x128xf32, #tpu.memory_space<vmem>>
    %dma_start3A_227 = tpu.memref_squeeze %dma_start3A_226 : memref<1x128x128xf32, #tpu.memory_space<vmem>> -> memref<128x128xf32, #tpu.memory_space<vmem>>
    %dma_start3A_228 = arith.constant 0 : i32
    %dma_start3A_229 = tpu.memref_slice %arg7[%dma_start3A_221, %dma_start3A_228] : memref<4x128xi32, #tpu.memory_space<vmem>> -> memref<1x128xi32, #tpu.memory_space<vmem>>
    %dma_start3A_230 = tpu.memref_squeeze %dma_start3A_229 : memref<1x128xi32, #tpu.memory_space<vmem>> -> memref<128xi32, #tpu.memory_space<vmem>>
    %dma_start3A_231 = arith.constant 0 : i32
    %dma_start3A_232 = arith.constant 0 : i32
    %dma_start3A_233 = tpu.memref_slice %arg2[%dma_start3A_231, %dma_start3A_232] : memref<10000x128xf32, #tpu.memory_space<hbm>> -> memref<10000x128xf32, #tpu.memory_space<hbm>>
    %dma_start3A_234 = tpu.memref_slice %arg15[%dma_start3A_223] : memref<2x!tpu.dma_semaphore, #tpu.memory_space<semaphore_mem>> -> memref<1x!tpu.dma_semaphore, #tpu.memory_space<semaphore_mem>>
    %dma_start3A_235 = tpu.memref_squeeze %dma_start3A_234 : memref<1x!tpu.dma_semaphore, #tpu.memory_space<semaphore_mem>> -> memref<!tpu.dma_semaphore, #tpu.memory_space<semaphore_mem>>
    tpu.enqueue_indirect_dma source(%dma_start3A_233 : memref<10000x128xf32, #tpu.memory_space<hbm>>) target(%dma_start3A_227 : memref<128x128xf32, #tpu.memory_space<vmem>>) offsets(%dma_start3A_230 : memref<128xi32, #tpu.memory_space<vmem>>) semaphore(%dma_start3A_235 : memref<!tpu.dma_semaphore, #tpu.memory_space<semaphore_mem>>)
    %dma_wait3A_236 = arith.constant 0 : i32
    %dma_wait3A_237 = arith.constant 0 : i32
    %dma_wait3A_238 = arith.constant 0 : i32
    %dma_wait3A_239 = arith.constant 0 : i32
    %dma_wait3A_240 = arith.constant 0 : i32
    %dma_wait3A_241 = tpu.memref_slice %arg9[%dma_wait3A_237, %dma_wait3A_239, %dma_wait3A_240] : memref<2x128x128xf32, #tpu.memory_space<vmem>> -> memref<1x128x128xf32, #tpu.memory_space<vmem>>
    %dma_wait3A_242 = tpu.memref_squeeze %dma_wait3A_241 : memref<1x128x128xf32, #tpu.memory_space<vmem>> -> memref<128x128xf32, #tpu.memory_space<vmem>>
    %dma_wait3A_243 = arith.constant 0 : i32
    %dma_wait3A_244 = tpu.memref_slice %arg7[%dma_wait3A_236, %dma_wait3A_243] : memref<4x128xi32, #tpu.memory_space<vmem>> -> memref<1x128xi32, #tpu.memory_space<vmem>>
    %dma_wait3A_245 = tpu.memref_squeeze %dma_wait3A_244 : memref<1x128xi32, #tpu.memory_space<vmem>> -> memref<128xi32, #tpu.memory_space<vmem>>
    %dma_wait3A_246 = arith.constant 0 : i32
    %dma_wait3A_247 = arith.constant 0 : i32
    %dma_wait3A_248 = tpu.memref_slice %arg2[%dma_wait3A_246, %dma_wait3A_247] : memref<10000x128xf32, #tpu.memory_space<hbm>> -> memref<10000x128xf32, #tpu.memory_space<hbm>>
    %dma_wait3A_249 = tpu.memref_slice %arg15[%dma_wait3A_238] : memref<2x!tpu.dma_semaphore, #tpu.memory_space<semaphore_mem>> -> memref<1x!tpu.dma_semaphore, #tpu.memory_space<semaphore_mem>>
    %dma_wait3A_250 = tpu.memref_squeeze %dma_wait3A_249 : memref<1x!tpu.dma_semaphore, #tpu.memory_space<semaphore_mem>> -> memref<!tpu.dma_semaphore, #tpu.memory_space<semaphore_mem>>
    tpu.wait_indirect_dma semaphore(%dma_wait3A_250 : memref<!tpu.dma_semaphore, #tpu.memory_space<semaphore_mem>>) src(%dma_wait3A_248 : memref<10000x128xf32, #tpu.memory_space<hbm>>) dst(%dma_wait3A_242 : memref<128x128xf32, #tpu.memory_space<vmem>>)
    %dma_start3A_251 = arith.constant 0 : i32
    %dma_start3A_252 = arith.constant 0 : i32
    %dma_start3A_253 = arith.constant 0 : i32
    %dma_start3A_254 = arith.constant 0 : i32
    %dma_start3A_255 = arith.constant 0 : i32
    %dma_start3A_256 = tpu.memref_slice %arg9[%dma_start3A_251, %dma_start3A_254, %dma_start3A_255] : memref<2x128x128xf32, #tpu.memory_space<vmem>> -> memref<1x128x128xf32, #tpu.memory_space<vmem>>
    %dma_start3A_257 = tpu.memref_squeeze %dma_start3A_256 : memref<1x128x128xf32, #tpu.memory_space<vmem>> -> memref<128x128xf32, #tpu.memory_space<vmem>>
    %dma_start3A_258 = arith.constant 0 : i32
    %dma_start3A_259 = tpu.memref_slice %arg8[%dma_start3A_252, %dma_start3A_258] : memref<4x128xi32, #tpu.memory_space<vmem>> -> memref<1x128xi32, #tpu.memory_space<vmem>>
    %dma_start3A_260 = tpu.memref_squeeze %dma_start3A_259 : memref<1x128xi32, #tpu.memory_space<vmem>> -> memref<128xi32, #tpu.memory_space<vmem>>
    %dma_start3A_261 = arith.constant 0 : i32
    %dma_start3A_262 = arith.constant 0 : i32
    %dma_start3A_263 = tpu.memref_slice %arg12[%dma_start3A_261, %dma_start3A_262] : memref<10112x128xf32, #tpu.memory_space<vmem_shared>> -> memref<10112x128xf32, #tpu.memory_space<vmem_shared>>
    %dma_start3A_264 = tpu.memref_slice %arg16[%dma_start3A_253] : memref<2x!tpu.dma_semaphore, #tpu.memory_space<semaphore_mem>> -> memref<1x!tpu.dma_semaphore, #tpu.memory_space<semaphore_mem>>
    %dma_start3A_265 = tpu.memref_squeeze %dma_start3A_264 : memref<1x!tpu.dma_semaphore, #tpu.memory_space<semaphore_mem>> -> memref<!tpu.dma_semaphore, #tpu.memory_space<semaphore_mem>>
    tpu.enqueue_indirect_dma source(%dma_start3A_257 : memref<128x128xf32, #tpu.memory_space<vmem>>) target(%dma_start3A_263 : memref<10112x128xf32, #tpu.memory_space<vmem_shared>>) offsets(%dma_start3A_260 : memref<128xi32, #tpu.memory_space<vmem>>) semaphore(%dma_start3A_265 : memref<!tpu.dma_semaphore, #tpu.memory_space<semaphore_mem>>) {add = true}
    %dma_start3A_266 = arith.constant 0 : i32
    %dma_start3A_267 = arith.constant 0 : i32
    %dma_start3A_268 = arith.constant 0 : i32
    %dma_start3A_269 = tpu.memref_slice %arg8[%dma_start3A_266, %dma_start3A_268] : memref<4x128xi32, #tpu.memory_space<vmem>> -> memref<1x128xi32, #tpu.memory_space<vmem>>
    %dma_start3A_270 = tpu.memref_squeeze %dma_start3A_269 : memref<1x128xi32, #tpu.memory_space<vmem>> -> memref<128xi32, #tpu.memory_space<vmem>>
    %dma_start3A_271 = arith.constant 0 : i32
    %dma_start3A_272 = arith.constant 0 : i32
    %dma_start3A_273 = tpu.memref_slice %arg13[%dma_start3A_271, %dma_start3A_272] : memref<10112x16xf32, #tpu.memory_space<vmem_shared>> -> memref<10112x16xf32, #tpu.memory_space<vmem_shared>>
    %dma_start3A_274 = tpu.memref_slice %arg16[%dma_start3A_267] : memref<2x!tpu.dma_semaphore, #tpu.memory_space<semaphore_mem>> -> memref<1x!tpu.dma_semaphore, #tpu.memory_space<semaphore_mem>>
    %dma_start3A_275 = tpu.memref_squeeze %dma_start3A_274 : memref<1x!tpu.dma_semaphore, #tpu.memory_space<semaphore_mem>> -> memref<!tpu.dma_semaphore, #tpu.memory_space<semaphore_mem>>
    tpu.enqueue_indirect_dma source(%arg10 : memref<128x16xf32, #tpu.memory_space<vmem>>) target(%dma_start3A_273 : memref<10112x16xf32, #tpu.memory_space<vmem_shared>>) offsets(%dma_start3A_270 : memref<128xi32, #tpu.memory_space<vmem>>) semaphore(%dma_start3A_275 : memref<!tpu.dma_semaphore, #tpu.memory_space<semaphore_mem>>) {add = true}
    %dma_wait3A_276 = arith.constant 0 : i32
    %dma_wait3A_277 = arith.constant 1 : i32
    %dma_wait3A_278 = arith.constant 1 : i32
    %dma_wait3A_279 = arith.constant 0 : i32
    %dma_wait3A_280 = tpu.memref_slice %arg7[%dma_wait3A_277, %dma_wait3A_279] : memref<4x128xi32, #tpu.memory_space<vmem>> -> memref<1x128xi32, #tpu.memory_space<vmem>>
    %dma_wait3A_281 = tpu.memref_squeeze %dma_wait3A_280 : memref<1x128xi32, #tpu.memory_space<vmem>> -> memref<128xi32, #tpu.memory_space<vmem>>
    %dma_wait3A_282 = arith.constant 0 : i32
    %dma_wait3A_283 = tpu.memref_slice %arg3[%add3A, %dma_wait3A_276, %dma_wait3A_282] : memref<32x80x128xi32, #tpu.memory_space<hbm>> -> memref<1x1x128xi32, #tpu.memory_space<hbm>>
    %dma_wait3A_284 = tpu.memref_squeeze %dma_wait3A_283 : memref<1x1x128xi32, #tpu.memory_space<hbm>> -> memref<128xi32, #tpu.memory_space<hbm>>
    %dma_wait3A_285 = tpu.memref_slice %arg14[%dma_wait3A_278] : memref<4x!tpu.dma_semaphore, #tpu.memory_space<semaphore_mem>> -> memref<1x!tpu.dma_semaphore, #tpu.memory_space<semaphore_mem>>
    %dma_wait3A_286 = tpu.memref_squeeze %dma_wait3A_285 : memref<1x!tpu.dma_semaphore, #tpu.memory_space<semaphore_mem>> -> memref<!tpu.dma_semaphore, #tpu.memory_space<semaphore_mem>>
    %dma_wait3A_287 = arith.constant 0 : i32
    %dma_wait3A_288 = tpu.memref_slice %arg7[%dma_wait3A_277, %dma_wait3A_287] : memref<4x128xi32, #tpu.memory_space<vmem>> -> memref<1x128xi32, #tpu.memory_space<vmem>>
    %dma_wait3A_289 = tpu.memref_squeeze %dma_wait3A_288 : memref<1x128xi32, #tpu.memory_space<vmem>> -> memref<128xi32, #tpu.memory_space<vmem>>
    %dma_wait3A_290 = arith.constant 0 : i32
    %dma_wait3A_291 = tpu.memref_slice %arg3[%add3A, %dma_wait3A_276, %dma_wait3A_290] : memref<32x80x128xi32, #tpu.memory_space<hbm>> -> memref<1x1x128xi32, #tpu.memory_space<hbm>>
    %dma_wait3A_292 = tpu.memref_squeeze %dma_wait3A_291 : memref<1x1x128xi32, #tpu.memory_space<hbm>> -> memref<128xi32, #tpu.memory_space<hbm>>
    tpu.wait_dma2 semaphore(%dma_wait3A_286 : memref<!tpu.dma_semaphore, #tpu.memory_space<semaphore_mem>>) src(%dma_wait3A_292 : memref<128xi32, #tpu.memory_space<hbm>>) dst(%dma_wait3A_289 : memref<128xi32, #tpu.memory_space<vmem>>)
    %dma_wait3A_293 = arith.constant 0 : i32
    %dma_wait3A_294 = arith.constant 1 : i32
    %dma_wait3A_295 = arith.constant 1 : i32
    %dma_wait3A_296 = arith.constant 0 : i32
    %dma_wait3A_297 = tpu.memref_slice %arg7[%dma_wait3A_294, %dma_wait3A_296] : memref<4x128xi32, #tpu.memory_space<vmem>> -> memref<1x128xi32, #tpu.memory_space<vmem>>
    %dma_wait3A_298 = tpu.memref_squeeze %dma_wait3A_297 : memref<1x128xi32, #tpu.memory_space<vmem>> -> memref<128xi32, #tpu.memory_space<vmem>>
    %dma_wait3A_299 = arith.constant 0 : i32
    %dma_wait3A_300 = tpu.memref_slice %arg3[%add3A, %dma_wait3A_293, %dma_wait3A_299] : memref<32x80x128xi32, #tpu.memory_space<hbm>> -> memref<1x1x128xi32, #tpu.memory_space<hbm>>
    %dma_wait3A_301 = tpu.memref_squeeze %dma_wait3A_300 : memref<1x1x128xi32, #tpu.memory_space<hbm>> -> memref<128xi32, #tpu.memory_space<hbm>>
    %dma_wait3A_302 = tpu.memref_slice %arg14[%dma_wait3A_295] : memref<4x!tpu.dma_semaphore, #tpu.memory_space<semaphore_mem>> -> memref<1x!tpu.dma_semaphore, #tpu.memory_space<semaphore_mem>>
    %dma_wait3A_303 = tpu.memref_squeeze %dma_wait3A_302 : memref<1x!tpu.dma_semaphore, #tpu.memory_space<semaphore_mem>> -> memref<!tpu.dma_semaphore, #tpu.memory_space<semaphore_mem>>
    %dma_wait3A_304 = arith.constant 0 : i32
    %dma_wait3A_305 = tpu.memref_slice %arg7[%dma_wait3A_294, %dma_wait3A_304] : memref<4x128xi32, #tpu.memory_space<vmem>> -> memref<1x128xi32, #tpu.memory_space<vmem>>
    %dma_wait3A_306 = tpu.memref_squeeze %dma_wait3A_305 : memref<1x128xi32, #tpu.memory_space<vmem>> -> memref<128xi32, #tpu.memory_space<vmem>>
    %dma_wait3A_307 = arith.constant 0 : i32
    %dma_wait3A_308 = tpu.memref_slice %arg3[%add3A, %dma_wait3A_293, %dma_wait3A_307] : memref<32x80x128xi32, #tpu.memory_space<hbm>> -> memref<1x1x128xi32, #tpu.memory_space<hbm>>
    %dma_wait3A_309 = tpu.memref_squeeze %dma_wait3A_308 : memref<1x1x128xi32, #tpu.memory_space<hbm>> -> memref<128xi32, #tpu.memory_space<hbm>>
    tpu.wait_dma2 semaphore(%dma_wait3A_303 : memref<!tpu.dma_semaphore, #tpu.memory_space<semaphore_mem>>) src(%dma_wait3A_309 : memref<128xi32, #tpu.memory_space<hbm>>) dst(%dma_wait3A_306 : memref<128xi32, #tpu.memory_space<vmem>>)
    %dma_start3A_310 = arith.constant 3 : i32
    %dma_start3A_311 = arith.constant 3 : i32
    %dma_start3A_312 = arith.constant 3 : i32
    %dma_start3A_313 = arith.constant 0 : i32
    %dma_start3A_314 = tpu.memref_slice %arg7[%dma_start3A_311, %dma_start3A_313] : memref<4x128xi32, #tpu.memory_space<vmem>> -> memref<1x128xi32, #tpu.memory_space<vmem>>
    %dma_start3A_315 = tpu.memref_squeeze %dma_start3A_314 : memref<1x128xi32, #tpu.memory_space<vmem>> -> memref<128xi32, #tpu.memory_space<vmem>>
    %dma_start3A_316 = arith.constant 0 : i32
    %dma_start3A_317 = tpu.memref_slice %arg3[%add3A, %dma_start3A_310, %dma_start3A_316] : memref<32x80x128xi32, #tpu.memory_space<hbm>> -> memref<1x1x128xi32, #tpu.memory_space<hbm>>
    %dma_start3A_318 = tpu.memref_squeeze %dma_start3A_317 : memref<1x1x128xi32, #tpu.memory_space<hbm>> -> memref<128xi32, #tpu.memory_space<hbm>>
    %dma_start3A_319 = tpu.memref_slice %arg14[%dma_start3A_312] : memref<4x!tpu.dma_semaphore, #tpu.memory_space<semaphore_mem>> -> memref<1x!tpu.dma_semaphore, #tpu.memory_space<semaphore_mem>>
    %dma_start3A_320 = tpu.memref_squeeze %dma_start3A_319 : memref<1x!tpu.dma_semaphore, #tpu.memory_space<semaphore_mem>> -> memref<!tpu.dma_semaphore, #tpu.memory_space<semaphore_mem>>
    %dma_start3A_321 = arith.constant 0 : i32
    %dma_start3A_322 = tpu.memref_slice %arg7[%dma_start3A_311, %dma_start3A_321] : memref<4x128xi32, #tpu.memory_space<vmem>> -> memref<1x128xi32, #tpu.memory_space<vmem>>
    %dma_start3A_323 = tpu.memref_squeeze %dma_start3A_322 : memref<1x128xi32, #tpu.memory_space<vmem>> -> memref<128xi32, #tpu.memory_space<vmem>>
    %dma_start3A_324 = arith.constant 0 : i32
    %dma_start3A_325 = tpu.memref_slice %arg3[%add3A, %dma_start3A_310, %dma_start3A_324] : memref<32x80x128xi32, #tpu.memory_space<hbm>> -> memref<1x1x128xi32, #tpu.memory_space<hbm>>
    %dma_start3A_326 = tpu.memref_squeeze %dma_start3A_325 : memref<1x1x128xi32, #tpu.memory_space<hbm>> -> memref<128xi32, #tpu.memory_space<hbm>>
    tpu.enqueue_dma source(%dma_start3A_326 : memref<128xi32, #tpu.memory_space<hbm>>) target(%dma_start3A_323 : memref<128xi32, #tpu.memory_space<vmem>>) target_semaphore(%dma_start3A_320 : memref<!tpu.dma_semaphore, #tpu.memory_space<semaphore_mem>>)
    %dma_start3A_327 = arith.constant 3 : i32
    %dma_start3A_328 = arith.constant 3 : i32
    %dma_start3A_329 = arith.constant 3 : i32
    %dma_start3A_330 = arith.constant 0 : i32
    %dma_start3A_331 = tpu.memref_slice %arg8[%dma_start3A_328, %dma_start3A_330] : memref<4x128xi32, #tpu.memory_space<vmem>> -> memref<1x128xi32, #tpu.memory_space<vmem>>
    %dma_start3A_332 = tpu.memref_squeeze %dma_start3A_331 : memref<1x128xi32, #tpu.memory_space<vmem>> -> memref<128xi32, #tpu.memory_space<vmem>>
    %dma_start3A_333 = arith.constant 0 : i32
    %dma_start3A_334 = tpu.memref_slice %arg4[%add3A, %dma_start3A_327, %dma_start3A_333] : memref<32x80x128xi32, #tpu.memory_space<hbm>> -> memref<1x1x128xi32, #tpu.memory_space<hbm>>
    %dma_start3A_335 = tpu.memref_squeeze %dma_start3A_334 : memref<1x1x128xi32, #tpu.memory_space<hbm>> -> memref<128xi32, #tpu.memory_space<hbm>>
    %dma_start3A_336 = tpu.memref_slice %arg14[%dma_start3A_329] : memref<4x!tpu.dma_semaphore, #tpu.memory_space<semaphore_mem>> -> memref<1x!tpu.dma_semaphore, #tpu.memory_space<semaphore_mem>>
    %dma_start3A_337 = tpu.memref_squeeze %dma_start3A_336 : memref<1x!tpu.dma_semaphore, #tpu.memory_space<semaphore_mem>> -> memref<!tpu.dma_semaphore, #tpu.memory_space<semaphore_mem>>
    %dma_start3A_338 = arith.constant 0 : i32
    %dma_start3A_339 = tpu.memref_slice %arg8[%dma_start3A_328, %dma_start3A_338] : memref<4x128xi32, #tpu.memory_space<vmem>> -> memref<1x128xi32, #tpu.memory_space<vmem>>
    %dma_start3A_340 = tpu.memref_squeeze %dma_start3A_339 : memref<1x128xi32, #tpu.memory_space<vmem>> -> memref<128xi32, #tpu.memory_space<vmem>>
    %dma_start3A_341 = arith.constant 0 : i32
    %dma_start3A_342 = tpu.memref_slice %arg4[%add3A, %dma_start3A_327, %dma_start3A_341] : memref<32x80x128xi32, #tpu.memory_space<hbm>> -> memref<1x1x128xi32, #tpu.memory_space<hbm>>
    %dma_start3A_343 = tpu.memref_squeeze %dma_start3A_342 : memref<1x1x128xi32, #tpu.memory_space<hbm>> -> memref<128xi32, #tpu.memory_space<hbm>>
    tpu.enqueue_dma source(%dma_start3A_343 : memref<128xi32, #tpu.memory_space<hbm>>) target(%dma_start3A_340 : memref<128xi32, #tpu.memory_space<vmem>>) target_semaphore(%dma_start3A_337 : memref<!tpu.dma_semaphore, #tpu.memory_space<semaphore_mem>>)
    %dma_start3A_344 = arith.constant 1 : i32
    %dma_start3A_345 = arith.constant 1 : i32
    %dma_start3A_346 = arith.constant 1 : i32
    %dma_start3A_347 = arith.constant 0 : i32
    %dma_start3A_348 = arith.constant 0 : i32
    %dma_start3A_349 = tpu.memref_slice %arg9[%dma_start3A_345, %dma_start3A_347, %dma_start3A_348] : memref<2x128x128xf32, #tpu.memory_space<vmem>> -> memref<1x128x128xf32, #tpu.memory_space<vmem>>
    %dma_start3A_350 = tpu.memref_squeeze %dma_start3A_349 : memref<1x128x128xf32, #tpu.memory_space<vmem>> -> memref<128x128xf32, #tpu.memory_space<vmem>>
    %dma_start3A_351 = arith.constant 0 : i32
    %dma_start3A_352 = tpu.memref_slice %arg7[%dma_start3A_344, %dma_start3A_351] : memref<4x128xi32, #tpu.memory_space<vmem>> -> memref<1x128xi32, #tpu.memory_space<vmem>>
    %dma_start3A_353 = tpu.memref_squeeze %dma_start3A_352 : memref<1x128xi32, #tpu.memory_space<vmem>> -> memref<128xi32, #tpu.memory_space<vmem>>
    %dma_start3A_354 = arith.constant 0 : i32
    %dma_start3A_355 = arith.constant 0 : i32
    %dma_start3A_356 = tpu.memref_slice %arg2[%dma_start3A_354, %dma_start3A_355] : memref<10000x128xf32, #tpu.memory_space<hbm>> -> memref<10000x128xf32, #tpu.memory_space<hbm>>
    %dma_start3A_357 = tpu.memref_slice %arg15[%dma_start3A_346] : memref<2x!tpu.dma_semaphore, #tpu.memory_space<semaphore_mem>> -> memref<1x!tpu.dma_semaphore, #tpu.memory_space<semaphore_mem>>
    %dma_start3A_358 = tpu.memref_squeeze %dma_start3A_357 : memref<1x!tpu.dma_semaphore, #tpu.memory_space<semaphore_mem>> -> memref<!tpu.dma_semaphore, #tpu.memory_space<semaphore_mem>>
    tpu.enqueue_indirect_dma source(%dma_start3A_356 : memref<10000x128xf32, #tpu.memory_space<hbm>>) target(%dma_start3A_350 : memref<128x128xf32, #tpu.memory_space<vmem>>) offsets(%dma_start3A_353 : memref<128xi32, #tpu.memory_space<vmem>>) semaphore(%dma_start3A_358 : memref<!tpu.dma_semaphore, #tpu.memory_space<semaphore_mem>>)
    %dma_wait3A_359 = arith.constant 1 : i32
    %dma_wait3A_360 = arith.constant 1 : i32
    %dma_wait3A_361 = arith.constant 1 : i32
    %dma_wait3A_362 = arith.constant 0 : i32
    %dma_wait3A_363 = arith.constant 0 : i32
    %dma_wait3A_364 = tpu.memref_slice %arg9[%dma_wait3A_360, %dma_wait3A_362, %dma_wait3A_363] : memref<2x128x128xf32, #tpu.memory_space<vmem>> -> memref<1x128x128xf32, #tpu.memory_space<vmem>>
    %dma_wait3A_365 = tpu.memref_squeeze %dma_wait3A_364 : memref<1x128x128xf32, #tpu.memory_space<vmem>> -> memref<128x128xf32, #tpu.memory_space<vmem>>
    %dma_wait3A_366 = arith.constant 0 : i32
    %dma_wait3A_367 = tpu.memref_slice %arg7[%dma_wait3A_359, %dma_wait3A_366] : memref<4x128xi32, #tpu.memory_space<vmem>> -> memref<1x128xi32, #tpu.memory_space<vmem>>
    %dma_wait3A_368 = tpu.memref_squeeze %dma_wait3A_367 : memref<1x128xi32, #tpu.memory_space<vmem>> -> memref<128xi32, #tpu.memory_space<vmem>>
    %dma_wait3A_369 = arith.constant 0 : i32
    %dma_wait3A_370 = arith.constant 0 : i32
    %dma_wait3A_371 = tpu.memref_slice %arg2[%dma_wait3A_369, %dma_wait3A_370] : memref<10000x128xf32, #tpu.memory_space<hbm>> -> memref<10000x128xf32, #tpu.memory_space<hbm>>
    %dma_wait3A_372 = tpu.memref_slice %arg15[%dma_wait3A_361] : memref<2x!tpu.dma_semaphore, #tpu.memory_space<semaphore_mem>> -> memref<1x!tpu.dma_semaphore, #tpu.memory_space<semaphore_mem>>
    %dma_wait3A_373 = tpu.memref_squeeze %dma_wait3A_372 : memref<1x!tpu.dma_semaphore, #tpu.memory_space<semaphore_mem>> -> memref<!tpu.dma_semaphore, #tpu.memory_space<semaphore_mem>>
    tpu.wait_indirect_dma semaphore(%dma_wait3A_373 : memref<!tpu.dma_semaphore, #tpu.memory_space<semaphore_mem>>) src(%dma_wait3A_371 : memref<10000x128xf32, #tpu.memory_space<hbm>>) dst(%dma_wait3A_365 : memref<128x128xf32, #tpu.memory_space<vmem>>)
    %dma_start3A_374 = arith.constant 1 : i32
    %dma_start3A_375 = arith.constant 1 : i32
    %dma_start3A_376 = arith.constant 1 : i32
    %dma_start3A_377 = arith.constant 0 : i32
    %dma_start3A_378 = arith.constant 0 : i32
    %dma_start3A_379 = tpu.memref_slice %arg9[%dma_start3A_374, %dma_start3A_377, %dma_start3A_378] : memref<2x128x128xf32, #tpu.memory_space<vmem>> -> memref<1x128x128xf32, #tpu.memory_space<vmem>>
    %dma_start3A_380 = tpu.memref_squeeze %dma_start3A_379 : memref<1x128x128xf32, #tpu.memory_space<vmem>> -> memref<128x128xf32, #tpu.memory_space<vmem>>
    %dma_start3A_381 = arith.constant 0 : i32
    %dma_start3A_382 = tpu.memref_slice %arg8[%dma_start3A_375, %dma_start3A_381] : memref<4x128xi32, #tpu.memory_space<vmem>> -> memref<1x128xi32, #tpu.memory_space<vmem>>
    %dma_start3A_383 = tpu.memref_squeeze %dma_start3A_382 : memref<1x128xi32, #tpu.memory_space<vmem>> -> memref<128xi32, #tpu.memory_space<vmem>>
    %dma_start3A_384 = arith.constant 0 : i32
    %dma_start3A_385 = arith.constant 0 : i32
    %dma_start3A_386 = tpu.memref_slice %arg12[%dma_start3A_384, %dma_start3A_385] : memref<10112x128xf32, #tpu.memory_space<vmem_shared>> -> memref<10112x128xf32, #tpu.memory_space<vmem_shared>>
    %dma_start3A_387 = tpu.memref_slice %arg16[%dma_start3A_376] : memref<2x!tpu.dma_semaphore, #tpu.memory_space<semaphore_mem>> -> memref<1x!tpu.dma_semaphore, #tpu.memory_space<semaphore_mem>>
    %dma_start3A_388 = tpu.memref_squeeze %dma_start3A_387 : memref<1x!tpu.dma_semaphore, #tpu.memory_space<semaphore_mem>> -> memref<!tpu.dma_semaphore, #tpu.memory_space<semaphore_mem>>
    tpu.enqueue_indirect_dma source(%dma_start3A_380 : memref<128x128xf32, #tpu.memory_space<vmem>>) target(%dma_start3A_386 : memref<10112x128xf32, #tpu.memory_space<vmem_shared>>) offsets(%dma_start3A_383 : memref<128xi32, #tpu.memory_space<vmem>>) semaphore(%dma_start3A_388 : memref<!tpu.dma_semaphore, #tpu.memory_space<semaphore_mem>>) {add = true}
    %dma_start3A_389 = arith.constant 1 : i32
    %dma_start3A_390 = arith.constant 1 : i32
    %dma_start3A_391 = arith.constant 0 : i32
    %dma_start3A_392 = tpu.memref_slice %arg8[%dma_start3A_389, %dma_start3A_391] : memref<4x128xi32, #tpu.memory_space<vmem>> -> memref<1x128xi32, #tpu.memory_space<vmem>>
    %dma_start3A_393 = tpu.memref_squeeze %dma_start3A_392 : memref<1x128xi32, #tpu.memory_space<vmem>> -> memref<128xi32, #tpu.memory_space<vmem>>
    %dma_start3A_394 = arith.constant 0 : i32
    %dma_start3A_395 = arith.constant 0 : i32
    %dma_start3A_396 = tpu.memref_slice %arg13[%dma_start3A_394, %dma_start3A_395] : memref<10112x16xf32, #tpu.memory_space<vmem_shared>> -> memref<10112x16xf32, #tpu.memory_space<vmem_shared>>
    %dma_start3A_397 = tpu.memref_slice %arg16[%dma_start3A_390] : memref<2x!tpu.dma_semaphore, #tpu.memory_space<semaphore_mem>> -> memref<1x!tpu.dma_semaphore, #tpu.memory_space<semaphore_mem>>
    %dma_start3A_398 = tpu.memref_squeeze %dma_start3A_397 : memref<1x!tpu.dma_semaphore, #tpu.memory_space<semaphore_mem>> -> memref<!tpu.dma_semaphore, #tpu.memory_space<semaphore_mem>>
    tpu.enqueue_indirect_dma source(%arg10 : memref<128x16xf32, #tpu.memory_space<vmem>>) target(%dma_start3A_396 : memref<10112x16xf32, #tpu.memory_space<vmem_shared>>) offsets(%dma_start3A_393 : memref<128xi32, #tpu.memory_space<vmem>>) semaphore(%dma_start3A_398 : memref<!tpu.dma_semaphore, #tpu.memory_space<semaphore_mem>>) {add = true}
    %scan3A_399 = arith.constant 0 : i32
    %scan3A_400 = arith.constant 2 : i32
    %scan3A_401 = arith.constant 78 : i32
    %scan3A_402 = arith.addi %scan3A_400, %scan3A_401 : i32
    %scan3A_403 = arith.constant 1 : i32
    %scan3A_404 = scf.for %scan3A_467 = %scan3A_400 to %scan3A_402 step %scan3A_403 iter_args(%scan3A_468 = %scan3A_399) -> (i32)  : i32 {
      %jit3A = arith.constant 2 : i32
      %eq3A = arith.constant 0 : i32
      %eq3A_469 = arith.cmpi eq, %jit3A, %eq3A : i32
      %jit3A_470 = arith.constant 1 : i32
      %select_n3A = arith.select %eq3A_469, %jit3A_470, %jit3A : i32
      %rem3A = arith.remsi %scan3A_467, %select_n3A : i32
      %ne3A = arith.constant 0 : i32
      %ne3A_471 = arith.cmpi ne, %rem3A, %ne3A : i32
      %lt3A = arith.constant 0 : i32
      %lt3A_472 = arith.cmpi slt, %rem3A, %lt3A : i32
      %lt3A_473 = arith.constant 0 : i32
      %lt3A_474 = arith.cmpi slt, %select_n3A, %lt3A_473 : i32
      %ne3A_475 = arith.xori %lt3A_472, %lt3A_474 : i1
      %and3A = arith.andi %ne3A_475, %ne3A_471 : i1
      %add3A_476 = arith.addi %rem3A, %select_n3A : i32
      %select_n3A_477 = arith.select %and3A, %add3A_476, %rem3A : i32
      %jit3A_478 = arith.constant 4 : i32
      %eq3A_479 = arith.constant 0 : i32
      %eq3A_480 = arith.cmpi eq, %jit3A_478, %eq3A_479 : i32
      %jit3A_481 = arith.constant 1 : i32
      %select_n3A_482 = arith.select %eq3A_480, %jit3A_481, %jit3A_478 : i32
      %rem3A_483 = arith.remsi %scan3A_467, %select_n3A_482 : i32
      %ne3A_484 = arith.constant 0 : i32
      %ne3A_485 = arith.cmpi ne, %rem3A_483, %ne3A_484 : i32
      %lt3A_486 = arith.constant 0 : i32
      %lt3A_487 = arith.cmpi slt, %rem3A_483, %lt3A_486 : i32
      %lt3A_488 = arith.constant 0 : i32
      %lt3A_489 = arith.cmpi slt, %select_n3A_482, %lt3A_488 : i32
      %ne3A_490 = arith.xori %lt3A_487, %lt3A_489 : i1
      %and3A_491 = arith.andi %ne3A_490, %ne3A_485 : i1
      %add3A_492 = arith.addi %rem3A_483, %select_n3A_482 : i32
      %select_n3A_493 = arith.select %and3A_491, %add3A_492, %rem3A_483 : i32
      %add3A_494 = arith.constant 2 : i32
      %add3A_495 = arith.addi %scan3A_467, %add3A_494 : i32
      %jit3A_496 = arith.constant 4 : i32
      %eq3A_497 = arith.constant 0 : i32
      %eq3A_498 = arith.cmpi eq, %jit3A_496, %eq3A_497 : i32
      %jit3A_499 = arith.constant 1 : i32
      %select_n3A_500 = arith.select %eq3A_498, %jit3A_499, %jit3A_496 : i32
      %rem3A_501 = arith.remsi %add3A_495, %select_n3A_500 : i32
      %ne3A_502 = arith.constant 0 : i32
      %ne3A_503 = arith.cmpi ne, %rem3A_501, %ne3A_502 : i32
      %lt3A_504 = arith.constant 0 : i32
      %lt3A_505 = arith.cmpi slt, %rem3A_501, %lt3A_504 : i32
      %lt3A_506 = arith.constant 0 : i32
      %lt3A_507 = arith.cmpi slt, %select_n3A_500, %lt3A_506 : i32
      %ne3A_508 = arith.xori %lt3A_505, %lt3A_507 : i1
      %and3A_509 = arith.andi %ne3A_508, %ne3A_503 : i1
      %add3A_510 = arith.addi %rem3A_501, %select_n3A_500 : i32
      %select_n3A_511 = arith.select %and3A_509, %add3A_510, %rem3A_501 : i32
      %dma_wait3A_512 = arith.constant 0 : i32
      %dma_wait3A_513 = arith.constant 0 : i32
      %dma_wait3A_514 = tpu.memref_slice %arg9[%select_n3A_477, %dma_wait3A_512, %dma_wait3A_513] : memref<2x128x128xf32, #tpu.memory_space<vmem>> -> memref<1x128x128xf32, #tpu.memory_space<vmem>>
      %dma_wait3A_515 = tpu.memref_squeeze %dma_wait3A_514 : memref<1x128x128xf32, #tpu.memory_space<vmem>> -> memref<128x128xf32, #tpu.memory_space<vmem>>
      %dma_wait3A_516 = arith.constant 0 : i32
      %dma_wait3A_517 = arith.constant 0 : i32
      %dma_wait3A_518 = tpu.memref_slice %arg2[%dma_wait3A_516, %dma_wait3A_517] : memref<10000x128xf32, #tpu.memory_space<hbm>> -> memref<128x128xf32, #tpu.memory_space<hbm>>
      %dma_wait3A_519 = tpu.memref_slice %arg16[%select_n3A_477] : memref<2x!tpu.dma_semaphore, #tpu.memory_space<semaphore_mem>> -> memref<1x!tpu.dma_semaphore, #tpu.memory_space<semaphore_mem>>
      %dma_wait3A_520 = tpu.memref_squeeze %dma_wait3A_519 : memref<1x!tpu.dma_semaphore, #tpu.memory_space<semaphore_mem>> -> memref<!tpu.dma_semaphore, #tpu.memory_space<semaphore_mem>>
      %dma_wait3A_521 = arith.constant 0 : i32
      %dma_wait3A_522 = arith.constant 0 : i32
      %dma_wait3A_523 = tpu.memref_slice %arg9[%select_n3A_477, %dma_wait3A_521, %dma_wait3A_522] : memref<2x128x128xf32, #tpu.memory_space<vmem>> -> memref<1x128x128xf32, #tpu.memory_space<vmem>>
      %dma_wait3A_524 = tpu.memref_squeeze %dma_wait3A_523 : memref<1x128x128xf32, #tpu.memory_space<vmem>> -> memref<128x128xf32, #tpu.memory_space<vmem>>
      %dma_wait3A_525 = arith.constant 0 : i32
      %dma_wait3A_526 = arith.constant 0 : i32
      %dma_wait3A_527 = tpu.memref_slice %arg2[%dma_wait3A_525, %dma_wait3A_526] : memref<10000x128xf32, #tpu.memory_space<hbm>> -> memref<128x128xf32, #tpu.memory_space<hbm>>
      tpu.wait_dma2 semaphore(%dma_wait3A_520 : memref<!tpu.dma_semaphore, #tpu.memory_space<semaphore_mem>>) src(%dma_wait3A_527 : memref<128x128xf32, #tpu.memory_space<hbm>>) dst(%dma_wait3A_524 : memref<128x128xf32, #tpu.memory_space<vmem>>)
      %dma_wait3A_528 = arith.constant 0 : i32
      %dma_wait3A_529 = arith.constant 0 : i32
      %dma_wait3A_530 = arith.constant 0 : i32
      %dma_wait3A_531 = tpu.memref_slice %arg6[%dma_wait3A_528, %dma_wait3A_529, %dma_wait3A_530] : memref<2x10112x16xf32, #tpu.memory_space<hbm>> -> memref<1x128x16xf32, #tpu.memory_space<hbm>>
      %dma_wait3A_532 = tpu.memref_squeeze %dma_wait3A_531 : memref<1x128x16xf32, #tpu.memory_space<hbm>> -> memref<128x16xf32, #tpu.memory_space<hbm>>
      %dma_wait3A_533 = tpu.memref_slice %arg16[%select_n3A_477] : memref<2x!tpu.dma_semaphore, #tpu.memory_space<semaphore_mem>> -> memref<1x!tpu.dma_semaphore, #tpu.memory_space<semaphore_mem>>
      %dma_wait3A_534 = tpu.memref_squeeze %dma_wait3A_533 : memref<1x!tpu.dma_semaphore, #tpu.memory_space<semaphore_mem>> -> memref<!tpu.dma_semaphore, #tpu.memory_space<semaphore_mem>>
      %dma_wait3A_535 = arith.constant 0 : i32
      %dma_wait3A_536 = arith.constant 0 : i32
      %dma_wait3A_537 = tpu.memref_slice %arg6[%dma_wait3A_528, %dma_wait3A_535, %dma_wait3A_536] : memref<2x10112x16xf32, #tpu.memory_space<hbm>> -> memref<1x128x16xf32, #tpu.memory_space<hbm>>
      %dma_wait3A_538 = tpu.memref_squeeze %dma_wait3A_537 : memref<1x128x16xf32, #tpu.memory_space<hbm>> -> memref<128x16xf32, #tpu.memory_space<hbm>>
      tpu.wait_dma2 semaphore(%dma_wait3A_534 : memref<!tpu.dma_semaphore, #tpu.memory_space<semaphore_mem>>) src(%dma_wait3A_538 : memref<128x16xf32, #tpu.memory_space<hbm>>) dst(%arg10 : memref<128x16xf32, #tpu.memory_space<vmem>>)
      %add3A_539 = arith.constant 2 : i32
      %add3A_540 = arith.addi %scan3A_467, %add3A_539 : i32
      %lt3A_541 = arith.constant 80 : i32
      %lt3A_542 = arith.cmpi slt, %add3A_540, %lt3A_541 : i32
      %convert_element_type3A = arith.extui %lt3A_542 : i1 to i32
      %cond3A = arith.constant 0 : i32
      %cond3A_543 = arith.cmpi ne, %convert_element_type3A, %cond3A : i32
      scf.if %cond3A_543 {
        %add3A_619 = arith.constant 2 : i32
        %add3A_620 = arith.addi %scan3A_467, %add3A_619 : i32
        %dma_start3A_621 = arith.constant 0 : i32
        %dma_start3A_622 = tpu.memref_slice %arg7[%select_n3A_511, %dma_start3A_621] : memref<4x128xi32, #tpu.memory_space<vmem>> -> memref<1x128xi32, #tpu.memory_space<vmem>>
        %dma_start3A_623 = tpu.memref_squeeze %dma_start3A_622 : memref<1x128xi32, #tpu.memory_space<vmem>> -> memref<128xi32, #tpu.memory_space<vmem>>
        %dma_start3A_624 = arith.constant 0 : i32
        %dma_start3A_625 = tpu.memref_slice %arg3[%add3A, %add3A_620, %dma_start3A_624] : memref<32x80x128xi32, #tpu.memory_space<hbm>> -> memref<1x1x128xi32, #tpu.memory_space<hbm>>
        %dma_start3A_626 = tpu.memref_squeeze %dma_start3A_625 : memref<1x1x128xi32, #tpu.memory_space<hbm>> -> memref<128xi32, #tpu.memory_space<hbm>>
        %dma_start3A_627 = tpu.memref_slice %arg14[%select_n3A_511] : memref<4x!tpu.dma_semaphore, #tpu.memory_space<semaphore_mem>> -> memref<1x!tpu.dma_semaphore, #tpu.memory_space<semaphore_mem>>
        %dma_start3A_628 = tpu.memref_squeeze %dma_start3A_627 : memref<1x!tpu.dma_semaphore, #tpu.memory_space<semaphore_mem>> -> memref<!tpu.dma_semaphore, #tpu.memory_space<semaphore_mem>>
        %dma_start3A_629 = arith.constant 0 : i32
        %dma_start3A_630 = tpu.memref_slice %arg7[%select_n3A_511, %dma_start3A_629] : memref<4x128xi32, #tpu.memory_space<vmem>> -> memref<1x128xi32, #tpu.memory_space<vmem>>
        %dma_start3A_631 = tpu.memref_squeeze %dma_start3A_630 : memref<1x128xi32, #tpu.memory_space<vmem>> -> memref<128xi32, #tpu.memory_space<vmem>>
        %dma_start3A_632 = arith.constant 0 : i32
        %dma_start3A_633 = tpu.memref_slice %arg3[%add3A, %add3A_620, %dma_start3A_632] : memref<32x80x128xi32, #tpu.memory_space<hbm>> -> memref<1x1x128xi32, #tpu.memory_space<hbm>>
        %dma_start3A_634 = tpu.memref_squeeze %dma_start3A_633 : memref<1x1x128xi32, #tpu.memory_space<hbm>> -> memref<128xi32, #tpu.memory_space<hbm>>
        tpu.enqueue_dma source(%dma_start3A_634 : memref<128xi32, #tpu.memory_space<hbm>>) target(%dma_start3A_631 : memref<128xi32, #tpu.memory_space<vmem>>) target_semaphore(%dma_start3A_628 : memref<!tpu.dma_semaphore, #tpu.memory_space<semaphore_mem>>)
        %dma_start3A_635 = arith.constant 0 : i32
        %dma_start3A_636 = tpu.memref_slice %arg8[%select_n3A_511, %dma_start3A_635] : memref<4x128xi32, #tpu.memory_space<vmem>> -> memref<1x128xi32, #tpu.memory_space<vmem>>
        %dma_start3A_637 = tpu.memref_squeeze %dma_start3A_636 : memref<1x128xi32, #tpu.memory_space<vmem>> -> memref<128xi32, #tpu.memory_space<vmem>>
        %dma_start3A_638 = arith.constant 0 : i32
        %dma_start3A_639 = tpu.memref_slice %arg4[%add3A, %add3A_620, %dma_start3A_638] : memref<32x80x128xi32, #tpu.memory_space<hbm>> -> memref<1x1x128xi32, #tpu.memory_space<hbm>>
        %dma_start3A_640 = tpu.memref_squeeze %dma_start3A_639 : memref<1x1x128xi32, #tpu.memory_space<hbm>> -> memref<128xi32, #tpu.memory_space<hbm>>
        %dma_start3A_641 = tpu.memref_slice %arg14[%select_n3A_511] : memref<4x!tpu.dma_semaphore, #tpu.memory_space<semaphore_mem>> -> memref<1x!tpu.dma_semaphore, #tpu.memory_space<semaphore_mem>>
        %dma_start3A_642 = tpu.memref_squeeze %dma_start3A_641 : memref<1x!tpu.dma_semaphore, #tpu.memory_space<semaphore_mem>> -> memref<!tpu.dma_semaphore, #tpu.memory_space<semaphore_mem>>
        %dma_start3A_643 = arith.constant 0 : i32
        %dma_start3A_644 = tpu.memref_slice %arg8[%select_n3A_511, %dma_start3A_643] : memref<4x128xi32, #tpu.memory_space<vmem>> -> memref<1x128xi32, #tpu.memory_space<vmem>>
        %dma_start3A_645 = tpu.memref_squeeze %dma_start3A_644 : memref<1x128xi32, #tpu.memory_space<vmem>> -> memref<128xi32, #tpu.memory_space<vmem>>
        %dma_start3A_646 = arith.constant 0 : i32
        %dma_start3A_647 = tpu.memref_slice %arg4[%add3A, %add3A_620, %dma_start3A_646] : memref<32x80x128xi32, #tpu.memory_space<hbm>> -> memref<1x1x128xi32, #tpu.memory_space<hbm>>
        %dma_start3A_648 = tpu.memref_squeeze %dma_start3A_647 : memref<1x1x128xi32, #tpu.memory_space<hbm>> -> memref<128xi32, #tpu.memory_space<hbm>>
        tpu.enqueue_dma source(%dma_start3A_648 : memref<128xi32, #tpu.memory_space<hbm>>) target(%dma_start3A_645 : memref<128xi32, #tpu.memory_space<vmem>>) target_semaphore(%dma_start3A_642 : memref<!tpu.dma_semaphore, #tpu.memory_space<semaphore_mem>>)
      } else {
      }
      %dma_wait3A_544 = arith.constant 0 : i32
      %dma_wait3A_545 = arith.constant 0 : i32
      %dma_wait3A_546 = tpu.memref_slice %arg7[%select_n3A_493, %dma_wait3A_545] : memref<4x128xi32, #tpu.memory_space<vmem>> -> memref<1x128xi32, #tpu.memory_space<vmem>>
      %dma_wait3A_547 = tpu.memref_squeeze %dma_wait3A_546 : memref<1x128xi32, #tpu.memory_space<vmem>> -> memref<128xi32, #tpu.memory_space<vmem>>
      %dma_wait3A_548 = arith.constant 0 : i32
      %dma_wait3A_549 = tpu.memref_slice %arg3[%add3A, %dma_wait3A_544, %dma_wait3A_548] : memref<32x80x128xi32, #tpu.memory_space<hbm>> -> memref<1x1x128xi32, #tpu.memory_space<hbm>>
      %dma_wait3A_550 = tpu.memref_squeeze %dma_wait3A_549 : memref<1x1x128xi32, #tpu.memory_space<hbm>> -> memref<128xi32, #tpu.memory_space<hbm>>
      %dma_wait3A_551 = tpu.memref_slice %arg14[%select_n3A_493] : memref<4x!tpu.dma_semaphore, #tpu.memory_space<semaphore_mem>> -> memref<1x!tpu.dma_semaphore, #tpu.memory_space<semaphore_mem>>
      %dma_wait3A_552 = tpu.memref_squeeze %dma_wait3A_551 : memref<1x!tpu.dma_semaphore, #tpu.memory_space<semaphore_mem>> -> memref<!tpu.dma_semaphore, #tpu.memory_space<semaphore_mem>>
      %dma_wait3A_553 = arith.constant 0 : i32
      %dma_wait3A_554 = tpu.memref_slice %arg7[%select_n3A_493, %dma_wait3A_553] : memref<4x128xi32, #tpu.memory_space<vmem>> -> memref<1x128xi32, #tpu.memory_space<vmem>>
      %dma_wait3A_555 = tpu.memref_squeeze %dma_wait3A_554 : memref<1x128xi32, #tpu.memory_space<vmem>> -> memref<128xi32, #tpu.memory_space<vmem>>
      %dma_wait3A_556 = arith.constant 0 : i32
      %dma_wait3A_557 = tpu.memref_slice %arg3[%add3A, %dma_wait3A_544, %dma_wait3A_556] : memref<32x80x128xi32, #tpu.memory_space<hbm>> -> memref<1x1x128xi32, #tpu.memory_space<hbm>>
      %dma_wait3A_558 = tpu.memref_squeeze %dma_wait3A_557 : memref<1x1x128xi32, #tpu.memory_space<hbm>> -> memref<128xi32, #tpu.memory_space<hbm>>
      tpu.wait_dma2 semaphore(%dma_wait3A_552 : memref<!tpu.dma_semaphore, #tpu.memory_space<semaphore_mem>>) src(%dma_wait3A_558 : memref<128xi32, #tpu.memory_space<hbm>>) dst(%dma_wait3A_555 : memref<128xi32, #tpu.memory_space<vmem>>)
      %dma_wait3A_559 = arith.constant 0 : i32
      %dma_wait3A_560 = arith.constant 0 : i32
      %dma_wait3A_561 = tpu.memref_slice %arg7[%select_n3A_493, %dma_wait3A_560] : memref<4x128xi32, #tpu.memory_space<vmem>> -> memref<1x128xi32, #tpu.memory_space<vmem>>
      %dma_wait3A_562 = tpu.memref_squeeze %dma_wait3A_561 : memref<1x128xi32, #tpu.memory_space<vmem>> -> memref<128xi32, #tpu.memory_space<vmem>>
      %dma_wait3A_563 = arith.constant 0 : i32
      %dma_wait3A_564 = tpu.memref_slice %arg3[%add3A, %dma_wait3A_559, %dma_wait3A_563] : memref<32x80x128xi32, #tpu.memory_space<hbm>> -> memref<1x1x128xi32, #tpu.memory_space<hbm>>
      %dma_wait3A_565 = tpu.memref_squeeze %dma_wait3A_564 : memref<1x1x128xi32, #tpu.memory_space<hbm>> -> memref<128xi32, #tpu.memory_space<hbm>>
      %dma_wait3A_566 = tpu.memref_slice %arg14[%select_n3A_493] : memref<4x!tpu.dma_semaphore, #tpu.memory_space<semaphore_mem>> -> memref<1x!tpu.dma_semaphore, #tpu.memory_space<semaphore_mem>>
      %dma_wait3A_567 = tpu.memref_squeeze %dma_wait3A_566 : memref<1x!tpu.dma_semaphore, #tpu.memory_space<semaphore_mem>> -> memref<!tpu.dma_semaphore, #tpu.memory_space<semaphore_mem>>
      %dma_wait3A_568 = arith.constant 0 : i32
      %dma_wait3A_569 = tpu.memref_slice %arg7[%select_n3A_493, %dma_wait3A_568] : memref<4x128xi32, #tpu.memory_space<vmem>> -> memref<1x128xi32, #tpu.memory_space<vmem>>
      %dma_wait3A_570 = tpu.memref_squeeze %dma_wait3A_569 : memref<1x128xi32, #tpu.memory_space<vmem>> -> memref<128xi32, #tpu.memory_space<vmem>>
      %dma_wait3A_571 = arith.constant 0 : i32
      %dma_wait3A_572 = tpu.memref_slice %arg3[%add3A, %dma_wait3A_559, %dma_wait3A_571] : memref<32x80x128xi32, #tpu.memory_space<hbm>> -> memref<1x1x128xi32, #tpu.memory_space<hbm>>
      %dma_wait3A_573 = tpu.memref_squeeze %dma_wait3A_572 : memref<1x1x128xi32, #tpu.memory_space<hbm>> -> memref<128xi32, #tpu.memory_space<hbm>>
      tpu.wait_dma2 semaphore(%dma_wait3A_567 : memref<!tpu.dma_semaphore, #tpu.memory_space<semaphore_mem>>) src(%dma_wait3A_573 : memref<128xi32, #tpu.memory_space<hbm>>) dst(%dma_wait3A_570 : memref<128xi32, #tpu.memory_space<vmem>>)
      %dma_start3A_574 = arith.constant 0 : i32
      %dma_start3A_575 = arith.constant 0 : i32
      %dma_start3A_576 = tpu.memref_slice %arg9[%select_n3A_477, %dma_start3A_574, %dma_start3A_575] : memref<2x128x128xf32, #tpu.memory_space<vmem>> -> memref<1x128x128xf32, #tpu.memory_space<vmem>>
      %dma_start3A_577 = tpu.memref_squeeze %dma_start3A_576 : memref<1x128x128xf32, #tpu.memory_space<vmem>> -> memref<128x128xf32, #tpu.memory_space<vmem>>
      %dma_start3A_578 = arith.constant 0 : i32
      %dma_start3A_579 = tpu.memref_slice %arg7[%select_n3A_493, %dma_start3A_578] : memref<4x128xi32, #tpu.memory_space<vmem>> -> memref<1x128xi32, #tpu.memory_space<vmem>>
      %dma_start3A_580 = tpu.memref_squeeze %dma_start3A_579 : memref<1x128xi32, #tpu.memory_space<vmem>> -> memref<128xi32, #tpu.memory_space<vmem>>
      %dma_start3A_581 = arith.constant 0 : i32
      %dma_start3A_582 = arith.constant 0 : i32
      %dma_start3A_583 = tpu.memref_slice %arg2[%dma_start3A_581, %dma_start3A_582] : memref<10000x128xf32, #tpu.memory_space<hbm>> -> memref<10000x128xf32, #tpu.memory_space<hbm>>
      %dma_start3A_584 = tpu.memref_slice %arg15[%select_n3A_477] : memref<2x!tpu.dma_semaphore, #tpu.memory_space<semaphore_mem>> -> memref<1x!tpu.dma_semaphore, #tpu.memory_space<semaphore_mem>>
      %dma_start3A_585 = tpu.memref_squeeze %dma_start3A_584 : memref<1x!tpu.dma_semaphore, #tpu.memory_space<semaphore_mem>> -> memref<!tpu.dma_semaphore, #tpu.memory_space<semaphore_mem>>
      tpu.enqueue_indirect_dma source(%dma_start3A_583 : memref<10000x128xf32, #tpu.memory_space<hbm>>) target(%dma_start3A_577 : memref<128x128xf32, #tpu.memory_space<vmem>>) offsets(%dma_start3A_580 : memref<128xi32, #tpu.memory_space<vmem>>) semaphore(%dma_start3A_585 : memref<!tpu.dma_semaphore, #tpu.memory_space<semaphore_mem>>)
      %dma_wait3A_586 = arith.constant 0 : i32
      %dma_wait3A_587 = arith.constant 0 : i32
      %dma_wait3A_588 = tpu.memref_slice %arg9[%select_n3A_477, %dma_wait3A_586, %dma_wait3A_587] : memref<2x128x128xf32, #tpu.memory_space<vmem>> -> memref<1x128x128xf32, #tpu.memory_space<vmem>>
      %dma_wait3A_589 = tpu.memref_squeeze %dma_wait3A_588 : memref<1x128x128xf32, #tpu.memory_space<vmem>> -> memref<128x128xf32, #tpu.memory_space<vmem>>
      %dma_wait3A_590 = arith.constant 0 : i32
      %dma_wait3A_591 = tpu.memref_slice %arg7[%select_n3A_493, %dma_wait3A_590] : memref<4x128xi32, #tpu.memory_space<vmem>> -> memref<1x128xi32, #tpu.memory_space<vmem>>
      %dma_wait3A_592 = tpu.memref_squeeze %dma_wait3A_591 : memref<1x128xi32, #tpu.memory_space<vmem>> -> memref<128xi32, #tpu.memory_space<vmem>>
      %dma_wait3A_593 = arith.constant 0 : i32
      %dma_wait3A_594 = arith.constant 0 : i32
      %dma_wait3A_595 = tpu.memref_slice %arg2[%dma_wait3A_593, %dma_wait3A_594] : memref<10000x128xf32, #tpu.memory_space<hbm>> -> memref<10000x128xf32, #tpu.memory_space<hbm>>
      %dma_wait3A_596 = tpu.memref_slice %arg15[%select_n3A_477] : memref<2x!tpu.dma_semaphore, #tpu.memory_space<semaphore_mem>> -> memref<1x!tpu.dma_semaphore, #tpu.memory_space<semaphore_mem>>
      %dma_wait3A_597 = tpu.memref_squeeze %dma_wait3A_596 : memref<1x!tpu.dma_semaphore, #tpu.memory_space<semaphore_mem>> -> memref<!tpu.dma_semaphore, #tpu.memory_space<semaphore_mem>>
      tpu.wait_indirect_dma semaphore(%dma_wait3A_597 : memref<!tpu.dma_semaphore, #tpu.memory_space<semaphore_mem>>) src(%dma_wait3A_595 : memref<10000x128xf32, #tpu.memory_space<hbm>>) dst(%dma_wait3A_589 : memref<128x128xf32, #tpu.memory_space<vmem>>)
      %dma_start3A_598 = arith.constant 0 : i32
      %dma_start3A_599 = arith.constant 0 : i32
      %dma_start3A_600 = tpu.memref_slice %arg9[%select_n3A_477, %dma_start3A_598, %dma_start3A_599] : memref<2x128x128xf32, #tpu.memory_space<vmem>> -> memref<1x128x128xf32, #tpu.memory_space<vmem>>
      %dma_start3A_601 = tpu.memref_squeeze %dma_start3A_600 : memref<1x128x128xf32, #tpu.memory_space<vmem>> -> memref<128x128xf32, #tpu.memory_space<vmem>>
      %dma_start3A_602 = arith.constant 0 : i32
      %dma_start3A_603 = tpu.memref_slice %arg8[%select_n3A_493, %dma_start3A_602] : memref<4x128xi32, #tpu.memory_space<vmem>> -> memref<1x128xi32, #tpu.memory_space<vmem>>
      %dma_start3A_604 = tpu.memref_squeeze %dma_start3A_603 : memref<1x128xi32, #tpu.memory_space<vmem>> -> memref<128xi32, #tpu.memory_space<vmem>>
      %dma_start3A_605 = arith.constant 0 : i32
      %dma_start3A_606 = arith.constant 0 : i32
      %dma_start3A_607 = tpu.memref_slice %arg12[%dma_start3A_605, %dma_start3A_606] : memref<10112x128xf32, #tpu.memory_space<vmem_shared>> -> memref<10112x128xf32, #tpu.memory_space<vmem_shared>>
      %dma_start3A_608 = tpu.memref_slice %arg16[%select_n3A_477] : memref<2x!tpu.dma_semaphore, #tpu.memory_space<semaphore_mem>> -> memref<1x!tpu.dma_semaphore, #tpu.memory_space<semaphore_mem>>
      %dma_start3A_609 = tpu.memref_squeeze %dma_start3A_608 : memref<1x!tpu.dma_semaphore, #tpu.memory_space<semaphore_mem>> -> memref<!tpu.dma_semaphore, #tpu.memory_space<semaphore_mem>>
      tpu.enqueue_indirect_dma source(%dma_start3A_601 : memref<128x128xf32, #tpu.memory_space<vmem>>) target(%dma_start3A_607 : memref<10112x128xf32, #tpu.memory_space<vmem_shared>>) offsets(%dma_start3A_604 : memref<128xi32, #tpu.memory_space<vmem>>) semaphore(%dma_start3A_609 : memref<!tpu.dma_semaphore, #tpu.memory_space<semaphore_mem>>) {add = true}
      %dma_start3A_610 = arith.constant 0 : i32
      %dma_start3A_611 = tpu.memref_slice %arg8[%select_n3A_493, %dma_start3A_610] : memref<4x128xi32, #tpu.memory_space<vmem>> -> memref<1x128xi32, #tpu.memory_space<vmem>>
      %dma_start3A_612 = tpu.memref_squeeze %dma_start3A_611 : memref<1x128xi32, #tpu.memory_space<vmem>> -> memref<128xi32, #tpu.memory_space<vmem>>
      %dma_start3A_613 = arith.constant 0 : i32
      %dma_start3A_614 = arith.constant 0 : i32
      %dma_start3A_615 = tpu.memref_slice %arg13[%dma_start3A_613, %dma_start3A_614] : memref<10112x16xf32, #tpu.memory_space<vmem_shared>> -> memref<10112x16xf32, #tpu.memory_space<vmem_shared>>
      %dma_start3A_616 = tpu.memref_slice %arg16[%select_n3A_477] : memref<2x!tpu.dma_semaphore, #tpu.memory_space<semaphore_mem>> -> memref<1x!tpu.dma_semaphore, #tpu.memory_space<semaphore_mem>>
      %dma_start3A_617 = tpu.memref_squeeze %dma_start3A_616 : memref<1x!tpu.dma_semaphore, #tpu.memory_space<semaphore_mem>> -> memref<!tpu.dma_semaphore, #tpu.memory_space<semaphore_mem>>
      tpu.enqueue_indirect_dma source(%arg10 : memref<128x16xf32, #tpu.memory_space<vmem>>) target(%dma_start3A_615 : memref<10112x16xf32, #tpu.memory_space<vmem_shared>>) offsets(%dma_start3A_612 : memref<128xi32, #tpu.memory_space<vmem>>) semaphore(%dma_start3A_617 : memref<!tpu.dma_semaphore, #tpu.memory_space<semaphore_mem>>) {add = true}
      %scan3A_618 = arith.constant 0 : i32
      scf.yield %scan3A_618 : i32
    }
    %scan3A_405 = arith.constant 78 : i32
    %dma_wait3A_406 = arith.constant 0 : i32
    %dma_wait3A_407 = arith.constant 0 : i32
    %dma_wait3A_408 = arith.constant 0 : i32
    %dma_wait3A_409 = arith.constant 0 : i32
    %dma_wait3A_410 = tpu.memref_slice %arg9[%dma_wait3A_406, %dma_wait3A_408, %dma_wait3A_409] : memref<2x128x128xf32, #tpu.memory_space<vmem>> -> memref<1x128x128xf32, #tpu.memory_space<vmem>>
    %dma_wait3A_411 = tpu.memref_squeeze %dma_wait3A_410 : memref<1x128x128xf32, #tpu.memory_space<vmem>> -> memref<128x128xf32, #tpu.memory_space<vmem>>
    %dma_wait3A_412 = arith.constant 0 : i32
    %dma_wait3A_413 = arith.constant 0 : i32
    %dma_wait3A_414 = tpu.memref_slice %arg2[%dma_wait3A_412, %dma_wait3A_413] : memref<10000x128xf32, #tpu.memory_space<hbm>> -> memref<128x128xf32, #tpu.memory_space<hbm>>
    %dma_wait3A_415 = tpu.memref_slice %arg16[%dma_wait3A_407] : memref<2x!tpu.dma_semaphore, #tpu.memory_space<semaphore_mem>> -> memref<1x!tpu.dma_semaphore, #tpu.memory_space<semaphore_mem>>
    %dma_wait3A_416 = tpu.memref_squeeze %dma_wait3A_415 : memref<1x!tpu.dma_semaphore, #tpu.memory_space<semaphore_mem>> -> memref<!tpu.dma_semaphore, #tpu.memory_space<semaphore_mem>>
    %dma_wait3A_417 = arith.constant 0 : i32
    %dma_wait3A_418 = arith.constant 0 : i32
    %dma_wait3A_419 = tpu.memref_slice %arg9[%dma_wait3A_406, %dma_wait3A_417, %dma_wait3A_418] : memref<2x128x128xf32, #tpu.memory_space<vmem>> -> memref<1x128x128xf32, #tpu.memory_space<vmem>>
    %dma_wait3A_420 = tpu.memref_squeeze %dma_wait3A_419 : memref<1x128x128xf32, #tpu.memory_space<vmem>> -> memref<128x128xf32, #tpu.memory_space<vmem>>
    %dma_wait3A_421 = arith.constant 0 : i32
    %dma_wait3A_422 = arith.constant 0 : i32
    %dma_wait3A_423 = tpu.memref_slice %arg2[%dma_wait3A_421, %dma_wait3A_422] : memref<10000x128xf32, #tpu.memory_space<hbm>> -> memref<128x128xf32, #tpu.memory_space<hbm>>
    tpu.wait_dma2 semaphore(%dma_wait3A_416 : memref<!tpu.dma_semaphore, #tpu.memory_space<semaphore_mem>>) src(%dma_wait3A_423 : memref<128x128xf32, #tpu.memory_space<hbm>>) dst(%dma_wait3A_420 : memref<128x128xf32, #tpu.memory_space<vmem>>)
    %dma_wait3A_424 = arith.constant 0 : i32
    %dma_wait3A_425 = arith.constant 0 : i32
    %dma_wait3A_426 = arith.constant 0 : i32
    %dma_wait3A_427 = arith.constant 0 : i32
    %dma_wait3A_428 = tpu.memref_slice %arg6[%dma_wait3A_424, %dma_wait3A_426, %dma_wait3A_427] : memref<2x10112x16xf32, #tpu.memory_space<hbm>> -> memref<1x128x16xf32, #tpu.memory_space<hbm>>
    %dma_wait3A_429 = tpu.memref_squeeze %dma_wait3A_428 : memref<1x128x16xf32, #tpu.memory_space<hbm>> -> memref<128x16xf32, #tpu.memory_space<hbm>>
    %dma_wait3A_430 = tpu.memref_slice %arg16[%dma_wait3A_425] : memref<2x!tpu.dma_semaphore, #tpu.memory_space<semaphore_mem>> -> memref<1x!tpu.dma_semaphore, #tpu.memory_space<semaphore_mem>>
    %dma_wait3A_431 = tpu.memref_squeeze %dma_wait3A_430 : memref<1x!tpu.dma_semaphore, #tpu.memory_space<semaphore_mem>> -> memref<!tpu.dma_semaphore, #tpu.memory_space<semaphore_mem>>
    %dma_wait3A_432 = arith.constant 0 : i32
    %dma_wait3A_433 = arith.constant 0 : i32
    %dma_wait3A_434 = tpu.memref_slice %arg6[%dma_wait3A_424, %dma_wait3A_432, %dma_wait3A_433] : memref<2x10112x16xf32, #tpu.memory_space<hbm>> -> memref<1x128x16xf32, #tpu.memory_space<hbm>>
    %dma_wait3A_435 = tpu.memref_squeeze %dma_wait3A_434 : memref<1x128x16xf32, #tpu.memory_space<hbm>> -> memref<128x16xf32, #tpu.memory_space<hbm>>
    tpu.wait_dma2 semaphore(%dma_wait3A_431 : memref<!tpu.dma_semaphore, #tpu.memory_space<semaphore_mem>>) src(%dma_wait3A_435 : memref<128x16xf32, #tpu.memory_space<hbm>>) dst(%arg10 : memref<128x16xf32, #tpu.memory_space<vmem>>)
    %dma_wait3A_436 = arith.constant 1 : i32
    %dma_wait3A_437 = arith.constant 1 : i32
    %dma_wait3A_438 = arith.constant 0 : i32
    %dma_wait3A_439 = arith.constant 0 : i32
    %dma_wait3A_440 = tpu.memref_slice %arg9[%dma_wait3A_436, %dma_wait3A_438, %dma_wait3A_439] : memref<2x128x128xf32, #tpu.memory_space<vmem>> -> memref<1x128x128xf32, #tpu.memory_space<vmem>>
    %dma_wait3A_441 = tpu.memref_squeeze %dma_wait3A_440 : memref<1x128x128xf32, #tpu.memory_space<vmem>> -> memref<128x128xf32, #tpu.memory_space<vmem>>
    %dma_wait3A_442 = arith.constant 0 : i32
    %dma_wait3A_443 = arith.constant 0 : i32
    %dma_wait3A_444 = tpu.memref_slice %arg2[%dma_wait3A_442, %dma_wait3A_443] : memref<10000x128xf32, #tpu.memory_space<hbm>> -> memref<128x128xf32, #tpu.memory_space<hbm>>
    %dma_wait3A_445 = tpu.memref_slice %arg16[%dma_wait3A_437] : memref<2x!tpu.dma_semaphore, #tpu.memory_space<semaphore_mem>> -> memref<1x!tpu.dma_semaphore, #tpu.memory_space<semaphore_mem>>
    %dma_wait3A_446 = tpu.memref_squeeze %dma_wait3A_445 : memref<1x!tpu.dma_semaphore, #tpu.memory_space<semaphore_mem>> -> memref<!tpu.dma_semaphore, #tpu.memory_space<semaphore_mem>>
    %dma_wait3A_447 = arith.constant 0 : i32
    %dma_wait3A_448 = arith.constant 0 : i32
    %dma_wait3A_449 = tpu.memref_slice %arg9[%dma_wait3A_436, %dma_wait3A_447, %dma_wait3A_448] : memref<2x128x128xf32, #tpu.memory_space<vmem>> -> memref<1x128x128xf32, #tpu.memory_space<vmem>>
    %dma_wait3A_450 = tpu.memref_squeeze %dma_wait3A_449 : memref<1x128x128xf32, #tpu.memory_space<vmem>> -> memref<128x128xf32, #tpu.memory_space<vmem>>
    %dma_wait3A_451 = arith.constant 0 : i32
    %dma_wait3A_452 = arith.constant 0 : i32
    %dma_wait3A_453 = tpu.memref_slice %arg2[%dma_wait3A_451, %dma_wait3A_452] : memref<10000x128xf32, #tpu.memory_space<hbm>> -> memref<128x128xf32, #tpu.memory_space<hbm>>
    tpu.wait_dma2 semaphore(%dma_wait3A_446 : memref<!tpu.dma_semaphore, #tpu.memory_space<semaphore_mem>>) src(%dma_wait3A_453 : memref<128x128xf32, #tpu.memory_space<hbm>>) dst(%dma_wait3A_450 : memref<128x128xf32, #tpu.memory_space<vmem>>)
    %dma_wait3A_454 = arith.constant 0 : i32
    %dma_wait3A_455 = arith.constant 1 : i32
    %dma_wait3A_456 = arith.constant 0 : i32
    %dma_wait3A_457 = arith.constant 0 : i32
    %dma_wait3A_458 = tpu.memref_slice %arg6[%dma_wait3A_454, %dma_wait3A_456, %dma_wait3A_457] : memref<2x10112x16xf32, #tpu.memory_space<hbm>> -> memref<1x128x16xf32, #tpu.memory_space<hbm>>
    %dma_wait3A_459 = tpu.memref_squeeze %dma_wait3A_458 : memref<1x128x16xf32, #tpu.memory_space<hbm>> -> memref<128x16xf32, #tpu.memory_space<hbm>>
    %dma_wait3A_460 = tpu.memref_slice %arg16[%dma_wait3A_455] : memref<2x!tpu.dma_semaphore, #tpu.memory_space<semaphore_mem>> -> memref<1x!tpu.dma_semaphore, #tpu.memory_space<semaphore_mem>>
    %dma_wait3A_461 = tpu.memref_squeeze %dma_wait3A_460 : memref<1x!tpu.dma_semaphore, #tpu.memory_space<semaphore_mem>> -> memref<!tpu.dma_semaphore, #tpu.memory_space<semaphore_mem>>
    %dma_wait3A_462 = arith.constant 0 : i32
    %dma_wait3A_463 = arith.constant 0 : i32
    %dma_wait3A_464 = tpu.memref_slice %arg6[%dma_wait3A_454, %dma_wait3A_462, %dma_wait3A_463] : memref<2x10112x16xf32, #tpu.memory_space<hbm>> -> memref<1x128x16xf32, #tpu.memory_space<hbm>>
    %dma_wait3A_465 = tpu.memref_squeeze %dma_wait3A_464 : memref<1x128x16xf32, #tpu.memory_space<hbm>> -> memref<128x16xf32, #tpu.memory_space<hbm>>
    tpu.wait_dma2 semaphore(%dma_wait3A_461 : memref<!tpu.dma_semaphore, #tpu.memory_space<semaphore_mem>>) src(%dma_wait3A_465 : memref<128x16xf32, #tpu.memory_space<hbm>>) dst(%arg10 : memref<128x16xf32, #tpu.memory_space<vmem>>)
    %barrier3A_466 = arith.constant 0 : index
    tpu.barrier barrier_id(%barrier3A_466)
    "tpu.region"() ({
      %run_scoped3A_467 = tpu.sem_alloc : memref<!tpu.dma_semaphore, #tpu.memory_space<semaphore_mem>>
      %dma_start3A_468 = arith.constant 0 : i32
      %dma_start3A_469 = tpu.memref_slice %arg5[%arg0, %mul3A_65, %dma_start3A_468] : memref<2x10112x128xf32, #tpu.memory_space<hbm>> -> memref<1x632x128xf32, #tpu.memory_space<hbm>>
      %dma_start3A_470 = tpu.memref_squeeze %dma_start3A_469 : memref<1x632x128xf32, #tpu.memory_space<hbm>> -> memref<632x128xf32, #tpu.memory_space<hbm>>
      %dma_start3A_471 = arith.constant 0 : i32
      %dma_start3A_472 = tpu.memref_slice %arg12[%mul3A_65, %dma_start3A_471] : memref<10112x128xf32, #tpu.memory_space<vmem_shared>> -> memref<632x128xf32, #tpu.memory_space<vmem_shared>>
      tpu.enqueue_dma source(%dma_start3A_472 : memref<632x128xf32, #tpu.memory_space<vmem_shared>>) target(%dma_start3A_470 : memref<632x128xf32, #tpu.memory_space<hbm>>) target_semaphore(%run_scoped3A_467 : memref<!tpu.dma_semaphore, #tpu.memory_space<semaphore_mem>>)
      %dma_wait3A_473 = arith.constant 0 : i32
      %dma_wait3A_474 = tpu.memref_slice %arg5[%arg0, %mul3A_65, %dma_wait3A_473] : memref<2x10112x128xf32, #tpu.memory_space<hbm>> -> memref<1x632x128xf32, #tpu.memory_space<hbm>>
      %dma_wait3A_475 = tpu.memref_squeeze %dma_wait3A_474 : memref<1x632x128xf32, #tpu.memory_space<hbm>> -> memref<632x128xf32, #tpu.memory_space<hbm>>
      %dma_wait3A_476 = arith.constant 0 : i32
      %dma_wait3A_477 = tpu.memref_slice %arg12[%mul3A_65, %dma_wait3A_476] : memref<10112x128xf32, #tpu.memory_space<vmem_shared>> -> memref<632x128xf32, #tpu.memory_space<vmem_shared>>
      tpu.wait_dma2 semaphore(%run_scoped3A_467 : memref<!tpu.dma_semaphore, #tpu.memory_space<semaphore_mem>>) src(%dma_wait3A_477 : memref<632x128xf32, #tpu.memory_space<vmem_shared>>) dst(%dma_wait3A_475 : memref<632x128xf32, #tpu.memory_space<hbm>>)
      tpu.yield
    }) : () -> ()
    "tpu.region"() ({
      %run_scoped3A_467 = tpu.sem_alloc : memref<!tpu.dma_semaphore, #tpu.memory_space<semaphore_mem>>
      %dma_start3A_468 = arith.constant 0 : i32
      %dma_start3A_469 = tpu.memref_slice %arg6[%arg0, %mul3A_65, %dma_start3A_468] : memref<2x10112x16xf32, #tpu.memory_space<hbm>> -> memref<1x632x16xf32, #tpu.memory_space<hbm>>
      %dma_start3A_470 = tpu.memref_squeeze %dma_start3A_469 : memref<1x632x16xf32, #tpu.memory_space<hbm>> -> memref<632x16xf32, #tpu.memory_space<hbm>>
      %dma_start3A_471 = arith.constant 0 : i32
      %dma_start3A_472 = tpu.memref_slice %arg13[%mul3A_65, %dma_start3A_471] : memref<10112x16xf32, #tpu.memory_space<vmem_shared>> -> memref<632x16xf32, #tpu.memory_space<vmem_shared>>
      tpu.enqueue_dma source(%dma_start3A_472 : memref<632x16xf32, #tpu.memory_space<vmem_shared>>) target(%dma_start3A_470 : memref<632x16xf32, #tpu.memory_space<hbm>>) target_semaphore(%run_scoped3A_467 : memref<!tpu.dma_semaphore, #tpu.memory_space<semaphore_mem>>)
      %dma_wait3A_473 = arith.constant 0 : i32
      %dma_wait3A_474 = tpu.memref_slice %arg6[%arg0, %mul3A_65, %dma_wait3A_473] : memref<2x10112x16xf32, #tpu.memory_space<hbm>> -> memref<1x632x16xf32, #tpu.memory_space<hbm>>
      %dma_wait3A_475 = tpu.memref_squeeze %dma_wait3A_474 : memref<1x632x16xf32, #tpu.memory_space<hbm>> -> memref<632x16xf32, #tpu.memory_space<hbm>>
      %dma_wait3A_476 = arith.constant 0 : i32
      %dma_wait3A_477 = tpu.memref_slice %arg13[%mul3A_65, %dma_wait3A_476] : memref<10112x16xf32, #tpu.memory_space<vmem_shared>> -> memref<632x16xf32, #tpu.memory_space<vmem_shared>>
      tpu.wait_dma2 semaphore(%run_scoped3A_467 : memref<!tpu.dma_semaphore, #tpu.memory_space<semaphore_mem>>) src(%dma_wait3A_477 : memref<632x16xf32, #tpu.memory_space<vmem_shared>>) dst(%dma_wait3A_475 : memref<632x16xf32, #tpu.memory_space<hbm>>)
      tpu.yield
    }) : () -> ()
    return
  }
}

#map = affine_map<(d0, d1) -> (0, 0)>
#map1 = affine_map<(d0, d1) -> (0, 0, 0)>
module attributes {stable_mosaic.version = 14 : i64} {
  func.func @body(%arg0: i32, %arg1: i32, %arg2: memref<10000x128xf32, #tpu.memory_space<hbm>>, %arg3: memref<32x80x128xi32, #tpu.memory_space<hbm>>, %arg4: memref<32x80x128xi32, #tpu.memory_space<hbm>>, %arg5: memref<2x10112x128xf32, #tpu.memory_space<hbm>>, %arg6: memref<4x128xi32, #tpu.memory_space<vmem>>, %arg7: memref<4x128xi32, #tpu.memory_space<vmem>>, %arg8: memref<2x128x128xf32, #tpu.memory_space<vmem>>, %arg9: memref<128x16xf32, #tpu.memory_space<vmem>>, %arg10: memref<8x16xf32, #tpu.memory_space<vmem>>, %arg11: memref<10112x128xf32, #tpu.memory_space<vmem_shared>>, %arg12: memref<10112x16xf32, #tpu.memory_space<vmem_shared>>, %arg13: memref<4x!tpu.dma_semaphore, #tpu.memory_space<semaphore_mem>>, %arg14: memref<2x!tpu.dma_semaphore, #tpu.memory_space<semaphore_mem>>, %arg15: memref<2x!tpu.dma_semaphore, #tpu.memory_space<semaphore_mem>>) attributes {dimension_semantics = [#tpu.dimension_semantics<core_parallel>, #tpu.dimension_semantics<subcore_parallel>], iteration_bounds = array<i64: 2, 16>, scalar_prefetch = 0 : i64, scratch_operands = 10 : i64, tpu.core_type = #tpu.core_type<sc_vector_subcore>, window_params = [{transform_indices = #map}, {transform_indices = #map1}, {transform_indices = #map1}, {transform_indices = #map1}]} {
    %mul3A = arith.constant 16 : i32
    %mul3A_0 = arith.muli %arg0, %mul3A : i32
    %add3A = arith.addi %mul3A_0, %arg1 : i32
    %broadcast_in_dim3A = arith.constant 0.000000e+00 : f32
    %broadcast_in_dim3A_1 = vector.broadcast %broadcast_in_dim3A : f32 to vector<16xf32>
    %broadcast_in_dim3A_2 = arith.constant 1.000000e+00 : f32
    %broadcast_in_dim3A_3 = vector.broadcast %broadcast_in_dim3A_2 : f32 to vector<16xf32>
    %scan3A = arith.constant 0 : i32
    %scan3A_4 = arith.constant 0 : i32
    %scan3A_5 = arith.constant 128 : i32
    %scan3A_6 = arith.addi %scan3A_4, %scan3A_5 : i32
    %scan3A_7 = arith.constant 1 : i32
    %scan3A_8 = scf.for %scan3A_362 = %scan3A_4 to %scan3A_6 step %scan3A_7 iter_args(%scan3A_363 = %scan3A) -> (i32)  : i32 {
      %swap3A = arith.constant 0 : i32
      %swap3A_364 = arith.index_cast %swap3A : i32 to index
      %swap3A_365 = arith.index_cast %scan3A_362 : i32 to index
      %swap3A_366 = arith.constant 0 : index
      %swap3A_367 = tpu.vector_load %arg8[%swap3A_364, %swap3A_365, %swap3A_366] {strides = array<i32>} : memref<2x128x128xf32, #tpu.memory_space<vmem>>, vector<1x1x16xf32>,
      %swap3A_368 = vector.shape_cast %swap3A_367 : vector<1x1x16xf32> to vector<16xf32>
      %swap3A_369 = vector.shape_cast %broadcast_in_dim3A_1 : vector<16xf32> to vector<1x1x16xf32>
      tpu.vector_store %arg8[%swap3A_364, %swap3A_365, %swap3A_366], %swap3A_369 {strides = array<i32>} : memref<2x128x128xf32, #tpu.memory_space<vmem>>, vector<1x1x16xf32>,
      %swap3A_370 = arith.constant 0 : i32
      %swap3A_371 = arith.index_cast %swap3A_370 : i32 to index
      %swap3A_372 = arith.index_cast %scan3A_362 : i32 to index
      %swap3A_373 = arith.constant 16 : index
      %swap3A_374 = tpu.vector_load %arg8[%swap3A_371, %swap3A_372, %swap3A_373] {strides = array<i32>} : memref<2x128x128xf32, #tpu.memory_space<vmem>>, vector<1x1x16xf32>,
      %swap3A_375 = vector.shape_cast %swap3A_374 : vector<1x1x16xf32> to vector<16xf32>
      %swap3A_376 = vector.shape_cast %broadcast_in_dim3A_1 : vector<16xf32> to vector<1x1x16xf32>
      tpu.vector_store %arg8[%swap3A_371, %swap3A_372, %swap3A_373], %swap3A_376 {strides = array<i32>} : memref<2x128x128xf32, #tpu.memory_space<vmem>>, vector<1x1x16xf32>,
      %swap3A_377 = arith.constant 0 : i32
      %swap3A_378 = arith.index_cast %swap3A_377 : i32 to index
      %swap3A_379 = arith.index_cast %scan3A_362 : i32 to index
      %swap3A_380 = arith.constant 32 : index
      %swap3A_381 = tpu.vector_load %arg8[%swap3A_378, %swap3A_379, %swap3A_380] {strides = array<i32>} : memref<2x128x128xf32, #tpu.memory_space<vmem>>, vector<1x1x16xf32>,
      %swap3A_382 = vector.shape_cast %swap3A_381 : vector<1x1x16xf32> to vector<16xf32>
      %swap3A_383 = vector.shape_cast %broadcast_in_dim3A_1 : vector<16xf32> to vector<1x1x16xf32>
      tpu.vector_store %arg8[%swap3A_378, %swap3A_379, %swap3A_380], %swap3A_383 {strides = array<i32>} : memref<2x128x128xf32, #tpu.memory_space<vmem>>, vector<1x1x16xf32>,
      %swap3A_384 = arith.constant 0 : i32
      %swap3A_385 = arith.index_cast %swap3A_384 : i32 to index
      %swap3A_386 = arith.index_cast %scan3A_362 : i32 to index
      %swap3A_387 = arith.constant 48 : index
      %swap3A_388 = tpu.vector_load %arg8[%swap3A_385, %swap3A_386, %swap3A_387] {strides = array<i32>} : memref<2x128x128xf32, #tpu.memory_space<vmem>>, vector<1x1x16xf32>,
      %swap3A_389 = vector.shape_cast %swap3A_388 : vector<1x1x16xf32> to vector<16xf32>
      %swap3A_390 = vector.shape_cast %broadcast_in_dim3A_1 : vector<16xf32> to vector<1x1x16xf32>
      tpu.vector_store %arg8[%swap3A_385, %swap3A_386, %swap3A_387], %swap3A_390 {strides = array<i32>} : memref<2x128x128xf32, #tpu.memory_space<vmem>>, vector<1x1x16xf32>,
      %swap3A_391 = arith.constant 0 : i32
      %swap3A_392 = arith.index_cast %swap3A_391 : i32 to index
      %swap3A_393 = arith.index_cast %scan3A_362 : i32 to index
      %swap3A_394 = arith.constant 64 : index
      %swap3A_395 = tpu.vector_load %arg8[%swap3A_392, %swap3A_393, %swap3A_394] {strides = array<i32>} : memref<2x128x128xf32, #tpu.memory_space<vmem>>, vector<1x1x16xf32>,
      %swap3A_396 = vector.shape_cast %swap3A_395 : vector<1x1x16xf32> to vector<16xf32>
      %swap3A_397 = vector.shape_cast %broadcast_in_dim3A_1 : vector<16xf32> to vector<1x1x16xf32>
      tpu.vector_store %arg8[%swap3A_392, %swap3A_393, %swap3A_394], %swap3A_397 {strides = array<i32>} : memref<2x128x128xf32, #tpu.memory_space<vmem>>, vector<1x1x16xf32>,
      %swap3A_398 = arith.constant 0 : i32
      %swap3A_399 = arith.index_cast %swap3A_398 : i32 to index
      %swap3A_400 = arith.index_cast %scan3A_362 : i32 to index
      %swap3A_401 = arith.constant 80 : index
      %swap3A_402 = tpu.vector_load %arg8[%swap3A_399, %swap3A_400, %swap3A_401] {strides = array<i32>} : memref<2x128x128xf32, #tpu.memory_space<vmem>>, vector<1x1x16xf32>,
      %swap3A_403 = vector.shape_cast %swap3A_402 : vector<1x1x16xf32> to vector<16xf32>
      %swap3A_404 = vector.shape_cast %broadcast_in_dim3A_1 : vector<16xf32> to vector<1x1x16xf32>
      tpu.vector_store %arg8[%swap3A_399, %swap3A_400, %swap3A_401], %swap3A_404 {strides = array<i32>} : memref<2x128x128xf32, #tpu.memory_space<vmem>>, vector<1x1x16xf32>,
      %swap3A_405 = arith.constant 0 : i32
      %swap3A_406 = arith.index_cast %swap3A_405 : i32 to index
      %swap3A_407 = arith.index_cast %scan3A_362 : i32 to index
      %swap3A_408 = arith.constant 96 : index
      %swap3A_409 = tpu.vector_load %arg8[%swap3A_406, %swap3A_407, %swap3A_408] {strides = array<i32>} : memref<2x128x128xf32, #tpu.memory_space<vmem>>, vector<1x1x16xf32>,
      %swap3A_410 = vector.shape_cast %swap3A_409 : vector<1x1x16xf32> to vector<16xf32>
      %swap3A_411 = vector.shape_cast %broadcast_in_dim3A_1 : vector<16xf32> to vector<1x1x16xf32>
      tpu.vector_store %arg8[%swap3A_406, %swap3A_407, %swap3A_408], %swap3A_411 {strides = array<i32>} : memref<2x128x128xf32, #tpu.memory_space<vmem>>, vector<1x1x16xf32>,
      %swap3A_412 = arith.constant 0 : i32
      %swap3A_413 = arith.index_cast %swap3A_412 : i32 to index
      %swap3A_414 = arith.index_cast %scan3A_362 : i32 to index
      %swap3A_415 = arith.constant 112 : index
      %swap3A_416 = tpu.vector_load %arg8[%swap3A_413, %swap3A_414, %swap3A_415] {strides = array<i32>} : memref<2x128x128xf32, #tpu.memory_space<vmem>>, vector<1x1x16xf32>,
      %swap3A_417 = vector.shape_cast %swap3A_416 : vector<1x1x16xf32> to vector<16xf32>
      %swap3A_418 = vector.shape_cast %broadcast_in_dim3A_1 : vector<16xf32> to vector<1x1x16xf32>
      tpu.vector_store %arg8[%swap3A_413, %swap3A_414, %swap3A_415], %swap3A_418 {strides = array<i32>} : memref<2x128x128xf32, #tpu.memory_space<vmem>>, vector<1x1x16xf32>,
      %scan3A_419 = arith.constant 0 : i32
      scf.yield %scan3A_419 : i32
    }
    %scan3A_9 = arith.constant 128 : i32
    %mul3A_10 = arith.constant 632 : i32
    %mul3A_11 = arith.muli %arg1, %mul3A_10 : i32
    %add3A_12 = arith.constant 0 : i32
    %add3A_13 = arith.addi %mul3A_11, %add3A_12 : i32
    %run_scoped3A = arith.constant 0 : i32
    "tpu.region"() ({
      %run_scoped3A_362 = tpu.sem_alloc : memref<!tpu.dma_semaphore, #tpu.memory_space<semaphore_mem>>
      %dma_start3A_363 = arith.constant 0 : i32
      %dma_start3A_364 = arith.constant 0 : i32
      %dma_start3A_365 = tpu.memref_slice %arg8[%run_scoped3A, %dma_start3A_363, %dma_start3A_364] : memref<2x128x128xf32, #tpu.memory_space<vmem>> -> memref<1x128x128xf32, #tpu.memory_space<vmem>>
      %dma_start3A_366 = tpu.memref_squeeze %dma_start3A_365 : memref<1x128x128xf32, #tpu.memory_space<vmem>> -> memref<128x128xf32, #tpu.memory_space<vmem>>
      %dma_start3A_367 = arith.constant 0 : i32
      %dma_start3A_368 = tpu.memref_slice %arg11[%add3A_13, %dma_start3A_367] : memref<10112x128xf32, #tpu.memory_space<vmem_shared>> -> memref<128x128xf32, #tpu.memory_space<vmem_shared>>
      %dma_start3A_369 = arith.constant 0 : i32
      %dma_start3A_370 = tpu.memref_slice %arg11[%add3A_13, %dma_start3A_369] : memref<10112x128xf32, #tpu.memory_space<vmem_shared>> -> memref<128x128xf32, #tpu.memory_space<vmem_shared>>
      %dma_start3A_371 = arith.constant 0 : i32
      %dma_start3A_372 = arith.constant 0 : i32
      %dma_start3A_373 = tpu.memref_slice %arg8[%run_scoped3A, %dma_start3A_371, %dma_start3A_372] : memref<2x128x128xf32, #tpu.memory_space<vmem>> -> memref<1x128x128xf32, #tpu.memory_space<vmem>>
      %dma_start3A_374 = tpu.memref_squeeze %dma_start3A_373 : memref<1x128x128xf32, #tpu.memory_space<vmem>> -> memref<128x128xf32, #tpu.memory_space<vmem>>
      tpu.enqueue_dma source(%dma_start3A_374 : memref<128x128xf32, #tpu.memory_space<vmem>>) target(%dma_start3A_370 : memref<128x128xf32, #tpu.memory_space<vmem_shared>>) target_semaphore(%run_scoped3A_362 : memref<!tpu.dma_semaphore, #tpu.memory_space<semaphore_mem>>)
      %dma_wait3A_375 = arith.constant 0 : i32
      %dma_wait3A_376 = arith.constant 0 : i32
      %dma_wait3A_377 = tpu.memref_slice %arg8[%run_scoped3A, %dma_wait3A_375, %dma_wait3A_376] : memref<2x128x128xf32, #tpu.memory_space<vmem>> -> memref<1x128x128xf32, #tpu.memory_space<vmem>>
      %dma_wait3A_378 = tpu.memref_squeeze %dma_wait3A_377 : memref<1x128x128xf32, #tpu.memory_space<vmem>> -> memref<128x128xf32, #tpu.memory_space<vmem>>
      %dma_wait3A_379 = arith.constant 0 : i32
      %dma_wait3A_380 = tpu.memref_slice %arg11[%add3A_13, %dma_wait3A_379] : memref<10112x128xf32, #tpu.memory_space<vmem_shared>> -> memref<128x128xf32, #tpu.memory_space<vmem_shared>>
      %dma_wait3A_381 = arith.constant 0 : i32
      %dma_wait3A_382 = tpu.memref_slice %arg11[%add3A_13, %dma_wait3A_381] : memref<10112x128xf32, #tpu.memory_space<vmem_shared>> -> memref<128x128xf32, #tpu.memory_space<vmem_shared>>
      %dma_wait3A_383 = arith.constant 0 : i32
      %dma_wait3A_384 = arith.constant 0 : i32
      %dma_wait3A_385 = tpu.memref_slice %arg8[%run_scoped3A, %dma_wait3A_383, %dma_wait3A_384] : memref<2x128x128xf32, #tpu.memory_space<vmem>> -> memref<1x128x128xf32, #tpu.memory_space<vmem>>
      %dma_wait3A_386 = tpu.memref_squeeze %dma_wait3A_385 : memref<1x128x128xf32, #tpu.memory_space<vmem>> -> memref<128x128xf32, #tpu.memory_space<vmem>>
      tpu.wait_dma2 semaphore(%run_scoped3A_362 : memref<!tpu.dma_semaphore, #tpu.memory_space<semaphore_mem>>) src(%dma_wait3A_386 : memref<128x128xf32, #tpu.memory_space<vmem>>) dst(%dma_wait3A_382 : memref<128x128xf32, #tpu.memory_space<vmem_shared>>)
      tpu.yield
    }) : () -> ()
    %add3A_14 = arith.constant 128 : i32
    %add3A_15 = arith.addi %mul3A_11, %add3A_14 : i32
    %run_scoped3A_16 = arith.constant 0 : i32
    "tpu.region"() ({
      %run_scoped3A_362 = tpu.sem_alloc : memref<!tpu.dma_semaphore, #tpu.memory_space<semaphore_mem>>
      %dma_start3A_363 = arith.constant 0 : i32
      %dma_start3A_364 = arith.constant 0 : i32
      %dma_start3A_365 = tpu.memref_slice %arg8[%run_scoped3A_16, %dma_start3A_363, %dma_start3A_364] : memref<2x128x128xf32, #tpu.memory_space<vmem>> -> memref<1x128x128xf32, #tpu.memory_space<vmem>>
      %dma_start3A_366 = tpu.memref_squeeze %dma_start3A_365 : memref<1x128x128xf32, #tpu.memory_space<vmem>> -> memref<128x128xf32, #tpu.memory_space<vmem>>
      %dma_start3A_367 = arith.constant 0 : i32
      %dma_start3A_368 = tpu.memref_slice %arg11[%add3A_15, %dma_start3A_367] : memref<10112x128xf32, #tpu.memory_space<vmem_shared>> -> memref<128x128xf32, #tpu.memory_space<vmem_shared>>
      %dma_start3A_369 = arith.constant 0 : i32
      %dma_start3A_370 = tpu.memref_slice %arg11[%add3A_15, %dma_start3A_369] : memref<10112x128xf32, #tpu.memory_space<vmem_shared>> -> memref<128x128xf32, #tpu.memory_space<vmem_shared>>
      %dma_start3A_371 = arith.constant 0 : i32
      %dma_start3A_372 = arith.constant 0 : i32
      %dma_start3A_373 = tpu.memref_slice %arg8[%run_scoped3A_16, %dma_start3A_371, %dma_start3A_372] : memref<2x128x128xf32, #tpu.memory_space<vmem>> -> memref<1x128x128xf32, #tpu.memory_space<vmem>>
      %dma_start3A_374 = tpu.memref_squeeze %dma_start3A_373 : memref<1x128x128xf32, #tpu.memory_space<vmem>> -> memref<128x128xf32, #tpu.memory_space<vmem>>
      tpu.enqueue_dma source(%dma_start3A_374 : memref<128x128xf32, #tpu.memory_space<vmem>>) target(%dma_start3A_370 : memref<128x128xf32, #tpu.memory_space<vmem_shared>>) target_semaphore(%run_scoped3A_362 : memref<!tpu.dma_semaphore, #tpu.memory_space<semaphore_mem>>)
      %dma_wait3A_375 = arith.constant 0 : i32
      %dma_wait3A_376 = arith.constant 0 : i32
      %dma_wait3A_377 = tpu.memref_slice %arg8[%run_scoped3A_16, %dma_wait3A_375, %dma_wait3A_376] : memref<2x128x128xf32, #tpu.memory_space<vmem>> -> memref<1x128x128xf32, #tpu.memory_space<vmem>>
      %dma_wait3A_378 = tpu.memref_squeeze %dma_wait3A_377 : memref<1x128x128xf32, #tpu.memory_space<vmem>> -> memref<128x128xf32, #tpu.memory_space<vmem>>
      %dma_wait3A_379 = arith.constant 0 : i32
      %dma_wait3A_380 = tpu.memref_slice %arg11[%add3A_15, %dma_wait3A_379] : memref<10112x128xf32, #tpu.memory_space<vmem_shared>> -> memref<128x128xf32, #tpu.memory_space<vmem_shared>>
      %dma_wait3A_381 = arith.constant 0 : i32
      %dma_wait3A_382 = tpu.memref_slice %arg11[%add3A_15, %dma_wait3A_381] : memref<10112x128xf32, #tpu.memory_space<vmem_shared>> -> memref<128x128xf32, #tpu.memory_space<vmem_shared>>
      %dma_wait3A_383 = arith.constant 0 : i32
      %dma_wait3A_384 = arith.constant 0 : i32
      %dma_wait3A_385 = tpu.memref_slice %arg8[%run_scoped3A_16, %dma_wait3A_383, %dma_wait3A_384] : memref<2x128x128xf32, #tpu.memory_space<vmem>> -> memref<1x128x128xf32, #tpu.memory_space<vmem>>
      %dma_wait3A_386 = tpu.memref_squeeze %dma_wait3A_385 : memref<1x128x128xf32, #tpu.memory_space<vmem>> -> memref<128x128xf32, #tpu.memory_space<vmem>>
      tpu.wait_dma2 semaphore(%run_scoped3A_362 : memref<!tpu.dma_semaphore, #tpu.memory_space<semaphore_mem>>) src(%dma_wait3A_386 : memref<128x128xf32, #tpu.memory_space<vmem>>) dst(%dma_wait3A_382 : memref<128x128xf32, #tpu.memory_space<vmem_shared>>)
      tpu.yield
    }) : () -> ()
    %add3A_17 = arith.constant 256 : i32
    %add3A_18 = arith.addi %mul3A_11, %add3A_17 : i32
    %run_scoped3A_19 = arith.constant 0 : i32
    "tpu.region"() ({
      %run_scoped3A_362 = tpu.sem_alloc : memref<!tpu.dma_semaphore, #tpu.memory_space<semaphore_mem>>
      %dma_start3A_363 = arith.constant 0 : i32
      %dma_start3A_364 = arith.constant 0 : i32
      %dma_start3A_365 = tpu.memref_slice %arg8[%run_scoped3A_19, %dma_start3A_363, %dma_start3A_364] : memref<2x128x128xf32, #tpu.memory_space<vmem>> -> memref<1x128x128xf32, #tpu.memory_space<vmem>>
      %dma_start3A_366 = tpu.memref_squeeze %dma_start3A_365 : memref<1x128x128xf32, #tpu.memory_space<vmem>> -> memref<128x128xf32, #tpu.memory_space<vmem>>
      %dma_start3A_367 = arith.constant 0 : i32
      %dma_start3A_368 = tpu.memref_slice %arg11[%add3A_18, %dma_start3A_367] : memref<10112x128xf32, #tpu.memory_space<vmem_shared>> -> memref<128x128xf32, #tpu.memory_space<vmem_shared>>
      %dma_start3A_369 = arith.constant 0 : i32
      %dma_start3A_370 = tpu.memref_slice %arg11[%add3A_18, %dma_start3A_369] : memref<10112x128xf32, #tpu.memory_space<vmem_shared>> -> memref<128x128xf32, #tpu.memory_space<vmem_shared>>
      %dma_start3A_371 = arith.constant 0 : i32
      %dma_start3A_372 = arith.constant 0 : i32
      %dma_start3A_373 = tpu.memref_slice %arg8[%run_scoped3A_19, %dma_start3A_371, %dma_start3A_372] : memref<2x128x128xf32, #tpu.memory_space<vmem>> -> memref<1x128x128xf32, #tpu.memory_space<vmem>>
      %dma_start3A_374 = tpu.memref_squeeze %dma_start3A_373 : memref<1x128x128xf32, #tpu.memory_space<vmem>> -> memref<128x128xf32, #tpu.memory_space<vmem>>
      tpu.enqueue_dma source(%dma_start3A_374 : memref<128x128xf32, #tpu.memory_space<vmem>>) target(%dma_start3A_370 : memref<128x128xf32, #tpu.memory_space<vmem_shared>>) target_semaphore(%run_scoped3A_362 : memref<!tpu.dma_semaphore, #tpu.memory_space<semaphore_mem>>)
      %dma_wait3A_375 = arith.constant 0 : i32
      %dma_wait3A_376 = arith.constant 0 : i32
      %dma_wait3A_377 = tpu.memref_slice %arg8[%run_scoped3A_19, %dma_wait3A_375, %dma_wait3A_376] : memref<2x128x128xf32, #tpu.memory_space<vmem>> -> memref<1x128x128xf32, #tpu.memory_space<vmem>>
      %dma_wait3A_378 = tpu.memref_squeeze %dma_wait3A_377 : memref<1x128x128xf32, #tpu.memory_space<vmem>> -> memref<128x128xf32, #tpu.memory_space<vmem>>
      %dma_wait3A_379 = arith.constant 0 : i32
      %dma_wait3A_380 = tpu.memref_slice %arg11[%add3A_18, %dma_wait3A_379] : memref<10112x128xf32, #tpu.memory_space<vmem_shared>> -> memref<128x128xf32, #tpu.memory_space<vmem_shared>>
      %dma_wait3A_381 = arith.constant 0 : i32
      %dma_wait3A_382 = tpu.memref_slice %arg11[%add3A_18, %dma_wait3A_381] : memref<10112x128xf32, #tpu.memory_space<vmem_shared>> -> memref<128x128xf32, #tpu.memory_space<vmem_shared>>
      %dma_wait3A_383 = arith.constant 0 : i32
      %dma_wait3A_384 = arith.constant 0 : i32
      %dma_wait3A_385 = tpu.memref_slice %arg8[%run_scoped3A_19, %dma_wait3A_383, %dma_wait3A_384] : memref<2x128x128xf32, #tpu.memory_space<vmem>> -> memref<1x128x128xf32, #tpu.memory_space<vmem>>
      %dma_wait3A_386 = tpu.memref_squeeze %dma_wait3A_385 : memref<1x128x128xf32, #tpu.memory_space<vmem>> -> memref<128x128xf32, #tpu.memory_space<vmem>>
      tpu.wait_dma2 semaphore(%run_scoped3A_362 : memref<!tpu.dma_semaphore, #tpu.memory_space<semaphore_mem>>) src(%dma_wait3A_386 : memref<128x128xf32, #tpu.memory_space<vmem>>) dst(%dma_wait3A_382 : memref<128x128xf32, #tpu.memory_space<vmem_shared>>)
      tpu.yield
    }) : () -> ()
    %add3A_20 = arith.constant 384 : i32
    %add3A_21 = arith.addi %mul3A_11, %add3A_20 : i32
    %run_scoped3A_22 = arith.constant 0 : i32
    "tpu.region"() ({
      %run_scoped3A_362 = tpu.sem_alloc : memref<!tpu.dma_semaphore, #tpu.memory_space<semaphore_mem>>
      %dma_start3A_363 = arith.constant 0 : i32
      %dma_start3A_364 = arith.constant 0 : i32
      %dma_start3A_365 = tpu.memref_slice %arg8[%run_scoped3A_22, %dma_start3A_363, %dma_start3A_364] : memref<2x128x128xf32, #tpu.memory_space<vmem>> -> memref<1x128x128xf32, #tpu.memory_space<vmem>>
      %dma_start3A_366 = tpu.memref_squeeze %dma_start3A_365 : memref<1x128x128xf32, #tpu.memory_space<vmem>> -> memref<128x128xf32, #tpu.memory_space<vmem>>
      %dma_start3A_367 = arith.constant 0 : i32
      %dma_start3A_368 = tpu.memref_slice %arg11[%add3A_21, %dma_start3A_367] : memref<10112x128xf32, #tpu.memory_space<vmem_shared>> -> memref<128x128xf32, #tpu.memory_space<vmem_shared>>
      %dma_start3A_369 = arith.constant 0 : i32
      %dma_start3A_370 = tpu.memref_slice %arg11[%add3A_21, %dma_start3A_369] : memref<10112x128xf32, #tpu.memory_space<vmem_shared>> -> memref<128x128xf32, #tpu.memory_space<vmem_shared>>
      %dma_start3A_371 = arith.constant 0 : i32
      %dma_start3A_372 = arith.constant 0 : i32
      %dma_start3A_373 = tpu.memref_slice %arg8[%run_scoped3A_22, %dma_start3A_371, %dma_start3A_372] : memref<2x128x128xf32, #tpu.memory_space<vmem>> -> memref<1x128x128xf32, #tpu.memory_space<vmem>>
      %dma_start3A_374 = tpu.memref_squeeze %dma_start3A_373 : memref<1x128x128xf32, #tpu.memory_space<vmem>> -> memref<128x128xf32, #tpu.memory_space<vmem>>
      tpu.enqueue_dma source(%dma_start3A_374 : memref<128x128xf32, #tpu.memory_space<vmem>>) target(%dma_start3A_370 : memref<128x128xf32, #tpu.memory_space<vmem_shared>>) target_semaphore(%run_scoped3A_362 : memref<!tpu.dma_semaphore, #tpu.memory_space<semaphore_mem>>)
      %dma_wait3A_375 = arith.constant 0 : i32
      %dma_wait3A_376 = arith.constant 0 : i32
      %dma_wait3A_377 = tpu.memref_slice %arg8[%run_scoped3A_22, %dma_wait3A_375, %dma_wait3A_376] : memref<2x128x128xf32, #tpu.memory_space<vmem>> -> memref<1x128x128xf32, #tpu.memory_space<vmem>>
      %dma_wait3A_378 = tpu.memref_squeeze %dma_wait3A_377 : memref<1x128x128xf32, #tpu.memory_space<vmem>> -> memref<128x128xf32, #tpu.memory_space<vmem>>
      %dma_wait3A_379 = arith.constant 0 : i32
      %dma_wait3A_380 = tpu.memref_slice %arg11[%add3A_21, %dma_wait3A_379] : memref<10112x128xf32, #tpu.memory_space<vmem_shared>> -> memref<128x128xf32, #tpu.memory_space<vmem_shared>>
      %dma_wait3A_381 = arith.constant 0 : i32
      %dma_wait3A_382 = tpu.memref_slice %arg11[%add3A_21, %dma_wait3A_381] : memref<10112x128xf32, #tpu.memory_space<vmem_shared>> -> memref<128x128xf32, #tpu.memory_space<vmem_shared>>
      %dma_wait3A_383 = arith.constant 0 : i32
      %dma_wait3A_384 = arith.constant 0 : i32
      %dma_wait3A_385 = tpu.memref_slice %arg8[%run_scoped3A_22, %dma_wait3A_383, %dma_wait3A_384] : memref<2x128x128xf32, #tpu.memory_space<vmem>> -> memref<1x128x128xf32, #tpu.memory_space<vmem>>
      %dma_wait3A_386 = tpu.memref_squeeze %dma_wait3A_385 : memref<1x128x128xf32, #tpu.memory_space<vmem>> -> memref<128x128xf32, #tpu.memory_space<vmem>>
      tpu.wait_dma2 semaphore(%run_scoped3A_362 : memref<!tpu.dma_semaphore, #tpu.memory_space<semaphore_mem>>) src(%dma_wait3A_386 : memref<128x128xf32, #tpu.memory_space<vmem>>) dst(%dma_wait3A_382 : memref<128x128xf32, #tpu.memory_space<vmem_shared>>)
      tpu.yield
    }) : () -> ()
    %add3A_23 = arith.constant 512 : i32
    %add3A_24 = arith.addi %mul3A_11, %add3A_23 : i32
    %run_scoped3A_25 = arith.constant 0 : i32
    "tpu.region"() ({
      %run_scoped3A_362 = tpu.sem_alloc : memref<!tpu.dma_semaphore, #tpu.memory_space<semaphore_mem>>
      %dma_start3A_363 = arith.constant 0 : i32
      %dma_start3A_364 = arith.constant 0 : i32
      %dma_start3A_365 = tpu.memref_slice %arg8[%run_scoped3A_25, %dma_start3A_363, %dma_start3A_364] : memref<2x128x128xf32, #tpu.memory_space<vmem>> -> memref<1x120x128xf32, #tpu.memory_space<vmem>>
      %dma_start3A_366 = tpu.memref_squeeze %dma_start3A_365 : memref<1x120x128xf32, #tpu.memory_space<vmem>> -> memref<120x128xf32, #tpu.memory_space<vmem>>
      %dma_start3A_367 = arith.constant 0 : i32
      %dma_start3A_368 = tpu.memref_slice %arg11[%add3A_24, %dma_start3A_367] : memref<10112x128xf32, #tpu.memory_space<vmem_shared>> -> memref<120x128xf32, #tpu.memory_space<vmem_shared>>
      %dma_start3A_369 = arith.constant 0 : i32
      %dma_start3A_370 = tpu.memref_slice %arg11[%add3A_24, %dma_start3A_369] : memref<10112x128xf32, #tpu.memory_space<vmem_shared>> -> memref<120x128xf32, #tpu.memory_space<vmem_shared>>
      %dma_start3A_371 = arith.constant 0 : i32
      %dma_start3A_372 = arith.constant 0 : i32
      %dma_start3A_373 = tpu.memref_slice %arg8[%run_scoped3A_25, %dma_start3A_371, %dma_start3A_372] : memref<2x128x128xf32, #tpu.memory_space<vmem>> -> memref<1x120x128xf32, #tpu.memory_space<vmem>>
      %dma_start3A_374 = tpu.memref_squeeze %dma_start3A_373 : memref<1x120x128xf32, #tpu.memory_space<vmem>> -> memref<120x128xf32, #tpu.memory_space<vmem>>
      tpu.enqueue_dma source(%dma_start3A_374 : memref<120x128xf32, #tpu.memory_space<vmem>>) target(%dma_start3A_370 : memref<120x128xf32, #tpu.memory_space<vmem_shared>>) target_semaphore(%run_scoped3A_362 : memref<!tpu.dma_semaphore, #tpu.memory_space<semaphore_mem>>)
      %dma_wait3A_375 = arith.constant 0 : i32
      %dma_wait3A_376 = arith.constant 0 : i32
      %dma_wait3A_377 = tpu.memref_slice %arg8[%run_scoped3A_25, %dma_wait3A_375, %dma_wait3A_376] : memref<2x128x128xf32, #tpu.memory_space<vmem>> -> memref<1x120x128xf32, #tpu.memory_space<vmem>>
      %dma_wait3A_378 = tpu.memref_squeeze %dma_wait3A_377 : memref<1x120x128xf32, #tpu.memory_space<vmem>> -> memref<120x128xf32, #tpu.memory_space<vmem>>
      %dma_wait3A_379 = arith.constant 0 : i32
      %dma_wait3A_380 = tpu.memref_slice %arg11[%add3A_24, %dma_wait3A_379] : memref<10112x128xf32, #tpu.memory_space<vmem_shared>> -> memref<120x128xf32, #tpu.memory_space<vmem_shared>>
      %dma_wait3A_381 = arith.constant 0 : i32
      %dma_wait3A_382 = tpu.memref_slice %arg11[%add3A_24, %dma_wait3A_381] : memref<10112x128xf32, #tpu.memory_space<vmem_shared>> -> memref<120x128xf32, #tpu.memory_space<vmem_shared>>
      %dma_wait3A_383 = arith.constant 0 : i32
      %dma_wait3A_384 = arith.constant 0 : i32
      %dma_wait3A_385 = tpu.memref_slice %arg8[%run_scoped3A_25, %dma_wait3A_383, %dma_wait3A_384] : memref<2x128x128xf32, #tpu.memory_space<vmem>> -> memref<1x120x128xf32, #tpu.memory_space<vmem>>
      %dma_wait3A_386 = tpu.memref_squeeze %dma_wait3A_385 : memref<1x120x128xf32, #tpu.memory_space<vmem>> -> memref<120x128xf32, #tpu.memory_space<vmem>>
      tpu.wait_dma2 semaphore(%run_scoped3A_362 : memref<!tpu.dma_semaphore, #tpu.memory_space<semaphore_mem>>) src(%dma_wait3A_386 : memref<120x128xf32, #tpu.memory_space<vmem>>) dst(%dma_wait3A_382 : memref<120x128xf32, #tpu.memory_space<vmem_shared>>)
      tpu.yield
    }) : () -> ()
    %barrier3A = arith.constant 0 : index
    tpu.barrier barrier_id(%barrier3A)
    %dma_start3A = arith.constant 0 : i32
    %dma_start3A_26 = arith.constant 0 : i32
    %dma_start3A_27 = arith.constant 0 : i32
    %dma_start3A_28 = arith.constant 0 : i32
    %dma_start3A_29 = tpu.memref_slice %arg6[%dma_start3A_26, %dma_start3A_28] : memref<4x128xi32, #tpu.memory_space<vmem>> -> memref<1x128xi32, #tpu.memory_space<vmem>>
    %dma_start3A_30 = tpu.memref_squeeze %dma_start3A_29 : memref<1x128xi32, #tpu.memory_space<vmem>> -> memref<128xi32, #tpu.memory_space<vmem>>
    %dma_start3A_31 = arith.constant 0 : i32
    %dma_start3A_32 = tpu.memref_slice %arg3[%add3A, %dma_start3A, %dma_start3A_31] : memref<32x80x128xi32, #tpu.memory_space<hbm>> -> memref<1x1x128xi32, #tpu.memory_space<hbm>>
    %dma_start3A_33 = tpu.memref_squeeze %dma_start3A_32 : memref<1x1x128xi32, #tpu.memory_space<hbm>> -> memref<128xi32, #tpu.memory_space<hbm>>
    %dma_start3A_34 = tpu.memref_slice %arg13[%dma_start3A_27] : memref<4x!tpu.dma_semaphore, #tpu.memory_space<semaphore_mem>> -> memref<1x!tpu.dma_semaphore, #tpu.memory_space<semaphore_mem>>
    %dma_start3A_35 = tpu.memref_squeeze %dma_start3A_34 : memref<1x!tpu.dma_semaphore, #tpu.memory_space<semaphore_mem>> -> memref<!tpu.dma_semaphore, #tpu.memory_space<semaphore_mem>>
    %dma_start3A_36 = arith.constant 0 : i32
    %dma_start3A_37 = tpu.memref_slice %arg6[%dma_start3A_26, %dma_start3A_36] : memref<4x128xi32, #tpu.memory_space<vmem>> -> memref<1x128xi32, #tpu.memory_space<vmem>>
    %dma_start3A_38 = tpu.memref_squeeze %dma_start3A_37 : memref<1x128xi32, #tpu.memory_space<vmem>> -> memref<128xi32, #tpu.memory_space<vmem>>
    %dma_start3A_39 = arith.constant 0 : i32
    %dma_start3A_40 = tpu.memref_slice %arg3[%add3A, %dma_start3A, %dma_start3A_39] : memref<32x80x128xi32, #tpu.memory_space<hbm>> -> memref<1x1x128xi32, #tpu.memory_space<hbm>>
    %dma_start3A_41 = tpu.memref_squeeze %dma_start3A_40 : memref<1x1x128xi32, #tpu.memory_space<hbm>> -> memref<128xi32, #tpu.memory_space<hbm>>
    tpu.enqueue_dma source(%dma_start3A_41 : memref<128xi32, #tpu.memory_space<hbm>>) target(%dma_start3A_38 : memref<128xi32, #tpu.memory_space<vmem>>) target_semaphore(%dma_start3A_35 : memref<!tpu.dma_semaphore, #tpu.memory_space<semaphore_mem>>)
    %dma_start3A_42 = arith.constant 0 : i32
    %dma_start3A_43 = arith.constant 0 : i32
    %dma_start3A_44 = arith.constant 0 : i32
    %dma_start3A_45 = arith.constant 0 : i32
    %dma_start3A_46 = tpu.memref_slice %arg7[%dma_start3A_43, %dma_start3A_45] : memref<4x128xi32, #tpu.memory_space<vmem>> -> memref<1x128xi32, #tpu.memory_space<vmem>>
    %dma_start3A_47 = tpu.memref_squeeze %dma_start3A_46 : memref<1x128xi32, #tpu.memory_space<vmem>> -> memref<128xi32, #tpu.memory_space<vmem>>
    %dma_start3A_48 = arith.constant 0 : i32
    %dma_start3A_49 = tpu.memref_slice %arg4[%add3A, %dma_start3A_42, %dma_start3A_48] : memref<32x80x128xi32, #tpu.memory_space<hbm>> -> memref<1x1x128xi32, #tpu.memory_space<hbm>>
    %dma_start3A_50 = tpu.memref_squeeze %dma_start3A_49 : memref<1x1x128xi32, #tpu.memory_space<hbm>> -> memref<128xi32, #tpu.memory_space<hbm>>
    %dma_start3A_51 = tpu.memref_slice %arg13[%dma_start3A_44] : memref<4x!tpu.dma_semaphore, #tpu.memory_space<semaphore_mem>> -> memref<1x!tpu.dma_semaphore, #tpu.memory_space<semaphore_mem>>
    %dma_start3A_52 = tpu.memref_squeeze %dma_start3A_51 : memref<1x!tpu.dma_semaphore, #tpu.memory_space<semaphore_mem>> -> memref<!tpu.dma_semaphore, #tpu.memory_space<semaphore_mem>>
    %dma_start3A_53 = arith.constant 0 : i32
    %dma_start3A_54 = tpu.memref_slice %arg7[%dma_start3A_43, %dma_start3A_53] : memref<4x128xi32, #tpu.memory_space<vmem>> -> memref<1x128xi32, #tpu.memory_space<vmem>>
    %dma_start3A_55 = tpu.memref_squeeze %dma_start3A_54 : memref<1x128xi32, #tpu.memory_space<vmem>> -> memref<128xi32, #tpu.memory_space<vmem>>
    %dma_start3A_56 = arith.constant 0 : i32
    %dma_start3A_57 = tpu.memref_slice %arg4[%add3A, %dma_start3A_42, %dma_start3A_56] : memref<32x80x128xi32, #tpu.memory_space<hbm>> -> memref<1x1x128xi32, #tpu.memory_space<hbm>>
    %dma_start3A_58 = tpu.memref_squeeze %dma_start3A_57 : memref<1x1x128xi32, #tpu.memory_space<hbm>> -> memref<128xi32, #tpu.memory_space<hbm>>
    tpu.enqueue_dma source(%dma_start3A_58 : memref<128xi32, #tpu.memory_space<hbm>>) target(%dma_start3A_55 : memref<128xi32, #tpu.memory_space<vmem>>) target_semaphore(%dma_start3A_52 : memref<!tpu.dma_semaphore, #tpu.memory_space<semaphore_mem>>)
    %dma_start3A_59 = arith.constant 1 : i32
    %dma_start3A_60 = arith.constant 1 : i32
    %dma_start3A_61 = arith.constant 1 : i32
    %dma_start3A_62 = arith.constant 0 : i32
    %dma_start3A_63 = tpu.memref_slice %arg6[%dma_start3A_60, %dma_start3A_62] : memref<4x128xi32, #tpu.memory_space<vmem>> -> memref<1x128xi32, #tpu.memory_space<vmem>>
    %dma_start3A_64 = tpu.memref_squeeze %dma_start3A_63 : memref<1x128xi32, #tpu.memory_space<vmem>> -> memref<128xi32, #tpu.memory_space<vmem>>
    %dma_start3A_65 = arith.constant 0 : i32
    %dma_start3A_66 = tpu.memref_slice %arg3[%add3A, %dma_start3A_59, %dma_start3A_65] : memref<32x80x128xi32, #tpu.memory_space<hbm>> -> memref<1x1x128xi32, #tpu.memory_space<hbm>>
    %dma_start3A_67 = tpu.memref_squeeze %dma_start3A_66 : memref<1x1x128xi32, #tpu.memory_space<hbm>> -> memref<128xi32, #tpu.memory_space<hbm>>
    %dma_start3A_68 = tpu.memref_slice %arg13[%dma_start3A_61] : memref<4x!tpu.dma_semaphore, #tpu.memory_space<semaphore_mem>> -> memref<1x!tpu.dma_semaphore, #tpu.memory_space<semaphore_mem>>
    %dma_start3A_69 = tpu.memref_squeeze %dma_start3A_68 : memref<1x!tpu.dma_semaphore, #tpu.memory_space<semaphore_mem>> -> memref<!tpu.dma_semaphore, #tpu.memory_space<semaphore_mem>>
    %dma_start3A_70 = arith.constant 0 : i32
    %dma_start3A_71 = tpu.memref_slice %arg6[%dma_start3A_60, %dma_start3A_70] : memref<4x128xi32, #tpu.memory_space<vmem>> -> memref<1x128xi32, #tpu.memory_space<vmem>>
    %dma_start3A_72 = tpu.memref_squeeze %dma_start3A_71 : memref<1x128xi32, #tpu.memory_space<vmem>> -> memref<128xi32, #tpu.memory_space<vmem>>
    %dma_start3A_73 = arith.constant 0 : i32
    %dma_start3A_74 = tpu.memref_slice %arg3[%add3A, %dma_start3A_59, %dma_start3A_73] : memref<32x80x128xi32, #tpu.memory_space<hbm>> -> memref<1x1x128xi32, #tpu.memory_space<hbm>>
    %dma_start3A_75 = tpu.memref_squeeze %dma_start3A_74 : memref<1x1x128xi32, #tpu.memory_space<hbm>> -> memref<128xi32, #tpu.memory_space<hbm>>
    tpu.enqueue_dma source(%dma_start3A_75 : memref<128xi32, #tpu.memory_space<hbm>>) target(%dma_start3A_72 : memref<128xi32, #tpu.memory_space<vmem>>) target_semaphore(%dma_start3A_69 : memref<!tpu.dma_semaphore, #tpu.memory_space<semaphore_mem>>)
    %dma_start3A_76 = arith.constant 1 : i32
    %dma_start3A_77 = arith.constant 1 : i32
    %dma_start3A_78 = arith.constant 1 : i32
    %dma_start3A_79 = arith.constant 0 : i32
    %dma_start3A_80 = tpu.memref_slice %arg7[%dma_start3A_77, %dma_start3A_79] : memref<4x128xi32, #tpu.memory_space<vmem>> -> memref<1x128xi32, #tpu.memory_space<vmem>>
    %dma_start3A_81 = tpu.memref_squeeze %dma_start3A_80 : memref<1x128xi32, #tpu.memory_space<vmem>> -> memref<128xi32, #tpu.memory_space<vmem>>
    %dma_start3A_82 = arith.constant 0 : i32
    %dma_start3A_83 = tpu.memref_slice %arg4[%add3A, %dma_start3A_76, %dma_start3A_82] : memref<32x80x128xi32, #tpu.memory_space<hbm>> -> memref<1x1x128xi32, #tpu.memory_space<hbm>>
    %dma_start3A_84 = tpu.memref_squeeze %dma_start3A_83 : memref<1x1x128xi32, #tpu.memory_space<hbm>> -> memref<128xi32, #tpu.memory_space<hbm>>
    %dma_start3A_85 = tpu.memref_slice %arg13[%dma_start3A_78] : memref<4x!tpu.dma_semaphore, #tpu.memory_space<semaphore_mem>> -> memref<1x!tpu.dma_semaphore, #tpu.memory_space<semaphore_mem>>
    %dma_start3A_86 = tpu.memref_squeeze %dma_start3A_85 : memref<1x!tpu.dma_semaphore, #tpu.memory_space<semaphore_mem>> -> memref<!tpu.dma_semaphore, #tpu.memory_space<semaphore_mem>>
    %dma_start3A_87 = arith.constant 0 : i32
    %dma_start3A_88 = tpu.memref_slice %arg7[%dma_start3A_77, %dma_start3A_87] : memref<4x128xi32, #tpu.memory_space<vmem>> -> memref<1x128xi32, #tpu.memory_space<vmem>>
    %dma_start3A_89 = tpu.memref_squeeze %dma_start3A_88 : memref<1x128xi32, #tpu.memory_space<vmem>> -> memref<128xi32, #tpu.memory_space<vmem>>
    %dma_start3A_90 = arith.constant 0 : i32
    %dma_start3A_91 = tpu.memref_slice %arg4[%add3A, %dma_start3A_76, %dma_start3A_90] : memref<32x80x128xi32, #tpu.memory_space<hbm>> -> memref<1x1x128xi32, #tpu.memory_space<hbm>>
    %dma_start3A_92 = tpu.memref_squeeze %dma_start3A_91 : memref<1x1x128xi32, #tpu.memory_space<hbm>> -> memref<128xi32, #tpu.memory_space<hbm>>
    tpu.enqueue_dma source(%dma_start3A_92 : memref<128xi32, #tpu.memory_space<hbm>>) target(%dma_start3A_89 : memref<128xi32, #tpu.memory_space<vmem>>) target_semaphore(%dma_start3A_86 : memref<!tpu.dma_semaphore, #tpu.memory_space<semaphore_mem>>)
    %dma_wait3A = arith.constant 0 : i32
    %dma_wait3A_93 = arith.constant 0 : i32
    %dma_wait3A_94 = arith.constant 0 : i32
    %dma_wait3A_95 = arith.constant 0 : i32
    %dma_wait3A_96 = tpu.memref_slice %arg6[%dma_wait3A_93, %dma_wait3A_95] : memref<4x128xi32, #tpu.memory_space<vmem>> -> memref<1x128xi32, #tpu.memory_space<vmem>>
    %dma_wait3A_97 = tpu.memref_squeeze %dma_wait3A_96 : memref<1x128xi32, #tpu.memory_space<vmem>> -> memref<128xi32, #tpu.memory_space<vmem>>
    %dma_wait3A_98 = arith.constant 0 : i32
    %dma_wait3A_99 = tpu.memref_slice %arg3[%add3A, %dma_wait3A, %dma_wait3A_98] : memref<32x80x128xi32, #tpu.memory_space<hbm>> -> memref<1x1x128xi32, #tpu.memory_space<hbm>>
    %dma_wait3A_100 = tpu.memref_squeeze %dma_wait3A_99 : memref<1x1x128xi32, #tpu.memory_space<hbm>> -> memref<128xi32, #tpu.memory_space<hbm>>
    %dma_wait3A_101 = tpu.memref_slice %arg13[%dma_wait3A_94] : memref<4x!tpu.dma_semaphore, #tpu.memory_space<semaphore_mem>> -> memref<1x!tpu.dma_semaphore, #tpu.memory_space<semaphore_mem>>
    %dma_wait3A_102 = tpu.memref_squeeze %dma_wait3A_101 : memref<1x!tpu.dma_semaphore, #tpu.memory_space<semaphore_mem>> -> memref<!tpu.dma_semaphore, #tpu.memory_space<semaphore_mem>>
    %dma_wait3A_103 = arith.constant 0 : i32
    %dma_wait3A_104 = tpu.memref_slice %arg6[%dma_wait3A_93, %dma_wait3A_103] : memref<4x128xi32, #tpu.memory_space<vmem>> -> memref<1x128xi32, #tpu.memory_space<vmem>>
    %dma_wait3A_105 = tpu.memref_squeeze %dma_wait3A_104 : memref<1x128xi32, #tpu.memory_space<vmem>> -> memref<128xi32, #tpu.memory_space<vmem>>
    %dma_wait3A_106 = arith.constant 0 : i32
    %dma_wait3A_107 = tpu.memref_slice %arg3[%add3A, %dma_wait3A, %dma_wait3A_106] : memref<32x80x128xi32, #tpu.memory_space<hbm>> -> memref<1x1x128xi32, #tpu.memory_space<hbm>>
    %dma_wait3A_108 = tpu.memref_squeeze %dma_wait3A_107 : memref<1x1x128xi32, #tpu.memory_space<hbm>> -> memref<128xi32, #tpu.memory_space<hbm>>
    tpu.wait_dma2 semaphore(%dma_wait3A_102 : memref<!tpu.dma_semaphore, #tpu.memory_space<semaphore_mem>>) src(%dma_wait3A_108 : memref<128xi32, #tpu.memory_space<hbm>>) dst(%dma_wait3A_105 : memref<128xi32, #tpu.memory_space<vmem>>)
    %dma_wait3A_109 = arith.constant 0 : i32
    %dma_wait3A_110 = arith.constant 0 : i32
    %dma_wait3A_111 = arith.constant 0 : i32
    %dma_wait3A_112 = arith.constant 0 : i32
    %dma_wait3A_113 = tpu.memref_slice %arg6[%dma_wait3A_110, %dma_wait3A_112] : memref<4x128xi32, #tpu.memory_space<vmem>> -> memref<1x128xi32, #tpu.memory_space<vmem>>
    %dma_wait3A_114 = tpu.memref_squeeze %dma_wait3A_113 : memref<1x128xi32, #tpu.memory_space<vmem>> -> memref<128xi32, #tpu.memory_space<vmem>>
    %dma_wait3A_115 = arith.constant 0 : i32
    %dma_wait3A_116 = tpu.memref_slice %arg3[%add3A, %dma_wait3A_109, %dma_wait3A_115] : memref<32x80x128xi32, #tpu.memory_space<hbm>> -> memref<1x1x128xi32, #tpu.memory_space<hbm>>
    %dma_wait3A_117 = tpu.memref_squeeze %dma_wait3A_116 : memref<1x1x128xi32, #tpu.memory_space<hbm>> -> memref<128xi32, #tpu.memory_space<hbm>>
    %dma_wait3A_118 = tpu.memref_slice %arg13[%dma_wait3A_111] : memref<4x!tpu.dma_semaphore, #tpu.memory_space<semaphore_mem>> -> memref<1x!tpu.dma_semaphore, #tpu.memory_space<semaphore_mem>>
    %dma_wait3A_119 = tpu.memref_squeeze %dma_wait3A_118 : memref<1x!tpu.dma_semaphore, #tpu.memory_space<semaphore_mem>> -> memref<!tpu.dma_semaphore, #tpu.memory_space<semaphore_mem>>
    %dma_wait3A_120 = arith.constant 0 : i32
    %dma_wait3A_121 = tpu.memref_slice %arg6[%dma_wait3A_110, %dma_wait3A_120] : memref<4x128xi32, #tpu.memory_space<vmem>> -> memref<1x128xi32, #tpu.memory_space<vmem>>
    %dma_wait3A_122 = tpu.memref_squeeze %dma_wait3A_121 : memref<1x128xi32, #tpu.memory_space<vmem>> -> memref<128xi32, #tpu.memory_space<vmem>>
    %dma_wait3A_123 = arith.constant 0 : i32
    %dma_wait3A_124 = tpu.memref_slice %arg3[%add3A, %dma_wait3A_109, %dma_wait3A_123] : memref<32x80x128xi32, #tpu.memory_space<hbm>> -> memref<1x1x128xi32, #tpu.memory_space<hbm>>
    %dma_wait3A_125 = tpu.memref_squeeze %dma_wait3A_124 : memref<1x1x128xi32, #tpu.memory_space<hbm>> -> memref<128xi32, #tpu.memory_space<hbm>>
    tpu.wait_dma2 semaphore(%dma_wait3A_119 : memref<!tpu.dma_semaphore, #tpu.memory_space<semaphore_mem>>) src(%dma_wait3A_125 : memref<128xi32, #tpu.memory_space<hbm>>) dst(%dma_wait3A_122 : memref<128xi32, #tpu.memory_space<vmem>>)
    %dma_start3A_126 = arith.constant 2 : i32
    %dma_start3A_127 = arith.constant 2 : i32
    %dma_start3A_128 = arith.constant 2 : i32
    %dma_start3A_129 = arith.constant 0 : i32
    %dma_start3A_130 = tpu.memref_slice %arg6[%dma_start3A_127, %dma_start3A_129] : memref<4x128xi32, #tpu.memory_space<vmem>> -> memref<1x128xi32, #tpu.memory_space<vmem>>
    %dma_start3A_131 = tpu.memref_squeeze %dma_start3A_130 : memref<1x128xi32, #tpu.memory_space<vmem>> -> memref<128xi32, #tpu.memory_space<vmem>>
    %dma_start3A_132 = arith.constant 0 : i32
    %dma_start3A_133 = tpu.memref_slice %arg3[%add3A, %dma_start3A_126, %dma_start3A_132] : memref<32x80x128xi32, #tpu.memory_space<hbm>> -> memref<1x1x128xi32, #tpu.memory_space<hbm>>
    %dma_start3A_134 = tpu.memref_squeeze %dma_start3A_133 : memref<1x1x128xi32, #tpu.memory_space<hbm>> -> memref<128xi32, #tpu.memory_space<hbm>>
    %dma_start3A_135 = tpu.memref_slice %arg13[%dma_start3A_128] : memref<4x!tpu.dma_semaphore, #tpu.memory_space<semaphore_mem>> -> memref<1x!tpu.dma_semaphore, #tpu.memory_space<semaphore_mem>>
    %dma_start3A_136 = tpu.memref_squeeze %dma_start3A_135 : memref<1x!tpu.dma_semaphore, #tpu.memory_space<semaphore_mem>> -> memref<!tpu.dma_semaphore, #tpu.memory_space<semaphore_mem>>
    %dma_start3A_137 = arith.constant 0 : i32
    %dma_start3A_138 = tpu.memref_slice %arg6[%dma_start3A_127, %dma_start3A_137] : memref<4x128xi32, #tpu.memory_space<vmem>> -> memref<1x128xi32, #tpu.memory_space<vmem>>
    %dma_start3A_139 = tpu.memref_squeeze %dma_start3A_138 : memref<1x128xi32, #tpu.memory_space<vmem>> -> memref<128xi32, #tpu.memory_space<vmem>>
    %dma_start3A_140 = arith.constant 0 : i32
    %dma_start3A_141 = tpu.memref_slice %arg3[%add3A, %dma_start3A_126, %dma_start3A_140] : memref<32x80x128xi32, #tpu.memory_space<hbm>> -> memref<1x1x128xi32, #tpu.memory_space<hbm>>
    %dma_start3A_142 = tpu.memref_squeeze %dma_start3A_141 : memref<1x1x128xi32, #tpu.memory_space<hbm>> -> memref<128xi32, #tpu.memory_space<hbm>>
    tpu.enqueue_dma source(%dma_start3A_142 : memref<128xi32, #tpu.memory_space<hbm>>) target(%dma_start3A_139 : memref<128xi32, #tpu.memory_space<vmem>>) target_semaphore(%dma_start3A_136 : memref<!tpu.dma_semaphore, #tpu.memory_space<semaphore_mem>>)
    %dma_start3A_143 = arith.constant 2 : i32
    %dma_start3A_144 = arith.constant 2 : i32
    %dma_start3A_145 = arith.constant 2 : i32
    %dma_start3A_146 = arith.constant 0 : i32
    %dma_start3A_147 = tpu.memref_slice %arg7[%dma_start3A_144, %dma_start3A_146] : memref<4x128xi32, #tpu.memory_space<vmem>> -> memref<1x128xi32, #tpu.memory_space<vmem>>
    %dma_start3A_148 = tpu.memref_squeeze %dma_start3A_147 : memref<1x128xi32, #tpu.memory_space<vmem>> -> memref<128xi32, #tpu.memory_space<vmem>>
    %dma_start3A_149 = arith.constant 0 : i32
    %dma_start3A_150 = tpu.memref_slice %arg4[%add3A, %dma_start3A_143, %dma_start3A_149] : memref<32x80x128xi32, #tpu.memory_space<hbm>> -> memref<1x1x128xi32, #tpu.memory_space<hbm>>
    %dma_start3A_151 = tpu.memref_squeeze %dma_start3A_150 : memref<1x1x128xi32, #tpu.memory_space<hbm>> -> memref<128xi32, #tpu.memory_space<hbm>>
    %dma_start3A_152 = tpu.memref_slice %arg13[%dma_start3A_145] : memref<4x!tpu.dma_semaphore, #tpu.memory_space<semaphore_mem>> -> memref<1x!tpu.dma_semaphore, #tpu.memory_space<semaphore_mem>>
    %dma_start3A_153 = tpu.memref_squeeze %dma_start3A_152 : memref<1x!tpu.dma_semaphore, #tpu.memory_space<semaphore_mem>> -> memref<!tpu.dma_semaphore, #tpu.memory_space<semaphore_mem>>
    %dma_start3A_154 = arith.constant 0 : i32
    %dma_start3A_155 = tpu.memref_slice %arg7[%dma_start3A_144, %dma_start3A_154] : memref<4x128xi32, #tpu.memory_space<vmem>> -> memref<1x128xi32, #tpu.memory_space<vmem>>
    %dma_start3A_156 = tpu.memref_squeeze %dma_start3A_155 : memref<1x128xi32, #tpu.memory_space<vmem>> -> memref<128xi32, #tpu.memory_space<vmem>>
    %dma_start3A_157 = arith.constant 0 : i32
    %dma_start3A_158 = tpu.memref_slice %arg4[%add3A, %dma_start3A_143, %dma_start3A_157] : memref<32x80x128xi32, #tpu.memory_space<hbm>> -> memref<1x1x128xi32, #tpu.memory_space<hbm>>
    %dma_start3A_159 = tpu.memref_squeeze %dma_start3A_158 : memref<1x1x128xi32, #tpu.memory_space<hbm>> -> memref<128xi32, #tpu.memory_space<hbm>>
    tpu.enqueue_dma source(%dma_start3A_159 : memref<128xi32, #tpu.memory_space<hbm>>) target(%dma_start3A_156 : memref<128xi32, #tpu.memory_space<vmem>>) target_semaphore(%dma_start3A_153 : memref<!tpu.dma_semaphore, #tpu.memory_space<semaphore_mem>>)
    %dma_start3A_160 = arith.constant 0 : i32
    %dma_start3A_161 = arith.constant 0 : i32
    %dma_start3A_162 = arith.constant 0 : i32
    %dma_start3A_163 = arith.constant 0 : i32
    %dma_start3A_164 = arith.constant 0 : i32
    %dma_start3A_165 = tpu.memref_slice %arg8[%dma_start3A_161, %dma_start3A_163, %dma_start3A_164] : memref<2x128x128xf32, #tpu.memory_space<vmem>> -> memref<1x128x128xf32, #tpu.memory_space<vmem>>
    %dma_start3A_166 = tpu.memref_squeeze %dma_start3A_165 : memref<1x128x128xf32, #tpu.memory_space<vmem>> -> memref<128x128xf32, #tpu.memory_space<vmem>>
    %dma_start3A_167 = arith.constant 0 : i32
    %dma_start3A_168 = tpu.memref_slice %arg6[%dma_start3A_160, %dma_start3A_167] : memref<4x128xi32, #tpu.memory_space<vmem>> -> memref<1x128xi32, #tpu.memory_space<vmem>>
    %dma_start3A_169 = tpu.memref_squeeze %dma_start3A_168 : memref<1x128xi32, #tpu.memory_space<vmem>> -> memref<128xi32, #tpu.memory_space<vmem>>
    %dma_start3A_170 = arith.constant 0 : i32
    %dma_start3A_171 = arith.constant 0 : i32
    %dma_start3A_172 = tpu.memref_slice %arg2[%dma_start3A_170, %dma_start3A_171] : memref<10000x128xf32, #tpu.memory_space<hbm>> -> memref<10000x128xf32, #tpu.memory_space<hbm>>
    %dma_start3A_173 = tpu.memref_slice %arg14[%dma_start3A_162] : memref<2x!tpu.dma_semaphore, #tpu.memory_space<semaphore_mem>> -> memref<1x!tpu.dma_semaphore, #tpu.memory_space<semaphore_mem>>
    %dma_start3A_174 = tpu.memref_squeeze %dma_start3A_173 : memref<1x!tpu.dma_semaphore, #tpu.memory_space<semaphore_mem>> -> memref<!tpu.dma_semaphore, #tpu.memory_space<semaphore_mem>>
    tpu.enqueue_indirect_dma source(%dma_start3A_172 : memref<10000x128xf32, #tpu.memory_space<hbm>>) target(%dma_start3A_166 : memref<128x128xf32, #tpu.memory_space<vmem>>) offsets(%dma_start3A_169 : memref<128xi32, #tpu.memory_space<vmem>>) semaphore(%dma_start3A_174 : memref<!tpu.dma_semaphore, #tpu.memory_space<semaphore_mem>>)
    %dma_wait3A_175 = arith.constant 0 : i32
    %dma_wait3A_176 = arith.constant 0 : i32
    %dma_wait3A_177 = arith.constant 0 : i32
    %dma_wait3A_178 = arith.constant 0 : i32
    %dma_wait3A_179 = arith.constant 0 : i32
    %dma_wait3A_180 = tpu.memref_slice %arg8[%dma_wait3A_176, %dma_wait3A_178, %dma_wait3A_179] : memref<2x128x128xf32, #tpu.memory_space<vmem>> -> memref<1x128x128xf32, #tpu.memory_space<vmem>>
    %dma_wait3A_181 = tpu.memref_squeeze %dma_wait3A_180 : memref<1x128x128xf32, #tpu.memory_space<vmem>> -> memref<128x128xf32, #tpu.memory_space<vmem>>
    %dma_wait3A_182 = arith.constant 0 : i32
    %dma_wait3A_183 = tpu.memref_slice %arg6[%dma_wait3A_175, %dma_wait3A_182] : memref<4x128xi32, #tpu.memory_space<vmem>> -> memref<1x128xi32, #tpu.memory_space<vmem>>
    %dma_wait3A_184 = tpu.memref_squeeze %dma_wait3A_183 : memref<1x128xi32, #tpu.memory_space<vmem>> -> memref<128xi32, #tpu.memory_space<vmem>>
    %dma_wait3A_185 = arith.constant 0 : i32
    %dma_wait3A_186 = arith.constant 0 : i32
    %dma_wait3A_187 = tpu.memref_slice %arg2[%dma_wait3A_185, %dma_wait3A_186] : memref<10000x128xf32, #tpu.memory_space<hbm>> -> memref<10000x128xf32, #tpu.memory_space<hbm>>
    %dma_wait3A_188 = tpu.memref_slice %arg14[%dma_wait3A_177] : memref<2x!tpu.dma_semaphore, #tpu.memory_space<semaphore_mem>> -> memref<1x!tpu.dma_semaphore, #tpu.memory_space<semaphore_mem>>
    %dma_wait3A_189 = tpu.memref_squeeze %dma_wait3A_188 : memref<1x!tpu.dma_semaphore, #tpu.memory_space<semaphore_mem>> -> memref<!tpu.dma_semaphore, #tpu.memory_space<semaphore_mem>>
    tpu.wait_indirect_dma semaphore(%dma_wait3A_189 : memref<!tpu.dma_semaphore, #tpu.memory_space<semaphore_mem>>) src(%dma_wait3A_187 : memref<10000x128xf32, #tpu.memory_space<hbm>>) dst(%dma_wait3A_181 : memref<128x128xf32, #tpu.memory_space<vmem>>)
    %dma_start3A_190 = arith.constant 0 : i32
    %dma_start3A_191 = arith.constant 0 : i32
    %dma_start3A_192 = arith.constant 0 : i32
    %dma_start3A_193 = arith.constant 0 : i32
    %dma_start3A_194 = arith.constant 0 : i32
    %dma_start3A_195 = tpu.memref_slice %arg8[%dma_start3A_190, %dma_start3A_193, %dma_start3A_194] : memref<2x128x128xf32, #tpu.memory_space<vmem>> -> memref<1x128x128xf32, #tpu.memory_space<vmem>>
    %dma_start3A_196 = tpu.memref_squeeze %dma_start3A_195 : memref<1x128x128xf32, #tpu.memory_space<vmem>> -> memref<128x128xf32, #tpu.memory_space<vmem>>
    %dma_start3A_197 = arith.constant 0 : i32
    %dma_start3A_198 = tpu.memref_slice %arg7[%dma_start3A_191, %dma_start3A_197] : memref<4x128xi32, #tpu.memory_space<vmem>> -> memref<1x128xi32, #tpu.memory_space<vmem>>
    %dma_start3A_199 = tpu.memref_squeeze %dma_start3A_198 : memref<1x128xi32, #tpu.memory_space<vmem>> -> memref<128xi32, #tpu.memory_space<vmem>>
    %dma_start3A_200 = arith.constant 0 : i32
    %dma_start3A_201 = arith.constant 0 : i32
    %dma_start3A_202 = tpu.memref_slice %arg11[%dma_start3A_200, %dma_start3A_201] : memref<10112x128xf32, #tpu.memory_space<vmem_shared>> -> memref<10112x128xf32, #tpu.memory_space<vmem_shared>>
    %dma_start3A_203 = tpu.memref_slice %arg15[%dma_start3A_192] : memref<2x!tpu.dma_semaphore, #tpu.memory_space<semaphore_mem>> -> memref<1x!tpu.dma_semaphore, #tpu.memory_space<semaphore_mem>>
    %dma_start3A_204 = tpu.memref_squeeze %dma_start3A_203 : memref<1x!tpu.dma_semaphore, #tpu.memory_space<semaphore_mem>> -> memref<!tpu.dma_semaphore, #tpu.memory_space<semaphore_mem>>
    tpu.enqueue_indirect_dma source(%dma_start3A_196 : memref<128x128xf32, #tpu.memory_space<vmem>>) target(%dma_start3A_202 : memref<10112x128xf32, #tpu.memory_space<vmem_shared>>) offsets(%dma_start3A_199 : memref<128xi32, #tpu.memory_space<vmem>>) semaphore(%dma_start3A_204 : memref<!tpu.dma_semaphore, #tpu.memory_space<semaphore_mem>>) {add = true}
    %dma_wait3A_205 = arith.constant 0 : i32
    %dma_wait3A_206 = arith.constant 1 : i32
    %dma_wait3A_207 = arith.constant 1 : i32
    %dma_wait3A_208 = arith.constant 0 : i32
    %dma_wait3A_209 = tpu.memref_slice %arg6[%dma_wait3A_206, %dma_wait3A_208] : memref<4x128xi32, #tpu.memory_space<vmem>> -> memref<1x128xi32, #tpu.memory_space<vmem>>
    %dma_wait3A_210 = tpu.memref_squeeze %dma_wait3A_209 : memref<1x128xi32, #tpu.memory_space<vmem>> -> memref<128xi32, #tpu.memory_space<vmem>>
    %dma_wait3A_211 = arith.constant 0 : i32
    %dma_wait3A_212 = tpu.memref_slice %arg3[%add3A, %dma_wait3A_205, %dma_wait3A_211] : memref<32x80x128xi32, #tpu.memory_space<hbm>> -> memref<1x1x128xi32, #tpu.memory_space<hbm>>
    %dma_wait3A_213 = tpu.memref_squeeze %dma_wait3A_212 : memref<1x1x128xi32, #tpu.memory_space<hbm>> -> memref<128xi32, #tpu.memory_space<hbm>>
    %dma_wait3A_214 = tpu.memref_slice %arg13[%dma_wait3A_207] : memref<4x!tpu.dma_semaphore, #tpu.memory_space<semaphore_mem>> -> memref<1x!tpu.dma_semaphore, #tpu.memory_space<semaphore_mem>>
    %dma_wait3A_215 = tpu.memref_squeeze %dma_wait3A_214 : memref<1x!tpu.dma_semaphore, #tpu.memory_space<semaphore_mem>> -> memref<!tpu.dma_semaphore, #tpu.memory_space<semaphore_mem>>
    %dma_wait3A_216 = arith.constant 0 : i32
    %dma_wait3A_217 = tpu.memref_slice %arg6[%dma_wait3A_206, %dma_wait3A_216] : memref<4x128xi32, #tpu.memory_space<vmem>> -> memref<1x128xi32, #tpu.memory_space<vmem>>
    %dma_wait3A_218 = tpu.memref_squeeze %dma_wait3A_217 : memref<1x128xi32, #tpu.memory_space<vmem>> -> memref<128xi32, #tpu.memory_space<vmem>>
    %dma_wait3A_219 = arith.constant 0 : i32
    %dma_wait3A_220 = tpu.memref_slice %arg3[%add3A, %dma_wait3A_205, %dma_wait3A_219] : memref<32x80x128xi32, #tpu.memory_space<hbm>> -> memref<1x1x128xi32, #tpu.memory_space<hbm>>
    %dma_wait3A_221 = tpu.memref_squeeze %dma_wait3A_220 : memref<1x1x128xi32, #tpu.memory_space<hbm>> -> memref<128xi32, #tpu.memory_space<hbm>>
    tpu.wait_dma2 semaphore(%dma_wait3A_215 : memref<!tpu.dma_semaphore, #tpu.memory_space<semaphore_mem>>) src(%dma_wait3A_221 : memref<128xi32, #tpu.memory_space<hbm>>) dst(%dma_wait3A_218 : memref<128xi32, #tpu.memory_space<vmem>>)
    %dma_wait3A_222 = arith.constant 0 : i32
    %dma_wait3A_223 = arith.constant 1 : i32
    %dma_wait3A_224 = arith.constant 1 : i32
    %dma_wait3A_225 = arith.constant 0 : i32
    %dma_wait3A_226 = tpu.memref_slice %arg6[%dma_wait3A_223, %dma_wait3A_225] : memref<4x128xi32, #tpu.memory_space<vmem>> -> memref<1x128xi32, #tpu.memory_space<vmem>>
    %dma_wait3A_227 = tpu.memref_squeeze %dma_wait3A_226 : memref<1x128xi32, #tpu.memory_space<vmem>> -> memref<128xi32, #tpu.memory_space<vmem>>
    %dma_wait3A_228 = arith.constant 0 : i32
    %dma_wait3A_229 = tpu.memref_slice %arg3[%add3A, %dma_wait3A_222, %dma_wait3A_228] : memref<32x80x128xi32, #tpu.memory_space<hbm>> -> memref<1x1x128xi32, #tpu.memory_space<hbm>>
    %dma_wait3A_230 = tpu.memref_squeeze %dma_wait3A_229 : memref<1x1x128xi32, #tpu.memory_space<hbm>> -> memref<128xi32, #tpu.memory_space<hbm>>
    %dma_wait3A_231 = tpu.memref_slice %arg13[%dma_wait3A_224] : memref<4x!tpu.dma_semaphore, #tpu.memory_space<semaphore_mem>> -> memref<1x!tpu.dma_semaphore, #tpu.memory_space<semaphore_mem>>
    %dma_wait3A_232 = tpu.memref_squeeze %dma_wait3A_231 : memref<1x!tpu.dma_semaphore, #tpu.memory_space<semaphore_mem>> -> memref<!tpu.dma_semaphore, #tpu.memory_space<semaphore_mem>>
    %dma_wait3A_233 = arith.constant 0 : i32
    %dma_wait3A_234 = tpu.memref_slice %arg6[%dma_wait3A_223, %dma_wait3A_233] : memref<4x128xi32, #tpu.memory_space<vmem>> -> memref<1x128xi32, #tpu.memory_space<vmem>>
    %dma_wait3A_235 = tpu.memref_squeeze %dma_wait3A_234 : memref<1x128xi32, #tpu.memory_space<vmem>> -> memref<128xi32, #tpu.memory_space<vmem>>
    %dma_wait3A_236 = arith.constant 0 : i32
    %dma_wait3A_237 = tpu.memref_slice %arg3[%add3A, %dma_wait3A_222, %dma_wait3A_236] : memref<32x80x128xi32, #tpu.memory_space<hbm>> -> memref<1x1x128xi32, #tpu.memory_space<hbm>>
    %dma_wait3A_238 = tpu.memref_squeeze %dma_wait3A_237 : memref<1x1x128xi32, #tpu.memory_space<hbm>> -> memref<128xi32, #tpu.memory_space<hbm>>
    tpu.wait_dma2 semaphore(%dma_wait3A_232 : memref<!tpu.dma_semaphore, #tpu.memory_space<semaphore_mem>>) src(%dma_wait3A_238 : memref<128xi32, #tpu.memory_space<hbm>>) dst(%dma_wait3A_235 : memref<128xi32, #tpu.memory_space<vmem>>)
    %dma_start3A_239 = arith.constant 3 : i32
    %dma_start3A_240 = arith.constant 3 : i32
    %dma_start3A_241 = arith.constant 3 : i32
    %dma_start3A_242 = arith.constant 0 : i32
    %dma_start3A_243 = tpu.memref_slice %arg6[%dma_start3A_240, %dma_start3A_242] : memref<4x128xi32, #tpu.memory_space<vmem>> -> memref<1x128xi32, #tpu.memory_space<vmem>>
    %dma_start3A_244 = tpu.memref_squeeze %dma_start3A_243 : memref<1x128xi32, #tpu.memory_space<vmem>> -> memref<128xi32, #tpu.memory_space<vmem>>
    %dma_start3A_245 = arith.constant 0 : i32
    %dma_start3A_246 = tpu.memref_slice %arg3[%add3A, %dma_start3A_239, %dma_start3A_245] : memref<32x80x128xi32, #tpu.memory_space<hbm>> -> memref<1x1x128xi32, #tpu.memory_space<hbm>>
    %dma_start3A_247 = tpu.memref_squeeze %dma_start3A_246 : memref<1x1x128xi32, #tpu.memory_space<hbm>> -> memref<128xi32, #tpu.memory_space<hbm>>
    %dma_start3A_248 = tpu.memref_slice %arg13[%dma_start3A_241] : memref<4x!tpu.dma_semaphore, #tpu.memory_space<semaphore_mem>> -> memref<1x!tpu.dma_semaphore, #tpu.memory_space<semaphore_mem>>
    %dma_start3A_249 = tpu.memref_squeeze %dma_start3A_248 : memref<1x!tpu.dma_semaphore, #tpu.memory_space<semaphore_mem>> -> memref<!tpu.dma_semaphore, #tpu.memory_space<semaphore_mem>>
    %dma_start3A_250 = arith.constant 0 : i32
    %dma_start3A_251 = tpu.memref_slice %arg6[%dma_start3A_240, %dma_start3A_250] : memref<4x128xi32, #tpu.memory_space<vmem>> -> memref<1x128xi32, #tpu.memory_space<vmem>>
    %dma_start3A_252 = tpu.memref_squeeze %dma_start3A_251 : memref<1x128xi32, #tpu.memory_space<vmem>> -> memref<128xi32, #tpu.memory_space<vmem>>
    %dma_start3A_253 = arith.constant 0 : i32
    %dma_start3A_254 = tpu.memref_slice %arg3[%add3A, %dma_start3A_239, %dma_start3A_253] : memref<32x80x128xi32, #tpu.memory_space<hbm>> -> memref<1x1x128xi32, #tpu.memory_space<hbm>>
    %dma_start3A_255 = tpu.memref_squeeze %dma_start3A_254 : memref<1x1x128xi32, #tpu.memory_space<hbm>> -> memref<128xi32, #tpu.memory_space<hbm>>
    tpu.enqueue_dma source(%dma_start3A_255 : memref<128xi32, #tpu.memory_space<hbm>>) target(%dma_start3A_252 : memref<128xi32, #tpu.memory_space<vmem>>) target_semaphore(%dma_start3A_249 : memref<!tpu.dma_semaphore, #tpu.memory_space<semaphore_mem>>)
    %dma_start3A_256 = arith.constant 3 : i32
    %dma_start3A_257 = arith.constant 3 : i32
    %dma_start3A_258 = arith.constant 3 : i32
    %dma_start3A_259 = arith.constant 0 : i32
    %dma_start3A_260 = tpu.memref_slice %arg7[%dma_start3A_257, %dma_start3A_259] : memref<4x128xi32, #tpu.memory_space<vmem>> -> memref<1x128xi32, #tpu.memory_space<vmem>>
    %dma_start3A_261 = tpu.memref_squeeze %dma_start3A_260 : memref<1x128xi32, #tpu.memory_space<vmem>> -> memref<128xi32, #tpu.memory_space<vmem>>
    %dma_start3A_262 = arith.constant 0 : i32
    %dma_start3A_263 = tpu.memref_slice %arg4[%add3A, %dma_start3A_256, %dma_start3A_262] : memref<32x80x128xi32, #tpu.memory_space<hbm>> -> memref<1x1x128xi32, #tpu.memory_space<hbm>>
    %dma_start3A_264 = tpu.memref_squeeze %dma_start3A_263 : memref<1x1x128xi32, #tpu.memory_space<hbm>> -> memref<128xi32, #tpu.memory_space<hbm>>
    %dma_start3A_265 = tpu.memref_slice %arg13[%dma_start3A_258] : memref<4x!tpu.dma_semaphore, #tpu.memory_space<semaphore_mem>> -> memref<1x!tpu.dma_semaphore, #tpu.memory_space<semaphore_mem>>
    %dma_start3A_266 = tpu.memref_squeeze %dma_start3A_265 : memref<1x!tpu.dma_semaphore, #tpu.memory_space<semaphore_mem>> -> memref<!tpu.dma_semaphore, #tpu.memory_space<semaphore_mem>>
    %dma_start3A_267 = arith.constant 0 : i32
    %dma_start3A_268 = tpu.memref_slice %arg7[%dma_start3A_257, %dma_start3A_267] : memref<4x128xi32, #tpu.memory_space<vmem>> -> memref<1x128xi32, #tpu.memory_space<vmem>>
    %dma_start3A_269 = tpu.memref_squeeze %dma_start3A_268 : memref<1x128xi32, #tpu.memory_space<vmem>> -> memref<128xi32, #tpu.memory_space<vmem>>
    %dma_start3A_270 = arith.constant 0 : i32
    %dma_start3A_271 = tpu.memref_slice %arg4[%add3A, %dma_start3A_256, %dma_start3A_270] : memref<32x80x128xi32, #tpu.memory_space<hbm>> -> memref<1x1x128xi32, #tpu.memory_space<hbm>>
    %dma_start3A_272 = tpu.memref_squeeze %dma_start3A_271 : memref<1x1x128xi32, #tpu.memory_space<hbm>> -> memref<128xi32, #tpu.memory_space<hbm>>
    tpu.enqueue_dma source(%dma_start3A_272 : memref<128xi32, #tpu.memory_space<hbm>>) target(%dma_start3A_269 : memref<128xi32, #tpu.memory_space<vmem>>) target_semaphore(%dma_start3A_266 : memref<!tpu.dma_semaphore, #tpu.memory_space<semaphore_mem>>)
    %dma_start3A_273 = arith.constant 1 : i32
    %dma_start3A_274 = arith.constant 1 : i32
    %dma_start3A_275 = arith.constant 1 : i32
    %dma_start3A_276 = arith.constant 0 : i32
    %dma_start3A_277 = arith.constant 0 : i32
    %dma_start3A_278 = tpu.memref_slice %arg8[%dma_start3A_274, %dma_start3A_276, %dma_start3A_277] : memref<2x128x128xf32, #tpu.memory_space<vmem>> -> memref<1x128x128xf32, #tpu.memory_space<vmem>>
    %dma_start3A_279 = tpu.memref_squeeze %dma_start3A_278 : memref<1x128x128xf32, #tpu.memory_space<vmem>> -> memref<128x128xf32, #tpu.memory_space<vmem>>
    %dma_start3A_280 = arith.constant 0 : i32
    %dma_start3A_281 = tpu.memref_slice %arg6[%dma_start3A_273, %dma_start3A_280] : memref<4x128xi32, #tpu.memory_space<vmem>> -> memref<1x128xi32, #tpu.memory_space<vmem>>
    %dma_start3A_282 = tpu.memref_squeeze %dma_start3A_281 : memref<1x128xi32, #tpu.memory_space<vmem>> -> memref<128xi32, #tpu.memory_space<vmem>>
    %dma_start3A_283 = arith.constant 0 : i32
    %dma_start3A_284 = arith.constant 0 : i32
    %dma_start3A_285 = tpu.memref_slice %arg2[%dma_start3A_283, %dma_start3A_284] : memref<10000x128xf32, #tpu.memory_space<hbm>> -> memref<10000x128xf32, #tpu.memory_space<hbm>>
    %dma_start3A_286 = tpu.memref_slice %arg14[%dma_start3A_275] : memref<2x!tpu.dma_semaphore, #tpu.memory_space<semaphore_mem>> -> memref<1x!tpu.dma_semaphore, #tpu.memory_space<semaphore_mem>>
    %dma_start3A_287 = tpu.memref_squeeze %dma_start3A_286 : memref<1x!tpu.dma_semaphore, #tpu.memory_space<semaphore_mem>> -> memref<!tpu.dma_semaphore, #tpu.memory_space<semaphore_mem>>
    tpu.enqueue_indirect_dma source(%dma_start3A_285 : memref<10000x128xf32, #tpu.memory_space<hbm>>) target(%dma_start3A_279 : memref<128x128xf32, #tpu.memory_space<vmem>>) offsets(%dma_start3A_282 : memref<128xi32, #tpu.memory_space<vmem>>) semaphore(%dma_start3A_287 : memref<!tpu.dma_semaphore, #tpu.memory_space<semaphore_mem>>)
    %dma_wait3A_288 = arith.constant 1 : i32
    %dma_wait3A_289 = arith.constant 1 : i32
    %dma_wait3A_290 = arith.constant 1 : i32
    %dma_wait3A_291 = arith.constant 0 : i32
    %dma_wait3A_292 = arith.constant 0 : i32
    %dma_wait3A_293 = tpu.memref_slice %arg8[%dma_wait3A_289, %dma_wait3A_291, %dma_wait3A_292] : memref<2x128x128xf32, #tpu.memory_space<vmem>> -> memref<1x128x128xf32, #tpu.memory_space<vmem>>
    %dma_wait3A_294 = tpu.memref_squeeze %dma_wait3A_293 : memref<1x128x128xf32, #tpu.memory_space<vmem>> -> memref<128x128xf32, #tpu.memory_space<vmem>>
    %dma_wait3A_295 = arith.constant 0 : i32
    %dma_wait3A_296 = tpu.memref_slice %arg6[%dma_wait3A_288, %dma_wait3A_295] : memref<4x128xi32, #tpu.memory_space<vmem>> -> memref<1x128xi32, #tpu.memory_space<vmem>>
    %dma_wait3A_297 = tpu.memref_squeeze %dma_wait3A_296 : memref<1x128xi32, #tpu.memory_space<vmem>> -> memref<128xi32, #tpu.memory_space<vmem>>
    %dma_wait3A_298 = arith.constant 0 : i32
    %dma_wait3A_299 = arith.constant 0 : i32
    %dma_wait3A_300 = tpu.memref_slice %arg2[%dma_wait3A_298, %dma_wait3A_299] : memref<10000x128xf32, #tpu.memory_space<hbm>> -> memref<10000x128xf32, #tpu.memory_space<hbm>>
    %dma_wait3A_301 = tpu.memref_slice %arg14[%dma_wait3A_290] : memref<2x!tpu.dma_semaphore, #tpu.memory_space<semaphore_mem>> -> memref<1x!tpu.dma_semaphore, #tpu.memory_space<semaphore_mem>>
    %dma_wait3A_302 = tpu.memref_squeeze %dma_wait3A_301 : memref<1x!tpu.dma_semaphore, #tpu.memory_space<semaphore_mem>> -> memref<!tpu.dma_semaphore, #tpu.memory_space<semaphore_mem>>
    tpu.wait_indirect_dma semaphore(%dma_wait3A_302 : memref<!tpu.dma_semaphore, #tpu.memory_space<semaphore_mem>>) src(%dma_wait3A_300 : memref<10000x128xf32, #tpu.memory_space<hbm>>) dst(%dma_wait3A_294 : memref<128x128xf32, #tpu.memory_space<vmem>>)
    %dma_start3A_303 = arith.constant 1 : i32
    %dma_start3A_304 = arith.constant 1 : i32
    %dma_start3A_305 = arith.constant 1 : i32
    %dma_start3A_306 = arith.constant 0 : i32
    %dma_start3A_307 = arith.constant 0 : i32
    %dma_start3A_308 = tpu.memref_slice %arg8[%dma_start3A_303, %dma_start3A_306, %dma_start3A_307] : memref<2x128x128xf32, #tpu.memory_space<vmem>> -> memref<1x128x128xf32, #tpu.memory_space<vmem>>
    %dma_start3A_309 = tpu.memref_squeeze %dma_start3A_308 : memref<1x128x128xf32, #tpu.memory_space<vmem>> -> memref<128x128xf32, #tpu.memory_space<vmem>>
    %dma_start3A_310 = arith.constant 0 : i32
    %dma_start3A_311 = tpu.memref_slice %arg7[%dma_start3A_304, %dma_start3A_310] : memref<4x128xi32, #tpu.memory_space<vmem>> -> memref<1x128xi32, #tpu.memory_space<vmem>>
    %dma_start3A_312 = tpu.memref_squeeze %dma_start3A_311 : memref<1x128xi32, #tpu.memory_space<vmem>> -> memref<128xi32, #tpu.memory_space<vmem>>
    %dma_start3A_313 = arith.constant 0 : i32
    %dma_start3A_314 = arith.constant 0 : i32
    %dma_start3A_315 = tpu.memref_slice %arg11[%dma_start3A_313, %dma_start3A_314] : memref<10112x128xf32, #tpu.memory_space<vmem_shared>> -> memref<10112x128xf32, #tpu.memory_space<vmem_shared>>
    %dma_start3A_316 = tpu.memref_slice %arg15[%dma_start3A_305] : memref<2x!tpu.dma_semaphore, #tpu.memory_space<semaphore_mem>> -> memref<1x!tpu.dma_semaphore, #tpu.memory_space<semaphore_mem>>
    %dma_start3A_317 = tpu.memref_squeeze %dma_start3A_316 : memref<1x!tpu.dma_semaphore, #tpu.memory_space<semaphore_mem>> -> memref<!tpu.dma_semaphore, #tpu.memory_space<semaphore_mem>>
    tpu.enqueue_indirect_dma source(%dma_start3A_309 : memref<128x128xf32, #tpu.memory_space<vmem>>) target(%dma_start3A_315 : memref<10112x128xf32, #tpu.memory_space<vmem_shared>>) offsets(%dma_start3A_312 : memref<128xi32, #tpu.memory_space<vmem>>) semaphore(%dma_start3A_317 : memref<!tpu.dma_semaphore, #tpu.memory_space<semaphore_mem>>) {add = true}
    %scan3A_318 = arith.constant 0 : i32
    %scan3A_319 = arith.constant 2 : i32
    %scan3A_320 = arith.constant 78 : i32
    %scan3A_321 = arith.addi %scan3A_319, %scan3A_320 : i32
    %scan3A_322 = arith.constant 1 : i32
    %scan3A_323 = scf.for %scan3A_362 = %scan3A_319 to %scan3A_321 step %scan3A_322 iter_args(%scan3A_363 = %scan3A_318) -> (i32)  : i32 {
      %jit3A = arith.constant 2 : i32
      %eq3A = arith.constant 0 : i32
      %eq3A_364 = arith.cmpi eq, %jit3A, %eq3A : i32
      %jit3A_365 = arith.constant 1 : i32
      %select_n3A = arith.select %eq3A_364, %jit3A_365, %jit3A : i32
      %rem3A = arith.remsi %scan3A_362, %select_n3A : i32
      %ne3A = arith.constant 0 : i32
      %ne3A_366 = arith.cmpi ne, %rem3A, %ne3A : i32
      %lt3A = arith.constant 0 : i32
      %lt3A_367 = arith.cmpi slt, %rem3A, %lt3A : i32
      %lt3A_368 = arith.constant 0 : i32
      %lt3A_369 = arith.cmpi slt, %select_n3A, %lt3A_368 : i32
      %ne3A_370 = arith.xori %lt3A_367, %lt3A_369 : i1
      %and3A = arith.andi %ne3A_370, %ne3A_366 : i1
      %add3A_371 = arith.addi %rem3A, %select_n3A : i32
      %select_n3A_372 = arith.select %and3A, %add3A_371, %rem3A : i32
      %jit3A_373 = arith.constant 4 : i32
      %eq3A_374 = arith.constant 0 : i32
      %eq3A_375 = arith.cmpi eq, %jit3A_373, %eq3A_374 : i32
      %jit3A_376 = arith.constant 1 : i32
      %select_n3A_377 = arith.select %eq3A_375, %jit3A_376, %jit3A_373 : i32
      %rem3A_378 = arith.remsi %scan3A_362, %select_n3A_377 : i32
      %ne3A_379 = arith.constant 0 : i32
      %ne3A_380 = arith.cmpi ne, %rem3A_378, %ne3A_379 : i32
      %lt3A_381 = arith.constant 0 : i32
      %lt3A_382 = arith.cmpi slt, %rem3A_378, %lt3A_381 : i32
      %lt3A_383 = arith.constant 0 : i32
      %lt3A_384 = arith.cmpi slt, %select_n3A_377, %lt3A_383 : i32
      %ne3A_385 = arith.xori %lt3A_382, %lt3A_384 : i1
      %and3A_386 = arith.andi %ne3A_385, %ne3A_380 : i1
      %add3A_387 = arith.addi %rem3A_378, %select_n3A_377 : i32
      %select_n3A_388 = arith.select %and3A_386, %add3A_387, %rem3A_378 : i32
      %add3A_389 = arith.constant 2 : i32
      %add3A_390 = arith.addi %scan3A_362, %add3A_389 : i32
      %jit3A_391 = arith.constant 4 : i32
      %eq3A_392 = arith.constant 0 : i32
      %eq3A_393 = arith.cmpi eq, %jit3A_391, %eq3A_392 : i32
      %jit3A_394 = arith.constant 1 : i32
      %select_n3A_395 = arith.select %eq3A_393, %jit3A_394, %jit3A_391 : i32
      %rem3A_396 = arith.remsi %add3A_390, %select_n3A_395 : i32
      %ne3A_397 = arith.constant 0 : i32
      %ne3A_398 = arith.cmpi ne, %rem3A_396, %ne3A_397 : i32
      %lt3A_399 = arith.constant 0 : i32
      %lt3A_400 = arith.cmpi slt, %rem3A_396, %lt3A_399 : i32
      %lt3A_401 = arith.constant 0 : i32
      %lt3A_402 = arith.cmpi slt, %select_n3A_395, %lt3A_401 : i32
      %ne3A_403 = arith.xori %lt3A_400, %lt3A_402 : i1
      %and3A_404 = arith.andi %ne3A_403, %ne3A_398 : i1
      %add3A_405 = arith.addi %rem3A_396, %select_n3A_395 : i32
      %select_n3A_406 = arith.select %and3A_404, %add3A_405, %rem3A_396 : i32
      %dma_wait3A_407 = arith.constant 0 : i32
      %dma_wait3A_408 = arith.constant 0 : i32
      %dma_wait3A_409 = tpu.memref_slice %arg8[%select_n3A_372, %dma_wait3A_407, %dma_wait3A_408] : memref<2x128x128xf32, #tpu.memory_space<vmem>> -> memref<1x128x128xf32, #tpu.memory_space<vmem>>
      %dma_wait3A_410 = tpu.memref_squeeze %dma_wait3A_409 : memref<1x128x128xf32, #tpu.memory_space<vmem>> -> memref<128x128xf32, #tpu.memory_space<vmem>>
      %dma_wait3A_411 = arith.constant 0 : i32
      %dma_wait3A_412 = arith.constant 0 : i32
      %dma_wait3A_413 = tpu.memref_slice %arg2[%dma_wait3A_411, %dma_wait3A_412] : memref<10000x128xf32, #tpu.memory_space<hbm>> -> memref<128x128xf32, #tpu.memory_space<hbm>>
      %dma_wait3A_414 = tpu.memref_slice %arg15[%select_n3A_372] : memref<2x!tpu.dma_semaphore, #tpu.memory_space<semaphore_mem>> -> memref<1x!tpu.dma_semaphore, #tpu.memory_space<semaphore_mem>>
      %dma_wait3A_415 = tpu.memref_squeeze %dma_wait3A_414 : memref<1x!tpu.dma_semaphore, #tpu.memory_space<semaphore_mem>> -> memref<!tpu.dma_semaphore, #tpu.memory_space<semaphore_mem>>
      %dma_wait3A_416 = arith.constant 0 : i32
      %dma_wait3A_417 = arith.constant 0 : i32
      %dma_wait3A_418 = tpu.memref_slice %arg8[%select_n3A_372, %dma_wait3A_416, %dma_wait3A_417] : memref<2x128x128xf32, #tpu.memory_space<vmem>> -> memref<1x128x128xf32, #tpu.memory_space<vmem>>
      %dma_wait3A_419 = tpu.memref_squeeze %dma_wait3A_418 : memref<1x128x128xf32, #tpu.memory_space<vmem>> -> memref<128x128xf32, #tpu.memory_space<vmem>>
      %dma_wait3A_420 = arith.constant 0 : i32
      %dma_wait3A_421 = arith.constant 0 : i32
      %dma_wait3A_422 = tpu.memref_slice %arg2[%dma_wait3A_420, %dma_wait3A_421] : memref<10000x128xf32, #tpu.memory_space<hbm>> -> memref<128x128xf32, #tpu.memory_space<hbm>>
      tpu.wait_dma2 semaphore(%dma_wait3A_415 : memref<!tpu.dma_semaphore, #tpu.memory_space<semaphore_mem>>) src(%dma_wait3A_422 : memref<128x128xf32, #tpu.memory_space<hbm>>) dst(%dma_wait3A_419 : memref<128x128xf32, #tpu.memory_space<vmem>>)
      %add3A_423 = arith.constant 2 : i32
      %add3A_424 = arith.addi %scan3A_362, %add3A_423 : i32
      %lt3A_425 = arith.constant 80 : i32
      %lt3A_426 = arith.cmpi slt, %add3A_424, %lt3A_425 : i32
      %convert_element_type3A = arith.extui %lt3A_426 : i1 to i32
      %cond3A = arith.constant 0 : i32
      %cond3A_427 = arith.cmpi ne, %convert_element_type3A, %cond3A : i32
      scf.if %cond3A_427 {
        %add3A_495 = arith.constant 2 : i32
        %add3A_496 = arith.addi %scan3A_362, %add3A_495 : i32
        %dma_start3A_497 = arith.constant 0 : i32
        %dma_start3A_498 = tpu.memref_slice %arg6[%select_n3A_406, %dma_start3A_497] : memref<4x128xi32, #tpu.memory_space<vmem>> -> memref<1x128xi32, #tpu.memory_space<vmem>>
        %dma_start3A_499 = tpu.memref_squeeze %dma_start3A_498 : memref<1x128xi32, #tpu.memory_space<vmem>> -> memref<128xi32, #tpu.memory_space<vmem>>
        %dma_start3A_500 = arith.constant 0 : i32
        %dma_start3A_501 = tpu.memref_slice %arg3[%add3A, %add3A_496, %dma_start3A_500] : memref<32x80x128xi32, #tpu.memory_space<hbm>> -> memref<1x1x128xi32, #tpu.memory_space<hbm>>
        %dma_start3A_502 = tpu.memref_squeeze %dma_start3A_501 : memref<1x1x128xi32, #tpu.memory_space<hbm>> -> memref<128xi32, #tpu.memory_space<hbm>>
        %dma_start3A_503 = tpu.memref_slice %arg13[%select_n3A_406] : memref<4x!tpu.dma_semaphore, #tpu.memory_space<semaphore_mem>> -> memref<1x!tpu.dma_semaphore, #tpu.memory_space<semaphore_mem>>
        %dma_start3A_504 = tpu.memref_squeeze %dma_start3A_503 : memref<1x!tpu.dma_semaphore, #tpu.memory_space<semaphore_mem>> -> memref<!tpu.dma_semaphore, #tpu.memory_space<semaphore_mem>>
        %dma_start3A_505 = arith.constant 0 : i32
        %dma_start3A_506 = tpu.memref_slice %arg6[%select_n3A_406, %dma_start3A_505] : memref<4x128xi32, #tpu.memory_space<vmem>> -> memref<1x128xi32, #tpu.memory_space<vmem>>
        %dma_start3A_507 = tpu.memref_squeeze %dma_start3A_506 : memref<1x128xi32, #tpu.memory_space<vmem>> -> memref<128xi32, #tpu.memory_space<vmem>>
        %dma_start3A_508 = arith.constant 0 : i32
        %dma_start3A_509 = tpu.memref_slice %arg3[%add3A, %add3A_496, %dma_start3A_508] : memref<32x80x128xi32, #tpu.memory_space<hbm>> -> memref<1x1x128xi32, #tpu.memory_space<hbm>>
        %dma_start3A_510 = tpu.memref_squeeze %dma_start3A_509 : memref<1x1x128xi32, #tpu.memory_space<hbm>> -> memref<128xi32, #tpu.memory_space<hbm>>
        tpu.enqueue_dma source(%dma_start3A_510 : memref<128xi32, #tpu.memory_space<hbm>>) target(%dma_start3A_507 : memref<128xi32, #tpu.memory_space<vmem>>) target_semaphore(%dma_start3A_504 : memref<!tpu.dma_semaphore, #tpu.memory_space<semaphore_mem>>)
        %dma_start3A_511 = arith.constant 0 : i32
        %dma_start3A_512 = tpu.memref_slice %arg7[%select_n3A_406, %dma_start3A_511] : memref<4x128xi32, #tpu.memory_space<vmem>> -> memref<1x128xi32, #tpu.memory_space<vmem>>
        %dma_start3A_513 = tpu.memref_squeeze %dma_start3A_512 : memref<1x128xi32, #tpu.memory_space<vmem>> -> memref<128xi32, #tpu.memory_space<vmem>>
        %dma_start3A_514 = arith.constant 0 : i32
        %dma_start3A_515 = tpu.memref_slice %arg4[%add3A, %add3A_496, %dma_start3A_514] : memref<32x80x128xi32, #tpu.memory_space<hbm>> -> memref<1x1x128xi32, #tpu.memory_space<hbm>>
        %dma_start3A_516 = tpu.memref_squeeze %dma_start3A_515 : memref<1x1x128xi32, #tpu.memory_space<hbm>> -> memref<128xi32, #tpu.memory_space<hbm>>
        %dma_start3A_517 = tpu.memref_slice %arg13[%select_n3A_406] : memref<4x!tpu.dma_semaphore, #tpu.memory_space<semaphore_mem>> -> memref<1x!tpu.dma_semaphore, #tpu.memory_space<semaphore_mem>>
        %dma_start3A_518 = tpu.memref_squeeze %dma_start3A_517 : memref<1x!tpu.dma_semaphore, #tpu.memory_space<semaphore_mem>> -> memref<!tpu.dma_semaphore, #tpu.memory_space<semaphore_mem>>
        %dma_start3A_519 = arith.constant 0 : i32
        %dma_start3A_520 = tpu.memref_slice %arg7[%select_n3A_406, %dma_start3A_519] : memref<4x128xi32, #tpu.memory_space<vmem>> -> memref<1x128xi32, #tpu.memory_space<vmem>>
        %dma_start3A_521 = tpu.memref_squeeze %dma_start3A_520 : memref<1x128xi32, #tpu.memory_space<vmem>> -> memref<128xi32, #tpu.memory_space<vmem>>
        %dma_start3A_522 = arith.constant 0 : i32
        %dma_start3A_523 = tpu.memref_slice %arg4[%add3A, %add3A_496, %dma_start3A_522] : memref<32x80x128xi32, #tpu.memory_space<hbm>> -> memref<1x1x128xi32, #tpu.memory_space<hbm>>
        %dma_start3A_524 = tpu.memref_squeeze %dma_start3A_523 : memref<1x1x128xi32, #tpu.memory_space<hbm>> -> memref<128xi32, #tpu.memory_space<hbm>>
        tpu.enqueue_dma source(%dma_start3A_524 : memref<128xi32, #tpu.memory_space<hbm>>) target(%dma_start3A_521 : memref<128xi32, #tpu.memory_space<vmem>>) target_semaphore(%dma_start3A_518 : memref<!tpu.dma_semaphore, #tpu.memory_space<semaphore_mem>>)
      } else {
      }
      %dma_wait3A_428 = arith.constant 0 : i32
      %dma_wait3A_429 = arith.constant 0 : i32
      %dma_wait3A_430 = tpu.memref_slice %arg6[%select_n3A_388, %dma_wait3A_429] : memref<4x128xi32, #tpu.memory_space<vmem>> -> memref<1x128xi32, #tpu.memory_space<vmem>>
      %dma_wait3A_431 = tpu.memref_squeeze %dma_wait3A_430 : memref<1x128xi32, #tpu.memory_space<vmem>> -> memref<128xi32, #tpu.memory_space<vmem>>
      %dma_wait3A_432 = arith.constant 0 : i32
      %dma_wait3A_433 = tpu.memref_slice %arg3[%add3A, %dma_wait3A_428, %dma_wait3A_432] : memref<32x80x128xi32, #tpu.memory_space<hbm>> -> memref<1x1x128xi32, #tpu.memory_space<hbm>>
      %dma_wait3A_434 = tpu.memref_squeeze %dma_wait3A_433 : memref<1x1x128xi32, #tpu.memory_space<hbm>> -> memref<128xi32, #tpu.memory_space<hbm>>
      %dma_wait3A_435 = tpu.memref_slice %arg13[%select_n3A_388] : memref<4x!tpu.dma_semaphore, #tpu.memory_space<semaphore_mem>> -> memref<1x!tpu.dma_semaphore, #tpu.memory_space<semaphore_mem>>
      %dma_wait3A_436 = tpu.memref_squeeze %dma_wait3A_435 : memref<1x!tpu.dma_semaphore, #tpu.memory_space<semaphore_mem>> -> memref<!tpu.dma_semaphore, #tpu.memory_space<semaphore_mem>>
      %dma_wait3A_437 = arith.constant 0 : i32
      %dma_wait3A_438 = tpu.memref_slice %arg6[%select_n3A_388, %dma_wait3A_437] : memref<4x128xi32, #tpu.memory_space<vmem>> -> memref<1x128xi32, #tpu.memory_space<vmem>>
      %dma_wait3A_439 = tpu.memref_squeeze %dma_wait3A_438 : memref<1x128xi32, #tpu.memory_space<vmem>> -> memref<128xi32, #tpu.memory_space<vmem>>
      %dma_wait3A_440 = arith.constant 0 : i32
      %dma_wait3A_441 = tpu.memref_slice %arg3[%add3A, %dma_wait3A_428, %dma_wait3A_440] : memref<32x80x128xi32, #tpu.memory_space<hbm>> -> memref<1x1x128xi32, #tpu.memory_space<hbm>>
      %dma_wait3A_442 = tpu.memref_squeeze %dma_wait3A_441 : memref<1x1x128xi32, #tpu.memory_space<hbm>> -> memref<128xi32, #tpu.memory_space<hbm>>
      tpu.wait_dma2 semaphore(%dma_wait3A_436 : memref<!tpu.dma_semaphore, #tpu.memory_space<semaphore_mem>>) src(%dma_wait3A_442 : memref<128xi32, #tpu.memory_space<hbm>>) dst(%dma_wait3A_439 : memref<128xi32, #tpu.memory_space<vmem>>)
      %dma_wait3A_443 = arith.constant 0 : i32
      %dma_wait3A_444 = arith.constant 0 : i32
      %dma_wait3A_445 = tpu.memref_slice %arg6[%select_n3A_388, %dma_wait3A_444] : memref<4x128xi32, #tpu.memory_space<vmem>> -> memref<1x128xi32, #tpu.memory_space<vmem>>
      %dma_wait3A_446 = tpu.memref_squeeze %dma_wait3A_445 : memref<1x128xi32, #tpu.memory_space<vmem>> -> memref<128xi32, #tpu.memory_space<vmem>>
      %dma_wait3A_447 = arith.constant 0 : i32
      %dma_wait3A_448 = tpu.memref_slice %arg3[%add3A, %dma_wait3A_443, %dma_wait3A_447] : memref<32x80x128xi32, #tpu.memory_space<hbm>> -> memref<1x1x128xi32, #tpu.memory_space<hbm>>
      %dma_wait3A_449 = tpu.memref_squeeze %dma_wait3A_448 : memref<1x1x128xi32, #tpu.memory_space<hbm>> -> memref<128xi32, #tpu.memory_space<hbm>>
      %dma_wait3A_450 = tpu.memref_slice %arg13[%select_n3A_388] : memref<4x!tpu.dma_semaphore, #tpu.memory_space<semaphore_mem>> -> memref<1x!tpu.dma_semaphore, #tpu.memory_space<semaphore_mem>>
      %dma_wait3A_451 = tpu.memref_squeeze %dma_wait3A_450 : memref<1x!tpu.dma_semaphore, #tpu.memory_space<semaphore_mem>> -> memref<!tpu.dma_semaphore, #tpu.memory_space<semaphore_mem>>
      %dma_wait3A_452 = arith.constant 0 : i32
      %dma_wait3A_453 = tpu.memref_slice %arg6[%select_n3A_388, %dma_wait3A_452] : memref<4x128xi32, #tpu.memory_space<vmem>> -> memref<1x128xi32, #tpu.memory_space<vmem>>
      %dma_wait3A_454 = tpu.memref_squeeze %dma_wait3A_453 : memref<1x128xi32, #tpu.memory_space<vmem>> -> memref<128xi32, #tpu.memory_space<vmem>>
      %dma_wait3A_455 = arith.constant 0 : i32
      %dma_wait3A_456 = tpu.memref_slice %arg3[%add3A, %dma_wait3A_443, %dma_wait3A_455] : memref<32x80x128xi32, #tpu.memory_space<hbm>> -> memref<1x1x128xi32, #tpu.memory_space<hbm>>
      %dma_wait3A_457 = tpu.memref_squeeze %dma_wait3A_456 : memref<1x1x128xi32, #tpu.memory_space<hbm>> -> memref<128xi32, #tpu.memory_space<hbm>>
      tpu.wait_dma2 semaphore(%dma_wait3A_451 : memref<!tpu.dma_semaphore, #tpu.memory_space<semaphore_mem>>) src(%dma_wait3A_457 : memref<128xi32, #tpu.memory_space<hbm>>) dst(%dma_wait3A_454 : memref<128xi32, #tpu.memory_space<vmem>>)
      %dma_start3A_458 = arith.constant 0 : i32
      %dma_start3A_459 = arith.constant 0 : i32
      %dma_start3A_460 = tpu.memref_slice %arg8[%select_n3A_372, %dma_start3A_458, %dma_start3A_459] : memref<2x128x128xf32, #tpu.memory_space<vmem>> -> memref<1x128x128xf32, #tpu.memory_space<vmem>>
      %dma_start3A_461 = tpu.memref_squeeze %dma_start3A_460 : memref<1x128x128xf32, #tpu.memory_space<vmem>> -> memref<128x128xf32, #tpu.memory_space<vmem>>
      %dma_start3A_462 = arith.constant 0 : i32
      %dma_start3A_463 = tpu.memref_slice %arg6[%select_n3A_388, %dma_start3A_462] : memref<4x128xi32, #tpu.memory_space<vmem>> -> memref<1x128xi32, #tpu.memory_space<vmem>>
      %dma_start3A_464 = tpu.memref_squeeze %dma_start3A_463 : memref<1x128xi32, #tpu.memory_space<vmem>> -> memref<128xi32, #tpu.memory_space<vmem>>
      %dma_start3A_465 = arith.constant 0 : i32
      %dma_start3A_466 = arith.constant 0 : i32
      %dma_start3A_467 = tpu.memref_slice %arg2[%dma_start3A_465, %dma_start3A_466] : memref<10000x128xf32, #tpu.memory_space<hbm>> -> memref<10000x128xf32, #tpu.memory_space<hbm>>
      %dma_start3A_468 = tpu.memref_slice %arg14[%select_n3A_372] : memref<2x!tpu.dma_semaphore, #tpu.memory_space<semaphore_mem>> -> memref<1x!tpu.dma_semaphore, #tpu.memory_space<semaphore_mem>>
      %dma_start3A_469 = tpu.memref_squeeze %dma_start3A_468 : memref<1x!tpu.dma_semaphore, #tpu.memory_space<semaphore_mem>> -> memref<!tpu.dma_semaphore, #tpu.memory_space<semaphore_mem>>
      tpu.enqueue_indirect_dma source(%dma_start3A_467 : memref<10000x128xf32, #tpu.memory_space<hbm>>) target(%dma_start3A_461 : memref<128x128xf32, #tpu.memory_space<vmem>>) offsets(%dma_start3A_464 : memref<128xi32, #tpu.memory_space<vmem>>) semaphore(%dma_start3A_469 : memref<!tpu.dma_semaphore, #tpu.memory_space<semaphore_mem>>)
      %dma_wait3A_470 = arith.constant 0 : i32
      %dma_wait3A_471 = arith.constant 0 : i32
      %dma_wait3A_472 = tpu.memref_slice %arg8[%select_n3A_372, %dma_wait3A_470, %dma_wait3A_471] : memref<2x128x128xf32, #tpu.memory_space<vmem>> -> memref<1x128x128xf32, #tpu.memory_space<vmem>>
      %dma_wait3A_473 = tpu.memref_squeeze %dma_wait3A_472 : memref<1x128x128xf32, #tpu.memory_space<vmem>> -> memref<128x128xf32, #tpu.memory_space<vmem>>
      %dma_wait3A_474 = arith.constant 0 : i32
      %dma_wait3A_475 = tpu.memref_slice %arg6[%select_n3A_388, %dma_wait3A_474] : memref<4x128xi32, #tpu.memory_space<vmem>> -> memref<1x128xi32, #tpu.memory_space<vmem>>
      %dma_wait3A_476 = tpu.memref_squeeze %dma_wait3A_475 : memref<1x128xi32, #tpu.memory_space<vmem>> -> memref<128xi32, #tpu.memory_space<vmem>>
      %dma_wait3A_477 = arith.constant 0 : i32
      %dma_wait3A_478 = arith.constant 0 : i32
      %dma_wait3A_479 = tpu.memref_slice %arg2[%dma_wait3A_477, %dma_wait3A_478] : memref<10000x128xf32, #tpu.memory_space<hbm>> -> memref<10000x128xf32, #tpu.memory_space<hbm>>
      %dma_wait3A_480 = tpu.memref_slice %arg14[%select_n3A_372] : memref<2x!tpu.dma_semaphore, #tpu.memory_space<semaphore_mem>> -> memref<1x!tpu.dma_semaphore, #tpu.memory_space<semaphore_mem>>
      %dma_wait3A_481 = tpu.memref_squeeze %dma_wait3A_480 : memref<1x!tpu.dma_semaphore, #tpu.memory_space<semaphore_mem>> -> memref<!tpu.dma_semaphore, #tpu.memory_space<semaphore_mem>>
      tpu.wait_indirect_dma semaphore(%dma_wait3A_481 : memref<!tpu.dma_semaphore, #tpu.memory_space<semaphore_mem>>) src(%dma_wait3A_479 : memref<10000x128xf32, #tpu.memory_space<hbm>>) dst(%dma_wait3A_473 : memref<128x128xf32, #tpu.memory_space<vmem>>)
      %dma_start3A_482 = arith.constant 0 : i32
      %dma_start3A_483 = arith.constant 0 : i32
      %dma_start3A_484 = tpu.memref_slice %arg8[%select_n3A_372, %dma_start3A_482, %dma_start3A_483] : memref<2x128x128xf32, #tpu.memory_space<vmem>> -> memref<1x128x128xf32, #tpu.memory_space<vmem>>
      %dma_start3A_485 = tpu.memref_squeeze %dma_start3A_484 : memref<1x128x128xf32, #tpu.memory_space<vmem>> -> memref<128x128xf32, #tpu.memory_space<vmem>>
      %dma_start3A_486 = arith.constant 0 : i32
      %dma_start3A_487 = tpu.memref_slice %arg7[%select_n3A_388, %dma_start3A_486] : memref<4x128xi32, #tpu.memory_space<vmem>> -> memref<1x128xi32, #tpu.memory_space<vmem>>
      %dma_start3A_488 = tpu.memref_squeeze %dma_start3A_487 : memref<1x128xi32, #tpu.memory_space<vmem>> -> memref<128xi32, #tpu.memory_space<vmem>>
      %dma_start3A_489 = arith.constant 0 : i32
      %dma_start3A_490 = arith.constant 0 : i32
      %dma_start3A_491 = tpu.memref_slice %arg11[%dma_start3A_489, %dma_start3A_490] : memref<10112x128xf32, #tpu.memory_space<vmem_shared>> -> memref<10112x128xf32, #tpu.memory_space<vmem_shared>>
      %dma_start3A_492 = tpu.memref_slice %arg15[%select_n3A_372] : memref<2x!tpu.dma_semaphore, #tpu.memory_space<semaphore_mem>> -> memref<1x!tpu.dma_semaphore, #tpu.memory_space<semaphore_mem>>
      %dma_start3A_493 = tpu.memref_squeeze %dma_start3A_492 : memref<1x!tpu.dma_semaphore, #tpu.memory_space<semaphore_mem>> -> memref<!tpu.dma_semaphore, #tpu.memory_space<semaphore_mem>>
      tpu.enqueue_indirect_dma source(%dma_start3A_485 : memref<128x128xf32, #tpu.memory_space<vmem>>) target(%dma_start3A_491 : memref<10112x128xf32, #tpu.memory_space<vmem_shared>>) offsets(%dma_start3A_488 : memref<128xi32, #tpu.memory_space<vmem>>) semaphore(%dma_start3A_493 : memref<!tpu.dma_semaphore, #tpu.memory_space<semaphore_mem>>) {add = true}
      %scan3A_494 = arith.constant 0 : i32
      scf.yield %scan3A_494 : i32
    }
    %scan3A_324 = arith.constant 78 : i32
    %dma_wait3A_325 = arith.constant 0 : i32
    %dma_wait3A_326 = arith.constant 0 : i32
    %dma_wait3A_327 = arith.constant 0 : i32
    %dma_wait3A_328 = arith.constant 0 : i32
    %dma_wait3A_329 = tpu.memref_slice %arg8[%dma_wait3A_325, %dma_wait3A_327, %dma_wait3A_328] : memref<2x128x128xf32, #tpu.memory_space<vmem>> -> memref<1x128x128xf32, #tpu.memory_space<vmem>>
    %dma_wait3A_330 = tpu.memref_squeeze %dma_wait3A_329 : memref<1x128x128xf32, #tpu.memory_space<vmem>> -> memref<128x128xf32, #tpu.memory_space<vmem>>
    %dma_wait3A_331 = arith.constant 0 : i32
    %dma_wait3A_332 = arith.constant 0 : i32
    %dma_wait3A_333 = tpu.memref_slice %arg2[%dma_wait3A_331, %dma_wait3A_332] : memref<10000x128xf32, #tpu.memory_space<hbm>> -> memref<128x128xf32, #tpu.memory_space<hbm>>
    %dma_wait3A_334 = tpu.memref_slice %arg15[%dma_wait3A_326] : memref<2x!tpu.dma_semaphore, #tpu.memory_space<semaphore_mem>> -> memref<1x!tpu.dma_semaphore, #tpu.memory_space<semaphore_mem>>
    %dma_wait3A_335 = tpu.memref_squeeze %dma_wait3A_334 : memref<1x!tpu.dma_semaphore, #tpu.memory_space<semaphore_mem>> -> memref<!tpu.dma_semaphore, #tpu.memory_space<semaphore_mem>>
    %dma_wait3A_336 = arith.constant 0 : i32
    %dma_wait3A_337 = arith.constant 0 : i32
    %dma_wait3A_338 = tpu.memref_slice %arg8[%dma_wait3A_325, %dma_wait3A_336, %dma_wait3A_337] : memref<2x128x128xf32, #tpu.memory_space<vmem>> -> memref<1x128x128xf32, #tpu.memory_space<vmem>>
    %dma_wait3A_339 = tpu.memref_squeeze %dma_wait3A_338 : memref<1x128x128xf32, #tpu.memory_space<vmem>> -> memref<128x128xf32, #tpu.memory_space<vmem>>
    %dma_wait3A_340 = arith.constant 0 : i32
    %dma_wait3A_341 = arith.constant 0 : i32
    %dma_wait3A_342 = tpu.memref_slice %arg2[%dma_wait3A_340, %dma_wait3A_341] : memref<10000x128xf32, #tpu.memory_space<hbm>> -> memref<128x128xf32, #tpu.memory_space<hbm>>
    tpu.wait_dma2 semaphore(%dma_wait3A_335 : memref<!tpu.dma_semaphore, #tpu.memory_space<semaphore_mem>>) src(%dma_wait3A_342 : memref<128x128xf32, #tpu.memory_space<hbm>>) dst(%dma_wait3A_339 : memref<128x128xf32, #tpu.memory_space<vmem>>)
    %dma_wait3A_343 = arith.constant 1 : i32
    %dma_wait3A_344 = arith.constant 1 : i32
    %dma_wait3A_345 = arith.constant 0 : i32
    %dma_wait3A_346 = arith.constant 0 : i32
    %dma_wait3A_347 = tpu.memref_slice %arg8[%dma_wait3A_343, %dma_wait3A_345, %dma_wait3A_346] : memref<2x128x128xf32, #tpu.memory_space<vmem>> -> memref<1x128x128xf32, #tpu.memory_space<vmem>>
    %dma_wait3A_348 = tpu.memref_squeeze %dma_wait3A_347 : memref<1x128x128xf32, #tpu.memory_space<vmem>> -> memref<128x128xf32, #tpu.memory_space<vmem>>
    %dma_wait3A_349 = arith.constant 0 : i32
    %dma_wait3A_350 = arith.constant 0 : i32
    %dma_wait3A_351 = tpu.memref_slice %arg2[%dma_wait3A_349, %dma_wait3A_350] : memref<10000x128xf32, #tpu.memory_space<hbm>> -> memref<128x128xf32, #tpu.memory_space<hbm>>
    %dma_wait3A_352 = tpu.memref_slice %arg15[%dma_wait3A_344] : memref<2x!tpu.dma_semaphore, #tpu.memory_space<semaphore_mem>> -> memref<1x!tpu.dma_semaphore, #tpu.memory_space<semaphore_mem>>
    %dma_wait3A_353 = tpu.memref_squeeze %dma_wait3A_352 : memref<1x!tpu.dma_semaphore, #tpu.memory_space<semaphore_mem>> -> memref<!tpu.dma_semaphore, #tpu.memory_space<semaphore_mem>>
    %dma_wait3A_354 = arith.constant 0 : i32
    %dma_wait3A_355 = arith.constant 0 : i32
    %dma_wait3A_356 = tpu.memref_slice %arg8[%dma_wait3A_343, %dma_wait3A_354, %dma_wait3A_355] : memref<2x128x128xf32, #tpu.memory_space<vmem>> -> memref<1x128x128xf32, #tpu.memory_space<vmem>>
    %dma_wait3A_357 = tpu.memref_squeeze %dma_wait3A_356 : memref<1x128x128xf32, #tpu.memory_space<vmem>> -> memref<128x128xf32, #tpu.memory_space<vmem>>
    %dma_wait3A_358 = arith.constant 0 : i32
    %dma_wait3A_359 = arith.constant 0 : i32
    %dma_wait3A_360 = tpu.memref_slice %arg2[%dma_wait3A_358, %dma_wait3A_359] : memref<10000x128xf32, #tpu.memory_space<hbm>> -> memref<128x128xf32, #tpu.memory_space<hbm>>
    tpu.wait_dma2 semaphore(%dma_wait3A_353 : memref<!tpu.dma_semaphore, #tpu.memory_space<semaphore_mem>>) src(%dma_wait3A_360 : memref<128x128xf32, #tpu.memory_space<hbm>>) dst(%dma_wait3A_357 : memref<128x128xf32, #tpu.memory_space<vmem>>)
    %barrier3A_361 = arith.constant 0 : index
    tpu.barrier barrier_id(%barrier3A_361)
    "tpu.region"() ({
      %run_scoped3A_362 = tpu.sem_alloc : memref<!tpu.dma_semaphore, #tpu.memory_space<semaphore_mem>>
      %dma_start3A_363 = arith.constant 0 : i32
      %dma_start3A_364 = tpu.memref_slice %arg5[%arg0, %mul3A_11, %dma_start3A_363] : memref<2x10112x128xf32, #tpu.memory_space<hbm>> -> memref<1x632x128xf32, #tpu.memory_space<hbm>>
      %dma_start3A_365 = tpu.memref_squeeze %dma_start3A_364 : memref<1x632x128xf32, #tpu.memory_space<hbm>> -> memref<632x128xf32, #tpu.memory_space<hbm>>
      %dma_start3A_366 = arith.constant 0 : i32
      %dma_start3A_367 = tpu.memref_slice %arg11[%mul3A_11, %dma_start3A_366] : memref<10112x128xf32, #tpu.memory_space<vmem_shared>> -> memref<632x128xf32, #tpu.memory_space<vmem_shared>>
      tpu.enqueue_dma source(%dma_start3A_367 : memref<632x128xf32, #tpu.memory_space<vmem_shared>>) target(%dma_start3A_365 : memref<632x128xf32, #tpu.memory_space<hbm>>) target_semaphore(%run_scoped3A_362 : memref<!tpu.dma_semaphore, #tpu.memory_space<semaphore_mem>>)
      %dma_wait3A_368 = arith.constant 0 : i32
      %dma_wait3A_369 = tpu.memref_slice %arg5[%arg0, %mul3A_11, %dma_wait3A_368] : memref<2x10112x128xf32, #tpu.memory_space<hbm>> -> memref<1x632x128xf32, #tpu.memory_space<hbm>>
      %dma_wait3A_370 = tpu.memref_squeeze %dma_wait3A_369 : memref<1x632x128xf32, #tpu.memory_space<hbm>> -> memref<632x128xf32, #tpu.memory_space<hbm>>
      %dma_wait3A_371 = arith.constant 0 : i32
      %dma_wait3A_372 = tpu.memref_slice %arg11[%mul3A_11, %dma_wait3A_371] : memref<10112x128xf32, #tpu.memory_space<vmem_shared>> -> memref<632x128xf32, #tpu.memory_space<vmem_shared>>
      tpu.wait_dma2 semaphore(%run_scoped3A_362 : memref<!tpu.dma_semaphore, #tpu.memory_space<semaphore_mem>>) src(%dma_wait3A_372 : memref<632x128xf32, #tpu.memory_space<vmem_shared>>) dst(%dma_wait3A_370 : memref<632x128xf32, #tpu.memory_space<hbm>>)
      tpu.yield
    }) : () -> ()
    return
  }
}

module attributes {stable_mosaic.version = 14 : i64} {
  func.func @_tc_layer1_body(%arg0: i32, %arg1: memref<2x1000x128xf32, #tpu.memory_space<vmem>>, %arg2: memref<2x1000x16xf32, #tpu.memory_space<vmem>>, %arg3: memref<1000x128xf32, #tpu.memory_space<vmem>>, %arg4: memref<128x128xf32, #tpu.memory_space<vmem>>, %arg5: memref<1x128xf32, #tpu.memory_space<vmem>>, %arg6: memref<128x128xf32, #tpu.memory_space<vmem>>, %arg7: memref<1000x128xf32, #tpu.memory_space<vmem>>) attributes {dimension_semantics = [#tpu.dimension_semantics<arbitrary>], iteration_bounds = array<i64: 10>, scalar_prefetch = 0 : i64, scratch_operands = 0 : i64, tpu.core_type = #tpu.core_type<tc>, window_params = [{transform_indices = @transform_0, window_bounds = array<i64: 2, 1000, 128>}, {transform_indices = @transform_1, window_bounds = array<i64: 2, 1000, 16>}, {transform_indices = @transform_2, window_bounds = array<i64: 1000, 128>}, {pipeline_mode = #tpu.pipeline_mode<synchronous>, transform_indices = @transform_3, window_bounds = array<i64: 128, 128>}, {pipeline_mode = #tpu.pipeline_mode<synchronous>, transform_indices = @transform_4, window_bounds = array<i64: 1, 128>}, {pipeline_mode = #tpu.pipeline_mode<synchronous>, transform_indices = @transform_5, window_bounds = array<i64: 128, 128>}, {transform_indices = @transform_6, window_bounds = array<i64: 1000, 128>}]} {
    %get3A = arith.constant 0 : index
    %get3A_0 = arith.constant 0 : index
    %get3A_1 = arith.constant 0 : index
    %get3A_2 = vector.load %arg1[%get3A, %get3A_0, %get3A_1] : memref<2x1000x128xf32, #tpu.memory_space<vmem>>, vector<1x1000x128xf32>
    %get3A_3 = vector.shape_cast %get3A_2 : vector<1x1000x128xf32> to vector<1000x128xf32>
    %get3A_4 = arith.constant 1 : index
    %get3A_5 = arith.constant 0 : index
    %get3A_6 = arith.constant 0 : index
    %get3A_7 = vector.load %arg1[%get3A_4, %get3A_5, %get3A_6] : memref<2x1000x128xf32, #tpu.memory_space<vmem>>, vector<1x1000x128xf32>
    %get3A_8 = vector.shape_cast %get3A_7 : vector<1x1000x128xf32> to vector<1000x128xf32>
    %add3A = arith.addf %get3A_3, %get3A_8 : vector<1000x128xf32>
    %get3A_9 = arith.constant 0 : index
    %get3A_10 = arith.constant 0 : index
    %get3A_11 = arith.constant 0 : index
    %get3A_12 = vector.load %arg2[%get3A_9, %get3A_10, %get3A_11] : memref<2x1000x16xf32, #tpu.memory_space<vmem>>, vector<1x1000x1xf32>
    %get3A_13 = vector.shape_cast %get3A_12 : vector<1x1000x1xf32> to vector<1000x1xf32>
    %get3A_14 = arith.constant 1 : index
    %get3A_15 = arith.constant 0 : index
    %get3A_16 = arith.constant 0 : index
    %get3A_17 = vector.load %arg2[%get3A_14, %get3A_15, %get3A_16] : memref<2x1000x16xf32, #tpu.memory_space<vmem>>, vector<1x1000x1xf32>
    %get3A_18 = vector.shape_cast %get3A_17 : vector<1x1000x1xf32> to vector<1000x1xf32>
    %add3A_19 = arith.addf %get3A_13, %get3A_18 : vector<1000x1xf32>
    %max3A = arith.constant 1.000000e+00 : f32
    %max3A_20 = vector.broadcast %max3A : f32 to vector<1000x1xf32>
    %max3A_21 = arith.maximumf %add3A_19, %max3A_20 : vector<1000x1xf32>
    %div3A = vector.broadcast %max3A_21 : vector<1000x1xf32> to vector<1000x128xf32>
    %div3A_22 = arith.divf %add3A, %div3A : vector<1000x128xf32>
    %get3A_23 = arith.constant 0 : index
    %get3A_24 = arith.constant 0 : index
    %get3A_25 = vector.load %arg4[%get3A_23, %get3A_24] : memref<128x128xf32, #tpu.memory_space<vmem>>, vector<128x128xf32>
    %dot_general3A = arith.constant dense<0.000000e+00> : vector<1000x128xf32>
    %dot_general3A_26 = tpu.matmul %div3A_22, %get3A_25, %dot_general3A {dimension_numbers = #tpu.dot_dimension_numbers<[1], [1], [0], [0], [0, 0, 1, 0], [], []>, precision = #tpu.contract_precision<fp32>, transpose_lhs_hint = false} : vector<1000x128xf32>, vector<128x128xf32>, vector<1000x128xf32> -> vector<1000x128xf32>
    %get3A_27 = arith.constant 0 : index
    %get3A_28 = arith.constant 0 : index
    %get3A_29 = vector.load %arg3[%get3A_27, %get3A_28] : memref<1000x128xf32, #tpu.memory_space<vmem>>, vector<1000x128xf32>
    %get3A_30 = arith.constant 0 : index
    %get3A_31 = arith.constant 0 : index
    %get3A_32 = vector.load %arg6[%get3A_30, %get3A_31] : memref<128x128xf32, #tpu.memory_space<vmem>>, vector<128x128xf32>
    %dot_general3A_33 = arith.constant dense<0.000000e+00> : vector<1000x128xf32>
    %dot_general3A_34 = tpu.matmul %get3A_29, %get3A_32, %dot_general3A_33 {dimension_numbers = #tpu.dot_dimension_numbers<[1], [1], [0], [0], [0, 0, 1, 0], [], []>, precision = #tpu.contract_precision<fp32>, transpose_lhs_hint = false} : vector<1000x128xf32>, vector<128x128xf32>, vector<1000x128xf32> -> vector<1000x128xf32>
    %add3A_35 = arith.addf %dot_general3A_26, %dot_general3A_34 : vector<1000x128xf32>
    %get3A_36 = arith.constant 0 : index
    %get3A_37 = arith.constant 0 : index
    %get3A_38 = vector.load %arg5[%get3A_36, %get3A_37] : memref<1x128xf32, #tpu.memory_space<vmem>>, vector<1x128xf32>
    %add3A_39 = vector.broadcast %get3A_38 : vector<1x128xf32> to vector<1000x128xf32>
    %add3A_40 = arith.addf %add3A_35, %add3A_39 : vector<1000x128xf32>
    %max3A_41 = arith.constant 0.000000e+00 : f32
    %max3A_42 = vector.broadcast %max3A_41 : f32 to vector<1000x128xf32>
    %max3A_43 = arith.maximumf %add3A_40, %max3A_42 : vector<1000x128xf32>
    %swap3A = arith.constant 0 : index
    %swap3A_44 = arith.constant 0 : index
    %swap3A_45 = vector.load %arg7[%swap3A, %swap3A_44] : memref<1000x128xf32, #tpu.memory_space<vmem>>, vector<1000x128xf32>
    tpu.vector_store %arg7[%swap3A, %swap3A_44], %max3A_43 {strides = array<i32>} : memref<1000x128xf32, #tpu.memory_space<vmem>>, vector<1000x128xf32>,
    return
  }
  func.func @transform_0(%arg0: i32) -> (i32, i32, i32) {
    %c0_i32 = arith.constant 0 : i32
    %c0_i32_0 = arith.constant 0 : i32
    %c0_i32_1 = arith.constant 0 : i32
    return %c0_i32, %arg0, %c0_i32_0 : i32, i32, i32
  }
  func.func @transform_1(%arg0: i32) -> (i32, i32, i32) {
    %c0_i32 = arith.constant 0 : i32
    %c0_i32_0 = arith.constant 0 : i32
    %c0_i32_1 = arith.constant 0 : i32
    return %c0_i32, %arg0, %c0_i32_0 : i32, i32, i32
  }
  func.func @transform_2(%arg0: i32) -> (i32, i32) {
    %c0_i32 = arith.constant 0 : i32
    %c0_i32_0 = arith.constant 0 : i32
    return %arg0, %c0_i32 : i32, i32
  }
  func.func @transform_3(%arg0: i32) -> (i32, i32) {
    %c0_i32 = arith.constant 0 : i32
    %c0_i32_0 = arith.constant 0 : i32
    %c0_i32_1 = arith.constant 0 : i32
    return %c0_i32, %c0_i32_0 : i32, i32
  }
  func.func @transform_4(%arg0: i32) -> (i32, i32) {
    %c0_i32 = arith.constant 0 : i32
    %c0_i32_0 = arith.constant 0 : i32
    %c0_i32_1 = arith.constant 0 : i32
    return %c0_i32, %c0_i32_0 : i32, i32
  }
  func.func @transform_5(%arg0: i32) -> (i32, i32) {
    %c0_i32 = arith.constant 0 : i32
    %c0_i32_0 = arith.constant 0 : i32
    %c0_i32_1 = arith.constant 0 : i32
    return %c0_i32, %c0_i32_0 : i32, i32
  }
  func.func @transform_6(%arg0: i32) -> (i32, i32) {
    %c0_i32 = arith.constant 0 : i32
    %c0_i32_0 = arith.constant 0 : i32
    return %arg0, %c0_i32 : i32, i32
  }
}

module attributes {stable_mosaic.version = 14 : i64} {
  func.func @_tc_layer2_body(%arg0: i32, %arg1: memref<2x1000x128xf32, #tpu.memory_space<vmem>>, %arg2: memref<2x1000x16xf32, #tpu.memory_space<vmem>>, %arg3: memref<1000x128xf32, #tpu.memory_space<vmem>>, %arg4: memref<128x128xf32, #tpu.memory_space<vmem>>, %arg5: memref<1x128xf32, #tpu.memory_space<vmem>>, %arg6: memref<128x128xf32, #tpu.memory_space<vmem>>, %arg7: memref<1000x128xf32, #tpu.memory_space<vmem>>) attributes {dimension_semantics = [#tpu.dimension_semantics<arbitrary>], iteration_bounds = array<i64: 10>, scalar_prefetch = 0 : i64, scratch_operands = 0 : i64, tpu.core_type = #tpu.core_type<tc>, window_params = [{transform_indices = @transform_0, window_bounds = array<i64: 2, 1000, 128>}, {transform_indices = @transform_1, window_bounds = array<i64: 2, 1000, 16>}, {transform_indices = @transform_2, window_bounds = array<i64: 1000, 128>}, {pipeline_mode = #tpu.pipeline_mode<synchronous>, transform_indices = @transform_3, window_bounds = array<i64: 128, 128>}, {pipeline_mode = #tpu.pipeline_mode<synchronous>, transform_indices = @transform_4, window_bounds = array<i64: 1, 128>}, {pipeline_mode = #tpu.pipeline_mode<synchronous>, transform_indices = @transform_5, window_bounds = array<i64: 128, 128>}, {transform_indices = @transform_6, window_bounds = array<i64: 1000, 128>}]} {
    %get3A = arith.constant 0 : index
    %get3A_0 = arith.constant 0 : index
    %get3A_1 = arith.constant 0 : index
    %get3A_2 = vector.load %arg1[%get3A, %get3A_0, %get3A_1] : memref<2x1000x128xf32, #tpu.memory_space<vmem>>, vector<1x1000x128xf32>
    %get3A_3 = vector.shape_cast %get3A_2 : vector<1x1000x128xf32> to vector<1000x128xf32>
    %get3A_4 = arith.constant 1 : index
    %get3A_5 = arith.constant 0 : index
    %get3A_6 = arith.constant 0 : index
    %get3A_7 = vector.load %arg1[%get3A_4, %get3A_5, %get3A_6] : memref<2x1000x128xf32, #tpu.memory_space<vmem>>, vector<1x1000x128xf32>
    %get3A_8 = vector.shape_cast %get3A_7 : vector<1x1000x128xf32> to vector<1000x128xf32>
    %add3A = arith.addf %get3A_3, %get3A_8 : vector<1000x128xf32>
    %get3A_9 = arith.constant 0 : index
    %get3A_10 = arith.constant 0 : index
    %get3A_11 = arith.constant 0 : index
    %get3A_12 = vector.load %arg2[%get3A_9, %get3A_10, %get3A_11] : memref<2x1000x16xf32, #tpu.memory_space<vmem>>, vector<1x1000x1xf32>
    %get3A_13 = vector.shape_cast %get3A_12 : vector<1x1000x1xf32> to vector<1000x1xf32>
    %get3A_14 = arith.constant 1 : index
    %get3A_15 = arith.constant 0 : index
    %get3A_16 = arith.constant 0 : index
    %get3A_17 = vector.load %arg2[%get3A_14, %get3A_15, %get3A_16] : memref<2x1000x16xf32, #tpu.memory_space<vmem>>, vector<1x1000x1xf32>
    %get3A_18 = vector.shape_cast %get3A_17 : vector<1x1000x1xf32> to vector<1000x1xf32>
    %add3A_19 = arith.addf %get3A_13, %get3A_18 : vector<1000x1xf32>
    %max3A = arith.constant 1.000000e+00 : f32
    %max3A_20 = vector.broadcast %max3A : f32 to vector<1000x1xf32>
    %max3A_21 = arith.maximumf %add3A_19, %max3A_20 : vector<1000x1xf32>
    %div3A = vector.broadcast %max3A_21 : vector<1000x1xf32> to vector<1000x128xf32>
    %div3A_22 = arith.divf %add3A, %div3A : vector<1000x128xf32>
    %get3A_23 = arith.constant 0 : index
    %get3A_24 = arith.constant 0 : index
    %get3A_25 = vector.load %arg4[%get3A_23, %get3A_24] : memref<128x128xf32, #tpu.memory_space<vmem>>, vector<128x128xf32>
    %dot_general3A = arith.constant dense<0.000000e+00> : vector<1000x128xf32>
    %dot_general3A_26 = tpu.matmul %div3A_22, %get3A_25, %dot_general3A {dimension_numbers = #tpu.dot_dimension_numbers<[1], [1], [0], [0], [0, 0, 1, 0], [], []>, precision = #tpu.contract_precision<fp32>, transpose_lhs_hint = false} : vector<1000x128xf32>, vector<128x128xf32>, vector<1000x128xf32> -> vector<1000x128xf32>
    %get3A_27 = arith.constant 0 : index
    %get3A_28 = arith.constant 0 : index
    %get3A_29 = vector.load %arg3[%get3A_27, %get3A_28] : memref<1000x128xf32, #tpu.memory_space<vmem>>, vector<1000x128xf32>
    %get3A_30 = arith.constant 0 : index
    %get3A_31 = arith.constant 0 : index
    %get3A_32 = vector.load %arg6[%get3A_30, %get3A_31] : memref<128x128xf32, #tpu.memory_space<vmem>>, vector<128x128xf32>
    %dot_general3A_33 = arith.constant dense<0.000000e+00> : vector<1000x128xf32>
    %dot_general3A_34 = tpu.matmul %get3A_29, %get3A_32, %dot_general3A_33 {dimension_numbers = #tpu.dot_dimension_numbers<[1], [1], [0], [0], [0, 0, 1, 0], [], []>, precision = #tpu.contract_precision<fp32>, transpose_lhs_hint = false} : vector<1000x128xf32>, vector<128x128xf32>, vector<1000x128xf32> -> vector<1000x128xf32>
    %add3A_35 = arith.addf %dot_general3A_26, %dot_general3A_34 : vector<1000x128xf32>
    %get3A_36 = arith.constant 0 : index
    %get3A_37 = arith.constant 0 : index
    %get3A_38 = vector.load %arg5[%get3A_36, %get3A_37] : memref<1x128xf32, #tpu.memory_space<vmem>>, vector<1x128xf32>
    %add3A_39 = vector.broadcast %get3A_38 : vector<1x128xf32> to vector<1000x128xf32>
    %add3A_40 = arith.addf %add3A_35, %add3A_39 : vector<1000x128xf32>
    %mul3A = arith.mulf %add3A_40, %add3A_40 : vector<1000x128xf32>
    %reduce_sum3A = arith.constant dense<0.000000e+00> : vector<1000xf32>
    %reduce_sum3A_41 = vector.multi_reduction <add>, %mul3A, %reduce_sum3A [1] : vector<1000x128xf32> to vector<1000xf32>
    %broadcast_in_dim3A = vector.shape_cast %reduce_sum3A_41 : vector<1000xf32> to vector<1000x1xf32>
    %sqrt3A = math.sqrt %broadcast_in_dim3A : vector<1000x1xf32>
    %max3A_42 = arith.constant 9.99999996E-13 : f32
    %max3A_43 = vector.broadcast %max3A_42 : f32 to vector<1000x1xf32>
    %max3A_44 = arith.maximumf %sqrt3A, %max3A_43 : vector<1000x1xf32>
    %div3A_45 = vector.broadcast %max3A_44 : vector<1000x1xf32> to vector<1000x128xf32>
    %div3A_46 = arith.divf %add3A_40, %div3A_45 : vector<1000x128xf32>
    %swap3A = arith.constant 0 : index
    %swap3A_47 = arith.constant 0 : index
    %swap3A_48 = vector.load %arg7[%swap3A, %swap3A_47] : memref<1000x128xf32, #tpu.memory_space<vmem>>, vector<1000x128xf32>
    tpu.vector_store %arg7[%swap3A, %swap3A_47], %div3A_46 {strides = array<i32>} : memref<1000x128xf32, #tpu.memory_space<vmem>>, vector<1000x128xf32>,
    return
  }
  func.func @transform_0(%arg0: i32) -> (i32, i32, i32) {
    %c0_i32 = arith.constant 0 : i32
    %c0_i32_0 = arith.constant 0 : i32
    %c0_i32_1 = arith.constant 0 : i32
    return %c0_i32, %arg0, %c0_i32_0 : i32, i32, i32
  }
  func.func @transform_1(%arg0: i32) -> (i32, i32, i32) {
    %c0_i32 = arith.constant 0 : i32
    %c0_i32_0 = arith.constant 0 : i32
    %c0_i32_1 = arith.constant 0 : i32
    return %c0_i32, %arg0, %c0_i32_0 : i32, i32, i32
  }
  func.func @transform_2(%arg0: i32) -> (i32, i32) {
    %c0_i32 = arith.constant 0 : i32
    %c0_i32_0 = arith.constant 0 : i32
    return %arg0, %c0_i32 : i32, i32
  }
  func.func @transform_3(%arg0: i32) -> (i32, i32) {
    %c0_i32 = arith.constant 0 : i32
    %c0_i32_0 = arith.constant 0 : i32
    %c0_i32_1 = arith.constant 0 : i32
    return %c0_i32, %c0_i32_0 : i32, i32
  }
  func.func @transform_4(%arg0: i32) -> (i32, i32) {
    %c0_i32 = arith.constant 0 : i32
    %c0_i32_0 = arith.constant 0 : i32
    %c0_i32_1 = arith.constant 0 : i32
    return %c0_i32, %c0_i32_0 : i32, i32
  }
  func.func @transform_5(%arg0: i32) -> (i32, i32) {
    %c0_i32 = arith.constant 0 : i32
    %c0_i32_0 = arith.constant 0 : i32
    %c0_i32_1 = arith.constant 0 : i32
    return %c0_i32, %c0_i32_0 : i32, i32
  }
  func.func @transform_6(%arg0: i32) -> (i32, i32) {
    %c0_i32 = arith.constant 0 : i32
    %c0_i32_0 = arith.constant 0 : i32
    return %arg0, %c0_i32 : i32, i32
  }
}

</mosaic_0001>

<sc_bundles>
// kernel: kernel.6.cloned.1.call-start
scs
__scs_entry_jumppad:
0x0: {  	(pc) =	sbr.rel $0x88, $3  }
0x1: {  	(tag) =	ssettag $0x0;
	lr =	simm.s32 $0x1  }
0x2: {  	[smem:$0x3F99] =	sst lr;
	_ =	strace $0xD0000000  }
0x3: {  	_ = 	snop  }
0x4: {  	_ = 	snop  }
0x5: {  	_ = 	snop  }
0x6: {  	_ = 	snop  }
0x7: {  	_ = 	snop  }
__scs_overlays_trampoline_lowered:
0x8: {  	[smem:$0x3FA8] =	sst s0  }
0x9: {  	[smem:$0x3FA9] =	sst s1  }
0xa: {  	[smem:$0x3FAA] =	sst s2  }
0xb: {  	[smem:$0x3FAB] =	sst s3  }
0xc: {  	[smem:$0x3FAC] =	sst s4  }
0xd: {  	[smem:$0x3FAD] =	sst s5  }
0xe: {  	[smem:$0x3FAE] =	sst s6  }
0xf: {  	[smem:$0x3FAF] =	sst s7  }
0x10: {  	[smem:$0x3FB0] =	sst s8  }
0x11: {  	[smem:$0x3FB1] =	sst s9;
	s0 =	simm.s32 @!p0 $0x0  }
0x12: {  	s1 =	sld [smem:$0x3F97];
	s0 =	simm.s32 @p0 $0x1  }
0x13: {  	[smem:$0x3FB2] =	sst s0;
	s0 =	simm.s32 @!p1 $0x0  }
0x14: {  	s2 =	sld [smem:$0x3F96];
	s0 =	simm.s32 @p1 $0x1  }
0x15: {  	[smem:$0x3FB3] =	sst s0;
	s0 =	simm.s32 @!p2 $0x0  }
0x16: {  	s3 =	sld [smem:$0x3FDB];
	s0 =	simm.s32 @p2 $0x1  }
0x17: {  	s4 =	simm.s32 $0x1BF5;
	[smem:$0x3FB5] =	sst s0  }
0x18: {  	s0 =	sld [smem:$0x3F98];
	_ =	swait.ge [sflag:s4], $0x0  }
0x19: {  	s7 =	sld [smem:$0x3F99]  }
0x1a: {  	s8 =	sadd.s32 $0xFFFFE003, lr  }
0x1b: {  	s9 =	sadd.s32 $0xFFFFFEF7, lr;
	s5 =	simm.s32 $0xFFFFFFFF;
	p2 =	slt.u32 s8, $0xFFFFF086  }
0x1c: {  	p1 =	slt.u32 s9, $0xF7A;
	s5 =	simm.s32 @!p2 $0x0  }
0x1d: {  	s5 =	simm.s32 @p1 $0x1;
	p0 =	seq.s32 s7, s2  }
0x1e: {  	s7 =	smul.u32 @!p0 $0xF7A, s2;
	p2 =	seq.s32 @!p0 s5, $0x0  }
0x1f: {  	s9 =	smul.u32 $0xF7A, s1;
	s8 =	simm.s32 @!p0 $0x1BF5;
	p2 =	por !p2, p0  }
0x20: {  	[sflag:s8] =	ssyncset.s32 @!p0 $0xFFFFF086;
	s6 =	sadd.s32 @!p0 s3, s7;
	s7 =	simm.s32 @!p0 $0x108  }
0x21: {  	s3 =	sadd.s32 s3, s9;
	s6 =	sadd.s32 @!p0 $0x88, s6;
	s7 =	simm.s32 @p2 $0x1082  }
0x22: {  	[simem:s7], [sflag:s8] =	dma.local @!p0 [hbm:s6], $0xF7A  }
0x23: {  	s9 =	sor.u32 $0xD0000000, s2;
	s6 =	simm.s32 $0x108;
	_ =	swait.ge @!p0 [sflag:s8], $0x0  }
0x24: {  	s3 =	sadd.s32 $0x88, s3;
	s6 =	simm.s32 @!p1 $0x1082;
	[sflag:s4] =	ssyncset.s32 $0xFFFFF086  }
0x25: {  	[simem:s6], [sflag:s4] =	dma.local [hbm:s3], $0xF7A  }
0x26: {  	[smem:$0x3F99] =	sst s1;
	(tag) =	ssettag s2;
	_ =	strace s9  }
0x27: {  	s1 =	sld [smem:$0x3FA9]  }
0x28: {  	s2 =	sld [smem:$0x3FAA]  }
0x29: {  	s4 =	sld [smem:$0x3FAC]  }
0x2a: {  	p0 =	seq.s32 s5, $0x0;
	s5 =	sld [smem:$0x3FAD]  }
0x2b: {  	s6 =	sld [smem:$0x3FAE]  }
0x2c: {  	s7 =	sld [smem:$0x3FAF]  }
0x2d: {  	s3 =	simm.s32 $0x108;
	s8 =	sld [smem:$0x3FB0]  }
0x2e: {  	s3 =	simm.s32 @!p0 $0x1082;
	s9 =	sld [smem:$0x3FB1]  }
0x2f: {  	lr =	sadd.s32 s0, s3;
	s0 =	sld [smem:$0x3FA8]  }
0x30: {  	s3 =	sld [smem:$0x3FAB]  }
0x31: {  	[smem:$0x3FB4] =	sst s10  }
0x32: {  	s10 =	sld [smem:$0x3FB2];
	_ =	sdelay $0x3  }
0x33: {  	p0 =	seq.s32 s10, $0x1;
	s10 =	sld [smem:$0x3FB4];
	_ =	sdelay $0x3  }
0x34: {  	[smem:$0x3FB4] =	sst s10  }
0x35: {  	s10 =	sld [smem:$0x3FB3];
	_ =	sdelay $0x3  }
0x36: {  	p1 =	seq.s32 s10, $0x1;
	s10 =	sld [smem:$0x3FB4];
	_ =	sdelay $0x3  }
0x37: {  	[smem:$0x3FB4] =	sst s10  }
0x38: {  	s10 =	sld [smem:$0x3FB5]  }
0x39: {  	_ = 	snop;
	(pc) =	sbr.ind lr, $3  }
0x3a: {  	_ = 	snop  }
0x3b: {  	_ = 	snop  }
0x3c: {  	p2 =	seq.s32 s10, $0x1;
	s10 =	sld [smem:$0x3FB4]  }
0x3d: {  	_ =	shalt  }
0x3e: {  	_ =	shalt  }
0x3f: {  	_ =	shalt  }
0x40: {  	_ =	shalt  }
0x41: {  	_ =	shalt  }
0x42: {  	_ =	shalt  }
0x43: {  	_ =	shalt  }
0x44: {  	_ =	shalt  }
0x45: {  	_ =	shalt  }
0x46: {  	_ =	shalt  }
0x47: {  	_ =	shalt  }
0x48: {  	_ =	shalt  }
0x49: {  	_ =	shalt  }
0x4a: {  	_ =	shalt  }
0x4b: {  	_ =	shalt  }
0x4c: {  	_ =	shalt  }
0x4d: {  	_ =	shalt  }
0x4e: {  	_ =	shalt  }
0x4f: {  	_ =	shalt  }
0x50: {  	_ =	shalt  }
0x51: {  	_ =	shalt  }
0x52: {  	_ =	shalt  }
0x53: {  	_ =	shalt  }
0x54: {  	_ =	shalt  }
0x55: {  	_ =	shalt  }
0x56: {  	_ =	shalt  }
0x57: {  	_ =	shalt  }
0x58: {  	_ =	shalt  }
0x59: {  	_ =	shalt  }
0x5a: {  	_ =	shalt  }
0x5b: {  	_ =	shalt  }
0x5c: {  	_ =	shalt  }
0x5d: {  	_ =	shalt  }
0x5e: {  	_ =	shalt  }
0x5f: {  	_ =	shalt  }
0x60: {  	_ =	shalt  }
0x61: {  	_ =	shalt  }
0x62: {  	_ =	shalt  }
0x63: {  	_ =	shalt  }
0x64: {  	_ =	shalt  }
0x65: {  	_ =	shalt  }
0x66: {  	_ =	shalt  }
0x67: {  	_ =	shalt  }
0x68: {  	_ =	shalt  }
0x69: {  	_ =	shalt  }
0x6a: {  	_ =	shalt  }
0x6b: {  	_ =	shalt  }
0x6c: {  	_ =	shalt  }
0x6d: {  	_ =	shalt  }
0x6e: {  	_ =	shalt  }
0x6f: {  	_ =	shalt  }
0x70: {  	_ =	shalt  }
0x71: {  	_ =	shalt  }
0x72: {  	_ =	shalt  }
0x73: {  	_ =	shalt  }
0x74: {  	_ =	shalt  }
0x75: {  	_ =	shalt  }
0x76: {  	_ =	shalt  }
0x77: {  	_ =	shalt  }
0x78: {  	_ =	shalt  }
0x79: {  	_ =	shalt  }
0x7a: {  	_ =	shalt  }
0x7b: {  	_ =	shalt  }
0x7c: {  	_ =	shalt  }
0x7d: {  	_ =	shalt  }
0x7e: {  	_ =	shalt  }
0x7f: {  	_ =	shalt  }
0x80: {  	_ =	shalt  }
0x81: {  	_ =	shalt  }
0x82: {  	_ =	shalt  }
0x83: {  	_ =	shalt  }
0x84: {  	_ =	shalt  }
0x85: {  	_ =	shalt  }
0x86: {  	_ =	shalt  }
0x87: {  	_ =	shalt  }
.Lfunc_end0:
.L_simem_size_0:
called_computation_lowered:
.L_overlay_start_0:
0x88: {  	s2 =	sld [smem:$0x3FD9]  }
0x89: {  	s3 =	sld [smem:$0x3FFE];
	_ =	sdelay $0x1  }
0x8a: {  	s1 =	srdreg.scid  }
0x8b: {  	s0 =	sand.u32 $0x1, s1  }
0x8c: {  	s17 =	sshll.u32 s0, $0xA;
	s2 =	sadd.s32 s3, s2  }
0x8d: {  	s2 =	sadd.s32 s2, s17  }
0x8e: {  	[smem:$0x3FC0] =	sst s2  }
0x8f: {  	_ = 	snop  }
0x90: {  	s2 =	sld [smem:$0x3FC9]  }
0x91: {  	s18 =	sld [smem:$0x3FD0];
	(tm) =	ssettm $0x1  }
0x92: {  	s4 =	sld [smem:$0x3FFB];
	_ =	sdelay $0x3  }
0x93: {  	_ =	strace s4  }
0x94: {  	s4 =	sld [smem:$0x3FFC];
	_ =	sdelay $0x3  }
0x95: {  	_ =	strace s4  }
0x96: {  	s4 =	sld [smem:$0x3FFD];
	_ =	sdelay $0x3  }
0x97: {  	_ =	strace s4  }
0x98: {  	_ =	strace $0x8FFFFFFF  }
0x99: {  	s19 =	sld [smem:$0x3FDB];
	_ =	sdelay $0x1  }
0x9a: {  	s5 =	simm.s32 $_scs_section_size  }
0x9b: {  	s6 =	simm.s32 $_size__tile_overlayer_lowered;
	s7 =	simm.s32 $_tile_overlayer_lowered  }
0x9c: {  	s22 =	simm.s32 $0x1BFF;
	s21 =	sshll.u32 s7, $0x1;
	s4 =	sadd.s32 s5, s19  }
0x9d: {  	s8 =	simm.s32 $0x0;
	s20 =	sshll.u32 s6, $0x1;
	s6 =	sadd.s32 s21, s4  }
0x9e: {  	[timem:s8], [sflag:s22] =	dma.local [hbm:s6], s20  }
0x9f: {  	_ =	swait.ge [sflag:s22], s20  }
0xa0: {  	s5 =	ssub.s32 $0x0, s20;
	[sflag:s22] =	ssyncset.done $0x0  }
0xa1: {  	[sflag:s22] =	ssyncadd.s32 s5;
	_ =	sdelay $0x1  }
0xa2: {  	s23 =	simm.s32 $0x1B8B  }
0xa3: {  	_ =	swait.ge [sflag:s23], $0x1  }
0xa4: {  	[sflag:s23] =	ssyncset.done $0x0  }
0xa5: {  	s25 =	simm.s32 $0x1B8E;
	s24 =	sld [smem:$0x3FFE];
	[sflag:s23] =	ssyncadd.s32 $0xFFFFFFFF  }
0xa6: {  	s26 =	simm.s32 $execute0_lowered;
	[smem:$0x3FD2] =	sst s25  }
0xa7: {  	s6 =	sshll.u32 s26, $0x1;
	_ =	strace $0x80000046;
	[dreg:$0x1] =	wrdreg $0xFFFFFFFF  }
0xa8: {  	s28 =	simm.s32 $_size_execute0_lowered;
	s4 =	sadd.s32 s4, s6;
	[dreg:$0x0] =	wrdreg $0x0  }
0xa9: {  	s6 =	sshll.u32 s28, $0x1;
	[dreg:$0x2] =	wrdreg s4  }
0xaa: {  	[dreg:$0x3] =	wrdreg s6  }
0xab: {  	[dreg:$0x4] =	wrdreg $0xC0  }
0xac: {  	_ =	task [dreg:s8], $0x5FFFF  }
0xad: {  	[dreg:$0x1] =	wrdreg $0xFFFFFFFF  }
0xae: {  	[dreg:$0x0] =	wrdreg $0x60  }
0xaf: {  	[dreg:$0x2] =	wrdreg s2  }
0xb0: {  	[dreg:$0x3] =	wrdreg s24  }
0xb1: {  	[dreg:$0x4] =	wrdreg s18  }
0xb2: {  	[dreg:$0x5] =	wrdreg $0x8C800  }
0xb3: {  	[dreg:$0x6] =	wrdreg $0x1C8800  }
0xb4: {  	[dreg:$0x7] =	wrdreg $0x9  }
0xb5: {  	_ =	task.clear_ibuf [dreg:s8], $0x8FFFF;
	_ =	strace $0x90000046  }
0xb6: {  	s29 =	simm.s32 $0x9;
	_ =	strace $0x80000048  }
0xb7: {  	_ =	swait.ge [sflag:s29], $0x1  }
0xb8: {  	[sflag:s29] =	ssyncadd.s32 $0xFFFFFFFF  }
0xb9: {  	_ =	strace $0x90000048  }
0xba: {  	_ =	sfence  }
0xbb: {  	s30 =	sld [smem:$0x0];
	_ =	sdelay $0x2  }
0xbc: {  	s31 =	sshll.u32 s1, $0xD;
	s1 =	sshrl.u32 s1, $0x2  }
0xbd: {  	s3 =	sand.u32 $0x4000, s31;
	s1 =	sadd.s32 s1, s30  }
0xbe: {  	s0 =	sor.u32 s3, s0;
	s1 =	sshll.u32 s1, $0x11  }
0xbf: {  	s0 =	sor.u32 s1, s0  }
0xc0: {  	s0 =	sadd.s32 $0x8F2B, s0  }
0xc1: {  	[sflag:s0] =	ssyncadd.remote.s32 $0x1  }
0xc2: {  	_ =	sfence.sel $0xFFFF  }
0xc3: {  	[dreg:$0x0] =	wrdreg $0xFFFFFFFF;
	(pc) =	sbr.abs _section_cstart, $3  }
0xc4: {  	[dreg:$0x1] =	wrdreg $0xFFFFFFFF  }
0xc5: {  	_ =	task.clear_ibuf [dreg:s8], $0x2FFFF;
	_ =	strace $0x9FFFFFFF  }
0xc6: {  	(tm) =	ssettm $0x7FFFFFFF  }
0xc7: {  	_ =	shalt  }
tec
execute0_lowered:
.L_overlay_start_1:
0x0: {  	(tag) =	ssettag $0x1  }
0x1: {  	s1 =	rddreg [dreg:$0x0]  }
0x2: {  	s0 =	rddreg [dreg:$0x1]  }
0x3: {  	s2 =	rddreg [dreg:$0x2]  }
0x4: {  	s3 =	rddreg [dreg:$0x3]  }
0x5: {  	s4 =	rddreg [dreg:$0x4];
	s17 =	stileid.u32  }
0x6: {  	s6 =	srdreg.scid;
	s20 =	smul.u32 $0x13C00, s17  }
0x7: {  	s5 =	simm.s32 $0x0;
	s28 =	simm.s32 $0x9;
	s12 =	smul.u32 $0x4F000, s17  }
0x8: {  	s29 =	simm.s32 $0x8C00;
	s31 =	simm.s32 $0x80;
	s14 =	smul.u32 $0x9E00, s17  }
0x9: {  	s7 =	sand.u32 $0x1, s6;
	[smem:$0x7FF] =	sst s5;
	s16 =	smul.u32 $0x2800, s17  }
0xa: {  	s9 =	sadd.s32 $0xC600, s0;
	s10 =	sadd.s32 $0x2600, s0;
	s8 =	smul.u32 $0x13C000, s7  }
0xb: {  	_ =	strace $0x80000047;
	s11 =	ssub.s32 $0x2, s7;
	s24 =	smul.u32 $0x27800, s7  }
0xc: {  	s13 =	sshll.u32 s7, $0x4;
	s7 =	smul.u32 $0x28000, s7;
	s21 =	sshrl.u32 s11, $0x1  }
0xd: {  	s13 =	sor.u32 s17, s13;
	s12 =	sshrl.u32 s12, $0x2;
	s17 =	smul.u32 $0x2780, s17  }
0xe: {  	s6 =	sadd.s32 s20, s3;
	s8 =	sadd.s32 s20, s8;
	s22 =	smul.u32 $0x2800, s13  }
0xf: {  	s7 =	sadd.s32 s16, s7;
	s8 =	sshrl.u32 s8, $0x3;
	s13 =	sadd.s32 s17, s24  }
0x10: {  	s0 =	sadd.s32 s8, s0;
	s8 =	ssub.s32 s11, s21;
	s11 =	sadd.s32 s12, s3  }
0x11: {  	s7 =	sor.u32 $0x200, s7;
	s12 =	sshrl.u32 s22, $0x3;
	s23 =	sadd.s32 $0x4000, s11  }
0x12: {  	s13 =	sshrl.u32 s13, $0x3;
	s15 =	sadd.s32 $0x8000, s11;
	[dreg:$0x6] =	wrdreg s23  }
0x13: {  	s21 =	sshrl.u32 s7, $0x3;
	s25 =	sadd.s32 s9, s12;
	[dreg:$0x7] =	wrdreg s15  }
0x14: {  	s26 =	sor.u32 $0x10, s12;
	s18 =	sadd.s32 s10, s12;
	[dreg:$0x8] =	wrdreg s25  }
0x15: {  	s2 =	sadd.s32 s2, s13;
	s24 =	sadd.s32 $0x10000, s11;
	[dreg:$0x9] =	wrdreg s18  }
0x16: {  	s0 =	sadd.s32 $0x16600, s0;
	s13 =	simm.s32 $0x8;
	[dreg:$0xe] =	wrdreg s2  }
0x17: {  	s30 =	sadd.s32 s9, s26;
	s15 =	sadd.s32 s10, s26;
	[dreg:$0x12] =	wrdreg s24  }
0x18: {  	s18 =	sor.u32 $0x20, s12;
	s12 =	sor.u32 $0x30, s12;
	[dreg:$0x13] =	wrdreg s0  }
0x19: {  	s23 =	sadd.s32 $0xC000, s11;
	s25 =	sshrl.u32 s14, $0x2;
	[dreg:$0xa] =	wrdreg s30  }
0x1a: {  	s26 =	sadd.s32 s17, s4;
	s2 =	simm.s32 $0x1;
	[dreg:$0xb] =	wrdreg s15  }
0x1b: {  	s14 =	simm.s32 $0x0;
	s19 =	sadd.s32 s9, s18;
	[dreg:$0x11] =	wrdreg s23  }
0x1c: {  	s15 =	sadd.s32 s10, s18;
	s20 =	sadd.s32 s9, s12;
	[dreg:$0xc] =	wrdreg s19  }
0x1d: {  	s22 =	sadd.s32 s10, s12;
	s18 =	sadd.s32 s21, s10;
	[dreg:$0xd] =	wrdreg s15  }
0x1e: {  	s30 =	smax.u32 s8, $0x1;
	s0 =	sshrl.u32 s26, $0x3;
	[dreg:$0xf] =	wrdreg s20  }
0x1f: {  	s26 =	simm.s32 $0x400;
	s8 =	simm.s32 $0x8400;
	[dreg:$0x10] =	wrdreg s22  }
0x20: {  	s12 =	simm.s32 $0x7;
	s19 =	sadd.s32 s21, s9;
	[dreg:$0x14] =	wrdreg s30  }
0x21: {  	v0 =	vimm.f32 $0.0e+00;
	v1 =	vimm.f32 $1.000000000e+00;
	s22 =	sadd.s32 s25, s4;
	[dreg:$0x15] =	wrdreg s0;
	s9 =	simm.s32 $0x2  }
.LBB2_1:
0x22: {  	s15 =	simm.s32 $0x0;
	s16 =	simm.s32 $0x200  }
.LBB2_2:
0x23: {  	p0 =	sne.s32 s16, $0xFE00;
	[tilespmem:s15+$0x470] =	vst v0  }
0x24: {  	[tilespmem:s15+$0x400] =	vst v0  }
0x25: {  	[tilespmem:s15+$0x410] =	vst v0  }
.Ltmp0:
0x26: {  	[tilespmem:s15+$0x420] =	vst v0;
	(pc) =	sbr.rel @p0 .LBB2_2-.Ltmp0, $4  }
0x27: {  	[tilespmem:s15+$0x430] =	vst v0  }
0x28: {  	[tilespmem:s15+$0x440] =	vst v0  }
0x29: {  	[tilespmem:s15+$0x450] =	vst v0  }
0x2a: {  	[tilespmem:s15+$0x460] =	vst v0;
	s15 =	sshra.s32 s16, $0x2;
	s16 =	sadd.s32 $0x200, s16  }
0x2b: {  	[tilespmem:s15+$0x470] =	vst v0  }
0x2c: {  	[tilespmem:s15+$0x400] =	vst v0  }
0x2d: {  	[tilespmem:s15+$0x410] =	vst v0  }
0x2e: {  	[tilespmem:s15+$0x420] =	vst v0  }
0x2f: {  	[tilespmem:s15+$0x430] =	vst v0  }
0x30: {  	[tilespmem:s15+$0x440] =	vst v0  }
0x31: {  	[tilespmem:s15+$0x450] =	vst v0  }
0x32: {  	[tilespmem:s15+$0x460] =	vst v0;
	s15 =	simm.s32 $0x40;
	s16 =	simm.s32 $0x0  }
.LBB2_4:
0x33: {  	p0 =	sne.s32 s15, $0x1FC0;
	[tilespmem:s16+$0x8400] =	vst v1;
	s16 =	smov.u32 s15;
	s15 =	sadd.s32 $0x40, s15  }
.Ltmp1:
0x34: {  	(pc) =	sbr.rel @p0 .LBB2_4-.Ltmp1, $2  }
0x35: {  	_ =	sdelay $0x2  }
0x36: {  	s16 =	sshra.s32 s16, $0x2  }
0x37: {  	[tilespmem:s16+$0x8400] =	vst v1  }
0x38: {  	[tilespmem:$0x8C00] =	vst v0  }
0x39: {  	[tilespmem:$0x8C10] =	vst v0  }
0x3a: {  	[tilespmem:$0x8C20] =	vst v0  }
0x3b: {  	[tilespmem:$0x8C30] =	vst v0  }
0x3c: {  	[tilespmem:$0x8C40] =	vst v0  }
0x3d: {  	[tilespmem:$0x8C50] =	vst v0  }
0x3e: {  	[tilespmem:$0x8C60] =	vst v0  }
0x3f: {  	[tilespmem:$0x8C70] =	vst v0  }
0x40: {  	[spmem:s6] =	stream.linear.scatter [tilespmem:s26], [sflag:$0x9], $0x4000, $0x38;
	[tilespmem:$0x1F000] =	vst v63  }
0x41: {  	_ =	swait.ge [sflag:s28], $0x4000  }
0x42: {  	[sflag:s28] =	ssyncset.done $0x0  }
0x43: {  	s0 =	rddreg [dreg:$0x6];
	[sflag:s28] =	ssyncadd.s32 $0xFFFFC000  }
0x44: {  	[spmem:s0] =	stream.linear.scatter [tilespmem:s26], [sflag:$0x9], $0x4000, $0x38;
	[tilespmem:$0x1F000] =	vst v63  }
0x45: {  	_ =	swait.ge [sflag:s28], $0x4000  }
0x46: {  	[sflag:s28] =	ssyncset.done $0x0  }
0x47: {  	s24 =	rddreg [dreg:$0x7];
	[sflag:s28] =	ssyncadd.s32 $0xFFFFC000  }
0x48: {  	[spmem:s24] =	stream.linear.scatter [tilespmem:s26], [sflag:$0x9], $0x4000, $0x38;
	[tilespmem:$0x1F000] =	vst v63  }
0x49: {  	_ =	swait.ge [sflag:s28], $0x4000  }
0x4a: {  	[sflag:s28] =	ssyncset.done $0x0  }
0x4b: {  	s25 =	rddreg [dreg:$0x11];
	[sflag:s28] =	ssyncadd.s32 $0xFFFFC000  }
0x4c: {  	[spmem:s25] =	stream.linear.scatter [tilespmem:s26], [sflag:$0x9], $0x4000, $0x38;
	[tilespmem:$0x1F000] =	vst v63  }
0x4d: {  	_ =	swait.ge [sflag:s28], $0x4000  }
0x4e: {  	[sflag:s28] =	ssyncset.done $0x0  }
0x4f: {  	s30 =	rddreg [dreg:$0x12];
	[sflag:s28] =	ssyncadd.s32 $0xFFFFC000  }
0x50: {  	[spmem:s30] =	stream.linear.scatter [tilespmem:s26], [sflag:$0x9], $0x3C00, $0x38;
	[tilespmem:$0x1F000] =	vst v63  }
0x51: {  	_ =	swait.ge [sflag:s28], $0x3C00  }
0x52: {  	[sflag:s28] =	ssyncset.done $0x0  }
0x53: {  	s15 =	sadd.s32 $0x0, s22;
	[sflag:s28] =	ssyncadd.s32 $0xFFFFC400  }
0x54: {  	[spmem:s15] =	stream.linear.scatter [tilespmem:s29], [sflag:$0x9], $0x80, $0x38;
	[tilespmem:$0x1F000] =	vst v63  }
0x55: {  	s15 =	simm.s32 $0x200;
	_ =	swait.ge [sflag:s28], $0x80  }
.LBB2_6:
0x56: {  	s16 =	sshra.s32 s15, $0x2;
	[sflag:s28] =	ssyncset.done $0x0;
	p0 =	sne.s32 s15, $0x9C00  }
.Ltmp2:
0x57: {  	s16 =	sadd.s32 s16, s22;
	[sflag:s28] =	ssyncadd.s32 $0xFFFFFF80;
	(pc) =	sbr.rel @p0 .LBB2_6-.Ltmp2, $3  }
0x58: {  	[spmem:s16] =	stream.linear.scatter [tilespmem:s29], [sflag:$0x9], $0x80, $0x38;
	[tilespmem:$0x1F000] =	vst v63  }
0x59: {  	s15 =	sadd.s32 $0x200, s15;
	_ =	sdelay $0x1  }
0x5a: {  	_ =	swait.ge [sflag:s28], $0x80  }
0x5b: {  	[sflag:s28] =	ssyncset.done $0x0  }
0x5c: {  	[sflag:s28] =	ssyncadd.s32 $0xFFFFFF80  }
0x5d: {  	[bflag:$0x0] =	sbarrier.arrive $0xFFFF  }
0x5e: {  	s0 =	rddreg [dreg:$0x8]  }
0x5f: {  	[tilespmem:s5], [sflag:$0x1] =	stream.linear.gather [hbm4b:s0+s5], $0x80, $0x38;
	[tilespmem:$0x1F000] =	vst v63  }
0x60: {  	s7 =	simm.s32 $0x200;
	s23 =	rddreg [dreg:$0x9]  }
0x61: {  	[tilespmem:s7], [sflag:$0x1] =	stream.linear.gather [hbm4b:s23+s5], $0x80, $0x38;
	[tilespmem:$0x1F000] =	vst v63  }
0x62: {  	s24 =	rddreg [dreg:$0xa]  }
0x63: {  	[tilespmem:s31], [sflag:$0x2] =	stream.linear.gather [hbm4b:s24+s5], $0x80, $0x38;
	[tilespmem:$0x1F000] =	vst v63  }
0x64: {  	s10 =	simm.s32 $0x280;
	s25 =	rddreg [dreg:$0xb]  }
0x65: {  	[tilespmem:s10], [sflag:$0x2] =	stream.linear.gather [hbm4b:s25+s5], $0x80, $0x38;
	[tilespmem:$0x1F000] =	vst v63  }
0x66: {  	_ =	swait.ge [sflag:s2], $0x80  }
0x67: {  	[sflag:s2] =	ssyncset.done $0x0  }
0x68: {  	[sflag:s2] =	ssyncadd.s32 $0xFFFFFF80  }
0x69: {  	_ =	swait.ge [sflag:s2], $0x80  }
0x6a: {  	[sflag:s2] =	ssyncset.done $0x0  }
0x6b: {  	s11 =	simm.s32 $0x100;
	s30 =	rddreg [dreg:$0xc];
	[sflag:s2] =	ssyncadd.s32 $0xFFFFFF80  }
0x6c: {  	[tilespmem:s11], [sflag:$0x3] =	stream.linear.gather [hbm4b:s30+s5], $0x80, $0x38;
	[tilespmem:$0x1F000] =	vst v63  }
0x6d: {  	s15 =	simm.s32 $0x300;
	s11 =	rddreg [dreg:$0xd]  }
0x6e: {  	[tilespmem:s15], [sflag:$0x3] =	stream.linear.gather [hbm4b:s11+s5], $0x80, $0x38;
	[tilespmem:$0x1F000] =	vst v63  }
0x6f: {  	s16 =	simm.s32 $0x5  }
0x70: {  	[tilespmem:s26], [sflag:$0x5] =	stream.indirect.gather [hbm4b:s1+s31], $0x80, s5, s31, $0xb8;
	[tilespmem:$0x1F000] =	vst v63  }
0x71: {  	_ =	swait.ge [sflag:s16], $0x4000  }
0x72: {  	[sflag:s16] =	ssyncset.done $0x0  }
0x73: {  	[sflag:s16] =	ssyncadd.s32 $0xFFFFC000  }
0x74: {  	[spmem:s3] =	stream.indirect.scatter.add.f32 [tilespmem:s26], [sflag:$0x7], $0x80, s7, s31, $0xb8;
	[tilespmem:$0x1F000] =	vst v63  }
0x75: {  	_ = 	snop  }
0x76: {  	[spmem:s4] =	stream.indirect.scatter.add.f32 [tilespmem:s8], [sflag:$0x7], $0x10, s7, s31, $0xb8;
	[tilespmem:$0x1F000] =	vst v63  }
0x77: {  	_ =	swait.ge [sflag:s9], $0x80  }
0x78: {  	[sflag:s9] =	ssyncset.done $0x0  }
0x79: {  	[sflag:s9] =	ssyncadd.s32 $0xFFFFFF80  }
0x7a: {  	_ =	swait.ge [sflag:s9], $0x80  }
0x7b: {  	[sflag:s9] =	ssyncset.done $0x0  }
0x7c: {  	s20 =	simm.s32 $0x180;
	s17 =	rddreg [dreg:$0xf];
	[sflag:s9] =	ssyncadd.s32 $0xFFFFFF80  }
0x7d: {  	[tilespmem:s20], [sflag:$0x4] =	stream.linear.gather [hbm4b:s17+s5], $0x80, $0x38;
	[tilespmem:$0x1F000] =	vst v63  }
0x7e: {  	s23 =	simm.s32 $0x380;
	s21 =	rddreg [dreg:$0x10]  }
0x7f: {  	[tilespmem:s23], [sflag:$0x4] =	stream.linear.gather [hbm4b:s21+s5], $0x80, $0x38;
	[tilespmem:$0x1F000] =	vst v63  }
0x80: {  	s24 =	simm.s32 $0x4400;
	s25 =	simm.s32 $0x6  }
0x81: {  	[tilespmem:s24], [sflag:$0x6] =	stream.indirect.gather [hbm4b:s1+s31], $0x80, s31, s31, $0xb8;
	[tilespmem:$0x1F000] =	vst v63  }
0x82: {  	_ =	swait.ge [sflag:s25], $0x4000  }
0x83: {  	s16 =	simm.s32 $0x2;
	[sflag:s25] =	ssyncset.done $0x0  }
0x84: {  	s17 =	sand.u32 $0x1, s16;
	[sflag:s25] =	ssyncadd.s32 $0xFFFFC000  }
0x85: {  	[spmem:s3] =	stream.indirect.scatter.add.f32 [tilespmem:s24], [sflag:$0x8], $0x80, s10, s31, $0xb8;
	[tilespmem:$0x1F000] =	vst v63  }
0x86: {  	s15 =	sadd.s32 $0x7, s17  }
0x87: {  	[spmem:s4] =	stream.indirect.scatter.add.f32 [tilespmem:s8], [sflag:$0x8], $0x10, s10, s31, $0xb8;
	[tilespmem:$0x1F000] =	vst v63  }
0x88: {  	_ =	swait.ge [sflag:s15], $0x4000  }
0x89: {  	[sflag:s15] =	ssyncset.done $0x0  }
0x8a: {  	p0 =	por $0x0, $0x0;
	[sflag:s15] =	ssyncadd.s32 $0xFFFFC000  }
0x8b: {  	s20 =	simm.s32 $0x4;
	s16 =	sand.u32 $0x3, s16;
	_ =	swait.ge [sflag:s15], $0x800  }
0x8c: {  	s20 =	sand.u32 @!p0 $0x3, s20;
	s21 =	simm.s32 @!p0 $0x0;
	[sflag:s15] =	ssyncset.done $0x0  }
0x8d: {  	s23 =	sadd.s32 @!p0 $0x1, s20;
	s20 =	sshll.u32 @!p0 s20, $0x7;
	[sflag:s15] =	ssyncadd.s32 $0xFFFFF800  }
0x8e: {  	[tilespmem:s20], [sflag:s23] =	stream.linear.gather @!p0 [hbm4b:s19+s21], $0x80, $0x38;
	[tilespmem:$0x1F000] =	vst v63  }
0x8f: {  	s24 =	sadd.s32 $0x1, s16;
	s20 =	sor.u32 @!p0 $0x200, s20  }
0x90: {  	[tilespmem:s20], [sflag:s23] =	stream.linear.gather @!p0 [hbm4b:s18+s21], $0x80, $0x38;
	[tilespmem:$0x1F000] =	vst v63  }
0x91: {  	_ =	swait.ge [sflag:s24], $0x80  }
0x92: {  	[sflag:s24] =	ssyncset.done $0x0  }
0x93: {  	[sflag:s24] =	ssyncadd.s32 $0xFFFFFF80  }
0x94: {  	_ =	swait.ge [sflag:s24], $0x80  }
0x95: {  	s30 =	sshll.u32 s17, $0xE;
	s17 =	sadd.s32 $0x5, s17;
	[sflag:s24] =	ssyncset.done $0x0  }
0x96: {  	s16 =	sshll.u32 s16, $0x7;
	s20 =	sor.u32 $0x400, s30;
	[sflag:s24] =	ssyncadd.s32 $0xFFFFFF80  }
0x97: {  	[tilespmem:s20], [sflag:s17] =	stream.indirect.gather [hbm4b:s1+s31], $0x80, s16, s31, $0xb8;
	[tilespmem:$0x1F000] =	vst v63  }
0x98: {  	_ =	swait.ge [sflag:s17], $0x4000  }
0x99: {  	s21 =	simm.s32 $0x6;
	[sflag:s17] =	ssyncset.done $0x0  }
0x9a: {  	s23 =	simm.s32 $0x3;
	s24 =	sor.u32 $0x200, s16;
	[sflag:s17] =	ssyncadd.s32 $0xFFFFC000  }
0x9b: {  	[spmem:s3] =	stream.indirect.scatter.add.f32 [tilespmem:s20], [sflag:s15], $0x80, s24, s31, $0xb8;
	[tilespmem:$0x1F000] =	vst v63  }
0x9c: {  	s16 =	sadd.s32 $0x10, s18;
	s17 =	sadd.s32 $0x10, s19;
	s20 =	simm.s32 $0x5  }
.LBB2_8:
0x9d: {  	s25 =	sand.u32 $0x1, s23  }
0x9e: {  	s10 =	sand.u32 $0x3, s23;
	s30 =	smov.u32 s21;
	s21 =	sadd.s32 $0x1, s21  }
0x9f: {  	p0 =	sne.s32 s21, $0x52;
	s0 =	sadd.s32 $0x7, s25;
	s7 =	sshll.u32 s25, $0xE  }
0xa0: {  	[spmem:s4] =	stream.indirect.scatter.add.f32 [tilespmem:s8], [sflag:s15], $0x10, s24, s31, $0xb8;
	[tilespmem:$0x1F000] =	vst v63  }
0xa1: {  	s15 =	smov.u32 s0;
	_ =	swait.ge [sflag:s0], $0x4000  }
0xa2: {  	[sflag:s15] =	ssyncset.done $0x0  }
0xa3: {  	[sflag:s15] =	ssyncadd.s32 $0xFFFFC000  }
0xa4: {  	p1 =	sgt.u32 s23, $0x4D;
	_ =	swait.ge [sflag:s15], $0x800  }
0xa5: {  	s23 =	simm.s32 @!p1 $0x0;
	s0 =	sand.u32 @!p1 $0x3, s20;
	[sflag:s15] =	ssyncset.done $0x0  }
0xa6: {  	s24 =	sadd.s32 @!p1 $0x1, s0;
	s0 =	sshll.u32 @!p1 s0, $0x7;
	[sflag:s15] =	ssyncadd.s32 $0xFFFFF800  }
0xa7: {  	[tilespmem:s0], [sflag:s24] =	stream.linear.gather @!p1 [hbm4b:s17+s23], $0x80, $0x38;
	[tilespmem:$0x1F000] =	vst v63  }
0xa8: {  	s11 =	sadd.s32 $0x1, s10;
	s20 =	smov.u32 s30;
	s0 =	sor.u32 @!p1 $0x200, s0  }
0xa9: {  	[tilespmem:s0], [sflag:s24] =	stream.linear.gather @!p1 [hbm4b:s16+s23], $0x80, $0x38;
	[tilespmem:$0x1F000] =	vst v63  }
0xaa: {  	_ =	swait.ge [sflag:s11], $0x80  }
0xab: {  	[sflag:s11] =	ssyncset.done $0x0  }
0xac: {  	[sflag:s11] =	ssyncadd.s32 $0xFFFFFF80  }
0xad: {  	_ =	swait.ge [sflag:s11], $0x80  }
0xae: {  	s0 =	sshll.u32 s10, $0x7;
	[sflag:s11] =	ssyncset.done $0x0  }
0xaf: {  	s7 =	sor.u32 $0x400, s7;
	s10 =	sadd.s32 $0x5, s25;
	[sflag:s11] =	ssyncadd.s32 $0xFFFFFF80  }
0xb0: {  	[tilespmem:s7], [sflag:s10] =	stream.indirect.gather [hbm4b:s1+s31], $0x80, s0, s31, $0xb8;
	[tilespmem:$0x1F000] =	vst v63  }
.Ltmp3:
0xb1: {  	_ = 	snop;
	(pc) =	sbr.rel @p0 .LBB2_8-.Ltmp3, $4  }
0xb2: {  	_ =	swait.ge [sflag:s10], $0x4000  }
0xb3: {  	s17 =	sadd.s32 $0x10, s17;
	s16 =	sadd.s32 $0x10, s16;
	[sflag:s10] =	ssyncset.done $0x0  }
0xb4: {  	s23 =	sadd.s32 $0xFFFFFFFE, s20;
	s24 =	sor.u32 $0x200, s0;
	[sflag:s10] =	ssyncadd.s32 $0xFFFFC000  }
0xb5: {  	[spmem:s3] =	stream.indirect.scatter.add.f32 [tilespmem:s7], [sflag:s15], $0x80, s24, s31, $0xb8;
	[tilespmem:$0x1F000] =	vst v63  }
0xb6: {  	s0 =	sand.u32 $0x1, s23  }
0xb7: {  	[spmem:s4] =	stream.indirect.scatter.add.f32 [tilespmem:s8], [sflag:s15], $0x10, s24, s31, $0xb8;
	[tilespmem:$0x1F000] =	vst v63  }
0xb8: {  	s7 =	sadd.s32 $0x7, s0  }
0xb9: {  	_ =	swait.ge [sflag:s7], $0x4000  }
0xba: {  	[sflag:s7] =	ssyncset.done $0x0  }
0xbb: {  	[sflag:s7] =	ssyncadd.s32 $0xFFFFC000  }
0xbc: {  	s10 =	sand.u32 $0x3, s23;
	p0 =	sgt.u32 s23, $0x4D;
	_ =	swait.ge [sflag:s7], $0x800  }
0xbd: {  	s11 =	sand.u32 @!p0 $0x3, s20;
	s15 =	simm.s32 @!p0 $0x0;
	[sflag:s7] =	ssyncset.done $0x0  }
0xbe: {  	s20 =	sadd.s32 @!p0 $0x1, s11;
	s11 =	sshll.u32 @!p0 s11, $0x7;
	[sflag:s7] =	ssyncadd.s32 $0xFFFFF800  }
0xbf: {  	[tilespmem:s11], [sflag:s20] =	stream.linear.gather @!p0 [hbm4b:s17+s15], $0x80, $0x38;
	[tilespmem:$0x1F000] =	vst v63  }
0xc0: {  	s30 =	sadd.s32 $0x1, s10;
	s11 =	sor.u32 @!p0 $0x200, s11  }
0xc1: {  	[tilespmem:s11], [sflag:s20] =	stream.linear.gather @!p0 [hbm4b:s16+s15], $0x80, $0x38;
	[tilespmem:$0x1F000] =	vst v63  }
0xc2: {  	_ =	swait.ge [sflag:s30], $0x80  }
0xc3: {  	[sflag:s30] =	ssyncset.done $0x0  }
0xc4: {  	[sflag:s30] =	ssyncadd.s32 $0xFFFFFF80  }
0xc5: {  	_ =	swait.ge [sflag:s30], $0x80  }
0xc6: {  	s10 =	sshll.u32 s10, $0x7;
	s16 =	sshll.u32 s0, $0xE;
	[sflag:s30] =	ssyncset.done $0x0  }
0xc7: {  	s0 =	sadd.s32 $0x5, s0;
	s11 =	sor.u32 $0x400, s16;
	[sflag:s30] =	ssyncadd.s32 $0xFFFFFF80  }
0xc8: {  	[tilespmem:s11], [sflag:s0] =	stream.indirect.gather [hbm4b:s1+s31], $0x80, s10, s31, $0xb8;
	[tilespmem:$0x1F000] =	vst v63  }
0xc9: {  	_ =	swait.ge [sflag:s0], $0x4000  }
0xca: {  	[sflag:s0] =	ssyncset.done $0x0  }
0xcb: {  	s17 =	sor.u32 $0x200, s10;
	[sflag:s0] =	ssyncadd.s32 $0xFFFFC000  }
0xcc: {  	[spmem:s3] =	stream.indirect.scatter.add.f32 [tilespmem:s11], [sflag:s7], $0x80, s17, s31, $0xb8;
	[tilespmem:$0x1F000] =	vst v63  }
0xcd: {  	_ = 	snop  }
0xce: {  	[spmem:s4] =	stream.indirect.scatter.add.f32 [tilespmem:s8], [sflag:s7], $0x10, s17, s31, $0xb8;
	[tilespmem:$0x1F000] =	vst v63  }
0xcf: {  	_ =	swait.ge [sflag:s12], $0x4000  }
0xd0: {  	[sflag:s12] =	ssyncset.done $0x0  }
0xd1: {  	[sflag:s12] =	ssyncadd.s32 $0xFFFFC000  }
0xd2: {  	_ =	swait.ge [sflag:s12], $0x800  }
0xd3: {  	[sflag:s12] =	ssyncset.done $0x0  }
0xd4: {  	[sflag:s12] =	ssyncadd.s32 $0xFFFFF800  }
0xd5: {  	_ =	swait.ge [sflag:s13], $0x4000  }
0xd6: {  	[sflag:s13] =	ssyncset.done $0x0  }
0xd7: {  	[sflag:s13] =	ssyncadd.s32 $0xFFFFC000  }
0xd8: {  	_ =	swait.ge [sflag:s13], $0x800  }
0xd9: {  	[sflag:s13] =	ssyncset.done $0x0  }
0xda: {  	s20 =	stileid.u32;
	[sflag:s13] =	ssyncadd.s32 $0xFFFFF800  }
0xdb: {  	s0 =	sshll.u32 s20, $0x6;
	[bflag:$0x0] =	sbarrier.arrive $0xFFFF  }
0xdc: {  	s21 =	sshrl.u32 s6, $0x3;
	s0 =	sor.u32 $0x1C09, s0;
	s23 =	rddreg [dreg:$0x13]  }
0xdd: {  	[hbm:s23], [sflag:s0] =	dma.local [spmem:s21], $0x2780  }
0xde: {  	_ =	swait.ge [sflag:s28], $0x2780  }
0xdf: {  	[sflag:s28] =	ssyncset.done $0x0;
	s24 =	rddreg [dreg:$0xe]  }
0xe0: {  	s25 =	rddreg [dreg:$0x15];
	[sflag:s28] =	ssyncadd.s32 $0xFFFFD880  }
0xe1: {  	[hbm:s24], [sflag:s0] =	dma.local [spmem:s25], $0x4F0  }
0xe2: {  	_ =	swait.ge [sflag:s28], $0x4F0  }
0xe3: {  	s14 =	sadd.s32 $0x1, s14;
	s30 =	rddreg [dreg:$0x14]  }
0xe4: {  	p0 =	sne.s32 s14, s30  }
.Ltmp4:
0xe5: {  	_ = 	snop;
	(pc) =	sbr.rel @p0 .LBB2_1-.Ltmp4, $3  }
0xe6: {  	_ =	sdelay $0x1  }
0xe7: {  	[sflag:s28] =	ssyncset.done $0x0  }
0xe8: {  	[sflag:s28] =	ssyncadd.s32 $0xFFFFFB10  }
0xe9: {  	_ =	sfence.sel $0x180000  }
0xea: {  	[bflag:$0x0] =	sbarrier.arrive $0xFFFF  }
0xeb: {  	_ =	strace $0x90000047  }
0xec: {  	s0 =	stileid.u32;
	[bflag:$0x2] =	sbarrier.arrive $0xFFFF  }
0xed: {  	p0 =	sne.s32 s0, $0x0;
	s0 =	rddreg [dreg:$0x5]  }
0xee: {  	s0 =	sadd.s32 @!p0 $0x100000, s0  }
0xef: {  	[sflag:s0] =	ssyncadd.tile.s32 @!p0 $0x1;
	_ =	shalt  }
.Lfunc_end2:
_tile_overlayer_lowered:
.L_overlay_start_2:
0xf0: {  	(tag) =	ssettag $0x2  }
0xf1: {  	s0 =	rddreg [dreg:$0x0];
	s2 =	stileid.u32  }
0xf2: {  	s1 =	rddreg [dreg:$0x1];
	p0 =	sne.s32 s2, $0x0  }
0xf3: {  	s3 =	rddreg [dreg:$0x2];
	[bflag:$0x3] =	sbarrier.arrive $0xFFFF;
	s2 =	simm.s32 @!p0 $0x1C09  }
0xf4: {  	[timem:s3], [sflag:s2] =	dma.local @!p0 [hbm:s0], s1  }
0xf5: {  	s0 =	simm.s32 @!p0 $0x9  }
0xf6: {  	_ =	swait.ge @!p0 [sflag:s0], s1  }
0xf7: {  	s1 =	ssub.s32 @!p0 $0x0, s1;
	[sflag:s0] =	ssyncset.done @!p0 $0x0  }
0xf8: {  	[sflag:s0] =	ssyncadd.s32 @!p0 s1  }
0xf9: {  	[bflag:$0x3] =	sbarrier.arrive $0xFFFF  }
0xfa: {  	_ =	shalt  }

// kernel: kernel.9.cloned.1.call-start
scs
__scs_entry_jumppad:
0x0: {  	(pc) =	sbr.rel $0x88, $3  }
0x1: {  	(tag) =	ssettag $0x0;
	lr =	simm.s32 $0x1  }
0x2: {  	[smem:$0x3F99] =	sst lr;
	_ =	strace $0xD0000000  }
0x3: {  	_ = 	snop  }
0x4: {  	_ = 	snop  }
0x5: {  	_ = 	snop  }
0x6: {  	_ = 	snop  }
0x7: {  	_ = 	snop  }
__scs_overlays_trampoline_lowered:
0x8: {  	[smem:$0x3FA8] =	sst s0  }
0x9: {  	[smem:$0x3FA9] =	sst s1  }
0xa: {  	[smem:$0x3FAA] =	sst s2  }
0xb: {  	[smem:$0x3FAB] =	sst s3  }
0xc: {  	[smem:$0x3FAC] =	sst s4  }
0xd: {  	[smem:$0x3FAD] =	sst s5  }
0xe: {  	[smem:$0x3FAE] =	sst s6  }
0xf: {  	[smem:$0x3FAF] =	sst s7  }
0x10: {  	[smem:$0x3FB0] =	sst s8  }
0x11: {  	[smem:$0x3FB1] =	sst s9;
	s0 =	simm.s32 @!p0 $0x0  }
0x12: {  	s1 =	sld [smem:$0x3F97];
	s0 =	simm.s32 @p0 $0x1  }
0x13: {  	[smem:$0x3FB2] =	sst s0;
	s0 =	simm.s32 @!p1 $0x0  }
0x14: {  	s2 =	sld [smem:$0x3F96];
	s0 =	simm.s32 @p1 $0x1  }
0x15: {  	[smem:$0x3FB3] =	sst s0;
	s0 =	simm.s32 @!p2 $0x0  }
0x16: {  	s3 =	sld [smem:$0x3FDB];
	s0 =	simm.s32 @p2 $0x1  }
0x17: {  	s4 =	simm.s32 $0x1BF5;
	[smem:$0x3FB5] =	sst s0  }
0x18: {  	s0 =	sld [smem:$0x3F98];
	_ =	swait.ge [sflag:s4], $0x0  }
0x19: {  	s7 =	sld [smem:$0x3F99]  }
0x1a: {  	s8 =	sadd.s32 $0xFFFFE003, lr  }
0x1b: {  	s9 =	sadd.s32 $0xFFFFFEF7, lr;
	s5 =	simm.s32 $0xFFFFFFFF;
	p2 =	slt.u32 s8, $0xFFFFF086  }
0x1c: {  	p1 =	slt.u32 s9, $0xF7A;
	s5 =	simm.s32 @!p2 $0x0  }
0x1d: {  	s5 =	simm.s32 @p1 $0x1;
	p0 =	seq.s32 s7, s2  }
0x1e: {  	s7 =	smul.u32 @!p0 $0xF7A, s2;
	p2 =	seq.s32 @!p0 s5, $0x0  }
0x1f: {  	s9 =	smul.u32 $0xF7A, s1;
	s8 =	simm.s32 @!p0 $0x1BF5;
	p2 =	por !p2, p0  }
0x20: {  	[sflag:s8] =	ssyncset.s32 @!p0 $0xFFFFF086;
	s6 =	sadd.s32 @!p0 s3, s7;
	s7 =	simm.s32 @!p0 $0x108  }
0x21: {  	s3 =	sadd.s32 s3, s9;
	s6 =	sadd.s32 @!p0 $0x88, s6;
	s7 =	simm.s32 @p2 $0x1082  }
0x22: {  	[simem:s7], [sflag:s8] =	dma.local @!p0 [hbm:s6], $0xF7A  }
0x23: {  	s9 =	sor.u32 $0xD0000000, s2;
	s6 =	simm.s32 $0x108;
	_ =	swait.ge @!p0 [sflag:s8], $0x0  }
0x24: {  	s3 =	sadd.s32 $0x88, s3;
	s6 =	simm.s32 @!p1 $0x1082;
	[sflag:s4] =	ssyncset.s32 $0xFFFFF086  }
0x25: {  	[simem:s6], [sflag:s4] =	dma.local [hbm:s3], $0xF7A  }
0x26: {  	[smem:$0x3F99] =	sst s1;
	(tag) =	ssettag s2;
	_ =	strace s9  }
0x27: {  	s1 =	sld [smem:$0x3FA9]  }
0x28: {  	s2 =	sld [smem:$0x3FAA]  }
0x29: {  	s4 =	sld [smem:$0x3FAC]  }
0x2a: {  	p0 =	seq.s32 s5, $0x0;
	s5 =	sld [smem:$0x3FAD]  }
0x2b: {  	s6 =	sld [smem:$0x3FAE]  }
0x2c: {  	s7 =	sld [smem:$0x3FAF]  }
0x2d: {  	s3 =	simm.s32 $0x108;
	s8 =	sld [smem:$0x3FB0]  }
0x2e: {  	s3 =	simm.s32 @!p0 $0x1082;
	s9 =	sld [smem:$0x3FB1]  }
0x2f: {  	lr =	sadd.s32 s0, s3;
	s0 =	sld [smem:$0x3FA8]  }
0x30: {  	s3 =	sld [smem:$0x3FAB]  }
0x31: {  	[smem:$0x3FB4] =	sst s10  }
0x32: {  	s10 =	sld [smem:$0x3FB2];
	_ =	sdelay $0x3  }
0x33: {  	p0 =	seq.s32 s10, $0x1;
	s10 =	sld [smem:$0x3FB4];
	_ =	sdelay $0x3  }
0x34: {  	[smem:$0x3FB4] =	sst s10  }
0x35: {  	s10 =	sld [smem:$0x3FB3];
	_ =	sdelay $0x3  }
0x36: {  	p1 =	seq.s32 s10, $0x1;
	s10 =	sld [smem:$0x3FB4];
	_ =	sdelay $0x3  }
0x37: {  	[smem:$0x3FB4] =	sst s10  }
0x38: {  	s10 =	sld [smem:$0x3FB5]  }
0x39: {  	_ = 	snop;
	(pc) =	sbr.ind lr, $3  }
0x3a: {  	_ = 	snop  }
0x3b: {  	_ = 	snop  }
0x3c: {  	p2 =	seq.s32 s10, $0x1;
	s10 =	sld [smem:$0x3FB4]  }
0x3d: {  	_ =	shalt  }
0x3e: {  	_ =	shalt  }
0x3f: {  	_ =	shalt  }
0x40: {  	_ =	shalt  }
0x41: {  	_ =	shalt  }
0x42: {  	_ =	shalt  }
0x43: {  	_ =	shalt  }
0x44: {  	_ =	shalt  }
0x45: {  	_ =	shalt  }
0x46: {  	_ =	shalt  }
0x47: {  	_ =	shalt  }
0x48: {  	_ =	shalt  }
0x49: {  	_ =	shalt  }
0x4a: {  	_ =	shalt  }
0x4b: {  	_ =	shalt  }
0x4c: {  	_ =	shalt  }
0x4d: {  	_ =	shalt  }
0x4e: {  	_ =	shalt  }
0x4f: {  	_ =	shalt  }
0x50: {  	_ =	shalt  }
0x51: {  	_ =	shalt  }
0x52: {  	_ =	shalt  }
0x53: {  	_ =	shalt  }
0x54: {  	_ =	shalt  }
0x55: {  	_ =	shalt  }
0x56: {  	_ =	shalt  }
0x57: {  	_ =	shalt  }
0x58: {  	_ =	shalt  }
0x59: {  	_ =	shalt  }
0x5a: {  	_ =	shalt  }
0x5b: {  	_ =	shalt  }
0x5c: {  	_ =	shalt  }
0x5d: {  	_ =	shalt  }
0x5e: {  	_ =	shalt  }
0x5f: {  	_ =	shalt  }
0x60: {  	_ =	shalt  }
0x61: {  	_ =	shalt  }
0x62: {  	_ =	shalt  }
0x63: {  	_ =	shalt  }
0x64: {  	_ =	shalt  }
0x65: {  	_ =	shalt  }
0x66: {  	_ =	shalt  }
0x67: {  	_ =	shalt  }
0x68: {  	_ =	shalt  }
0x69: {  	_ =	shalt  }
0x6a: {  	_ =	shalt  }
0x6b: {  	_ =	shalt  }
0x6c: {  	_ =	shalt  }
0x6d: {  	_ =	shalt  }
0x6e: {  	_ =	shalt  }
0x6f: {  	_ =	shalt  }
0x70: {  	_ =	shalt  }
0x71: {  	_ =	shalt  }
0x72: {  	_ =	shalt  }
0x73: {  	_ =	shalt  }
0x74: {  	_ =	shalt  }
0x75: {  	_ =	shalt  }
0x76: {  	_ =	shalt  }
0x77: {  	_ =	shalt  }
0x78: {  	_ =	shalt  }
0x79: {  	_ =	shalt  }
0x7a: {  	_ =	shalt  }
0x7b: {  	_ =	shalt  }
0x7c: {  	_ =	shalt  }
0x7d: {  	_ =	shalt  }
0x7e: {  	_ =	shalt  }
0x7f: {  	_ =	shalt  }
0x80: {  	_ =	shalt  }
0x81: {  	_ =	shalt  }
0x82: {  	_ =	shalt  }
0x83: {  	_ =	shalt  }
0x84: {  	_ =	shalt  }
0x85: {  	_ =	shalt  }
0x86: {  	_ =	shalt  }
0x87: {  	_ =	shalt  }
.Lfunc_end0:
.L_simem_size_0:
called_computation.1_lowered:
.L_overlay_start_0:
0x88: {  	s2 =	sld [smem:$0x3FD9]  }
0x89: {  	s3 =	sld [smem:$0x3FFE];
	_ =	sdelay $0x1  }
0x8a: {  	s1 =	srdreg.scid  }
0x8b: {  	s0 =	sand.u32 $0x1, s1  }
0x8c: {  	s17 =	sshll.u32 s0, $0xA;
	s2 =	sadd.s32 s3, s2  }
0x8d: {  	s2 =	sadd.s32 s2, s17  }
0x8e: {  	[smem:$0x3FC0] =	sst s2  }
0x8f: {  	_ = 	snop  }
0x90: {  	s2 =	sld [smem:$0x3FD0];
	(tm) =	ssettm $0x1  }
0x91: {  	s18 =	sld [smem:$0x3FFB];
	_ =	sdelay $0x3  }
0x92: {  	_ =	strace s18  }
0x93: {  	s3 =	sld [smem:$0x3FFC];
	_ =	sdelay $0x3  }
0x94: {  	_ =	strace s3  }
0x95: {  	s3 =	sld [smem:$0x3FFD];
	_ =	sdelay $0x3  }
0x96: {  	_ =	strace s3  }
0x97: {  	_ =	strace $0x8FFFFFFF  }
0x98: {  	s19 =	sld [smem:$0x3FDB];
	_ =	sdelay $0x1  }
0x99: {  	s4 =	simm.s32 $_scs_section_size  }
0x9a: {  	s5 =	simm.s32 $_size__tile_overlayer_lowered;
	s6 =	simm.s32 $_tile_overlayer_lowered  }
0x9b: {  	s22 =	simm.s32 $0x1BFF;
	s21 =	sshll.u32 s6, $0x1;
	s3 =	sadd.s32 s4, s19  }
0x9c: {  	s7 =	simm.s32 $0x0;
	s20 =	sshll.u32 s5, $0x1;
	s5 =	sadd.s32 s21, s3  }
0x9d: {  	[timem:s7], [sflag:s22] =	dma.local [hbm:s5], s20  }
0x9e: {  	_ =	swait.ge [sflag:s22], s20  }
0x9f: {  	s4 =	ssub.s32 $0x0, s20;
	[sflag:s22] =	ssyncset.done $0x0  }
0xa0: {  	[sflag:s22] =	ssyncadd.s32 s4;
	_ =	sdelay $0x1  }
0xa1: {  	s23 =	simm.s32 $0x1B8B  }
0xa2: {  	_ =	swait.ge [sflag:s23], $0x1  }
0xa3: {  	[sflag:s23] =	ssyncset.done $0x0  }
0xa4: {  	s25 =	simm.s32 $0x1B8E;
	s24 =	sld [smem:$0x3FFE];
	[sflag:s23] =	ssyncadd.s32 $0xFFFFFFFF  }
0xa5: {  	s26 =	simm.s32 $execute0_lowered;
	[smem:$0x3FD2] =	sst s25  }
0xa6: {  	s5 =	sshll.u32 s26, $0x1;
	_ =	strace $0x80000049;
	[dreg:$0x1] =	wrdreg $0xFFFFFFFF  }
0xa7: {  	s28 =	simm.s32 $_size_execute0_lowered;
	s3 =	sadd.s32 s3, s5;
	[dreg:$0x0] =	wrdreg $0x0  }
0xa8: {  	s5 =	sshll.u32 s28, $0x1;
	[dreg:$0x2] =	wrdreg s3  }
0xa9: {  	[dreg:$0x3] =	wrdreg s5  }
0xaa: {  	[dreg:$0x4] =	wrdreg $0xC0  }
0xab: {  	_ =	task [dreg:s7], $0x5FFFF  }
0xac: {  	[dreg:$0x1] =	wrdreg $0xFFFFFFFF  }
0xad: {  	[dreg:$0x0] =	wrdreg $0x60  }
0xae: {  	[dreg:$0x2] =	wrdreg s2  }
0xaf: {  	[dreg:$0x3] =	wrdreg s24  }
0xb0: {  	[dreg:$0x4] =	wrdreg $0x84000  }
0xb1: {  	[dreg:$0x5] =	wrdreg $0x9  }
0xb2: {  	_ =	task.clear_ibuf [dreg:s7], $0x6FFFF;
	_ =	strace $0x90000049  }
0xb3: {  	s29 =	simm.s32 $0x9;
	_ =	strace $0x8000004B  }
0xb4: {  	_ =	swait.ge [sflag:s29], $0x1  }
0xb5: {  	[sflag:s29] =	ssyncadd.s32 $0xFFFFFFFF  }
0xb6: {  	_ =	strace $0x9000004B  }
0xb7: {  	_ =	sfence  }
0xb8: {  	s30 =	sld [smem:$0x0];
	_ =	sdelay $0x2  }
0xb9: {  	s31 =	sshll.u32 s1, $0xD;
	s1 =	sshrl.u32 s1, $0x2  }
0xba: {  	s3 =	sand.u32 $0x4000, s31;
	s1 =	sadd.s32 s1, s30  }
0xbb: {  	s0 =	sor.u32 s3, s0;
	s1 =	sshll.u32 s1, $0x11  }
0xbc: {  	s0 =	sor.u32 s1, s0  }
0xbd: {  	s0 =	sadd.s32 $0x8F2B, s0  }
0xbe: {  	[sflag:s0] =	ssyncadd.remote.s32 $0x1  }
0xbf: {  	_ =	sfence.sel $0xFFFF  }
0xc0: {  	[dreg:$0x0] =	wrdreg $0xFFFFFFFF;
	(pc) =	sbr.abs _section_cstart, $3  }
0xc1: {  	[dreg:$0x1] =	wrdreg $0xFFFFFFFF  }
0xc2: {  	_ =	task.clear_ibuf [dreg:s7], $0x2FFFF;
	_ =	strace $0x9FFFFFFF  }
0xc3: {  	(tm) =	ssettm $0x7FFFFFFF  }
tec
execute0_lowered:
.L_overlay_start_1:
0x0: {  	(tag) =	ssettag $0x1  }
0x1: {  	s1 =	rddreg [dreg:$0x0]  }
0x2: {  	s0 =	rddreg [dreg:$0x1]  }
0x3: {  	s3 =	rddreg [dreg:$0x2]  }
0x4: {  	s2 =	srdreg.scid;
	s12 =	stileid.u32;
	s4 =	simm.s32 $0x0  }
0x5: {  	s28 =	simm.s32 $0x1;
	s31 =	simm.s32 $0x5;
	s5 =	smul.u32 $0x13C00, s12  }
0x6: {  	s30 =	simm.s32 $0x4400;
	s29 =	simm.s32 $0x7;
	s10 =	smul.u32 $0x4F000, s12  }
0x7: {  	s2 =	sand.u32 $0x1, s2;
	[smem:$0x7FF] =	sst s4;
	s19 =	smul.u32 $0x2800, s12  }
0x8: {  	s7 =	sadd.s32 $0xC600, s0;
	s8 =	sadd.s32 $0x2600, s0;
	s6 =	smul.u32 $0x13C000, s2  }
0x9: {  	_ =	strace $0x8000004A;
	s9 =	ssub.s32 $0x2, s2;
	s11 =	sshll.u32 s2, $0x4  }
0xa: {  	s2 =	smul.u32 $0x28000, s2;
	s26 =	sshrl.u32 s9, $0x1;
	s10 =	sshrl.u32 s10, $0x2  }
0xb: {  	s13 =	sor.u32 s12, s11;
	s6 =	sadd.s32 s5, s6;
	s10 =	sadd.s32 s10, s3  }
0xc: {  	s5 =	sadd.s32 s5, s3;
	s6 =	sshrl.u32 s6, $0x3;
	s14 =	sadd.s32 $0x4000, s10  }
0xd: {  	s15 =	sadd.s32 $0x8000, s10;
	s16 =	sadd.s32 $0xC000, s10;
	[dreg:$0x4] =	wrdreg s14  }
0xe: {  	s10 =	sadd.s32 $0x10000, s10;
	s0 =	sadd.s32 s6, s0;
	[dreg:$0x5] =	wrdreg s15  }
0xf: {  	s6 =	ssub.s32 s9, s26;
	s9 =	smul.u32 $0x2800, s13;
	[dreg:$0x6] =	wrdreg s16  }
0x10: {  	s2 =	sadd.s32 s19, s2;
	[dreg:$0x7] =	wrdreg s10;
	s0 =	sadd.s32 $0x16600, s0  }
0x11: {  	s26 =	smax.u32 s6, $0x1;
	s9 =	sshrl.u32 s9, $0x3;
	[dreg:$0x10] =	wrdreg s0  }
0x12: {  	s2 =	sor.u32 $0x200, s2;
	[dreg:$0x11] =	wrdreg s26;
	s17 =	sadd.s32 s7, s9  }
0x13: {  	s18 =	sor.u32 $0x10, s9;
	s20 =	sadd.s32 s8, s9;
	[dreg:$0x8] =	wrdreg s17  }
0x14: {  	s2 =	sshrl.u32 s2, $0x3;
	[dreg:$0x9] =	wrdreg s20;
	s21 =	sadd.s32 s7, s18  }
0x15: {  	s22 =	sor.u32 $0x20, s9;
	s10 =	sadd.s32 s8, s18;
	[dreg:$0xa] =	wrdreg s21  }
0x16: {  	s6 =	simm.s32 $0x8;
	s23 =	sadd.s32 s7, s22;
	[dreg:$0xb] =	wrdreg s10  }
0x17: {  	s9 =	sor.u32 $0x30, s9;
	s24 =	sadd.s32 s8, s22;
	[dreg:$0xc] =	wrdreg s23  }
0x18: {  	s26 =	simm.s32 $0x280;
	s25 =	sadd.s32 s7, s9;
	[dreg:$0xd] =	wrdreg s24  }
0x19: {  	s0 =	simm.s32 $0x2;
	s9 =	sadd.s32 s8, s9;
	[dreg:$0xe] =	wrdreg s25  }
0x1a: {  	s20 =	sadd.s32 s2, s8;
	s22 =	simm.s32 $0x400;
	[dreg:$0xf] =	wrdreg s9  }
0x1b: {  	s21 =	sadd.s32 s2, s7;
	s23 =	simm.s32 $0x9;
	s24 =	simm.s32 $0x200  }
0x1c: {  	v0 =	vimm.f32 $0.0e+00;
	s25 =	simm.s32 $0x80;
	s2 =	simm.s32 $0x6;
	s7 =	simm.s32 $0x0  }
.LBB2_1:
0x1d: {  	s8 =	simm.s32 $0x0;
	s9 =	simm.s32 $0x200  }
.LBB2_2:
0x1e: {  	p0 =	sne.s32 s9, $0xFE00;
	[tilespmem:s8+$0x470] =	vst v0  }
0x1f: {  	[tilespmem:s8+$0x400] =	vst v0  }
0x20: {  	[tilespmem:s8+$0x410] =	vst v0  }
.Ltmp0:
0x21: {  	[tilespmem:s8+$0x420] =	vst v0;
	(pc) =	sbr.rel @p0 .LBB2_2-.Ltmp0, $4  }
0x22: {  	[tilespmem:s8+$0x430] =	vst v0  }
0x23: {  	[tilespmem:s8+$0x440] =	vst v0  }
0x24: {  	[tilespmem:s8+$0x450] =	vst v0  }
0x25: {  	[tilespmem:s8+$0x460] =	vst v0;
	s8 =	sshra.s32 s9, $0x2;
	s9 =	sadd.s32 $0x200, s9  }
0x26: {  	[tilespmem:s8+$0x470] =	vst v0  }
0x27: {  	[tilespmem:s8+$0x400] =	vst v0  }
0x28: {  	[tilespmem:s8+$0x410] =	vst v0  }
0x29: {  	[tilespmem:s8+$0x420] =	vst v0  }
0x2a: {  	[tilespmem:s8+$0x430] =	vst v0  }
0x2b: {  	[tilespmem:s8+$0x440] =	vst v0  }
0x2c: {  	[tilespmem:s8+$0x450] =	vst v0  }
0x2d: {  	[tilespmem:s8+$0x460] =	vst v0  }
0x2e: {  	[spmem:s5] =	stream.linear.scatter [tilespmem:s22], [sflag:$0x9], $0x4000, $0x38;
	[tilespmem:$0x1C000] =	vst v63  }
0x2f: {  	_ =	swait.ge [sflag:s23], $0x4000  }
0x30: {  	[sflag:s23] =	ssyncset.done $0x0  }
0x31: {  	s14 =	rddreg [dreg:$0x4];
	[sflag:s23] =	ssyncadd.s32 $0xFFFFC000  }
0x32: {  	[spmem:s14] =	stream.linear.scatter [tilespmem:s22], [sflag:$0x9], $0x4000, $0x38;
	[tilespmem:$0x1C000] =	vst v63  }
0x33: {  	_ =	swait.ge [sflag:s23], $0x4000  }
0x34: {  	[sflag:s23] =	ssyncset.done $0x0  }
0x35: {  	s15 =	rddreg [dreg:$0x5];
	[sflag:s23] =	ssyncadd.s32 $0xFFFFC000  }
0x36: {  	[spmem:s15] =	stream.linear.scatter [tilespmem:s22], [sflag:$0x9], $0x4000, $0x38;
	[tilespmem:$0x1C000] =	vst v63  }
0x37: {  	_ =	swait.ge [sflag:s23], $0x4000  }
0x38: {  	[sflag:s23] =	ssyncset.done $0x0  }
0x39: {  	s16 =	rddreg [dreg:$0x6];
	[sflag:s23] =	ssyncadd.s32 $0xFFFFC000  }
0x3a: {  	[spmem:s16] =	stream.linear.scatter [tilespmem:s22], [sflag:$0x9], $0x4000, $0x38;
	[tilespmem:$0x1C000] =	vst v63  }
0x3b: {  	_ =	swait.ge [sflag:s23], $0x4000  }
0x3c: {  	[sflag:s23] =	ssyncset.done $0x0  }
0x3d: {  	s17 =	rddreg [dreg:$0x7];
	[sflag:s23] =	ssyncadd.s32 $0xFFFFC000  }
0x3e: {  	[spmem:s17] =	stream.linear.scatter [tilespmem:s22], [sflag:$0x9], $0x3C00, $0x38;
	[tilespmem:$0x1C000] =	vst v63  }
0x3f: {  	_ =	swait.ge [sflag:s23], $0x3C00  }
0x40: {  	[sflag:s23] =	ssyncset.done $0x0  }
0x41: {  	[sflag:s23] =	ssyncadd.s32 $0xFFFFC400  }
0x42: {  	[bflag:$0x0] =	sbarrier.arrive $0xFFFF  }
0x43: {  	s18 =	rddreg [dreg:$0x8]  }
0x44: {  	[tilespmem:s4], [sflag:$0x1] =	stream.linear.gather [hbm4b:s18+s4], $0x80, $0x38;
	[tilespmem:$0x1C000] =	vst v63  }
0x45: {  	s19 =	rddreg [dreg:$0x9]  }
0x46: {  	[tilespmem:s24], [sflag:$0x1] =	stream.linear.gather [hbm4b:s19+s4], $0x80, $0x38;
	[tilespmem:$0x1C000] =	vst v63  }
0x47: {  	s9 =	rddreg [dreg:$0xa]  }
0x48: {  	[tilespmem:s25], [sflag:$0x2] =	stream.linear.gather [hbm4b:s9+s4], $0x80, $0x38;
	[tilespmem:$0x1C000] =	vst v63  }
0x49: {  	s10 =	rddreg [dreg:$0xb]  }
0x4a: {  	[tilespmem:s26], [sflag:$0x2] =	stream.linear.gather [hbm4b:s10+s4], $0x80, $0x38;
	[tilespmem:$0x1C000] =	vst v63  }
0x4b: {  	_ =	swait.ge [sflag:s28], $0x80  }
0x4c: {  	[sflag:s28] =	ssyncset.done $0x0  }
0x4d: {  	[sflag:s28] =	ssyncadd.s32 $0xFFFFFF80  }
0x4e: {  	_ =	swait.ge [sflag:s28], $0x80  }
0x4f: {  	[sflag:s28] =	ssyncset.done $0x0  }
0x50: {  	s9 =	simm.s32 $0x100;
	s11 =	rddreg [dreg:$0xc];
	[sflag:s28] =	ssyncadd.s32 $0xFFFFFF80  }
0x51: {  	[tilespmem:s9], [sflag:$0x3] =	stream.linear.gather [hbm4b:s11+s4], $0x80, $0x38;
	[tilespmem:$0x1C000] =	vst v63  }
0x52: {  	s13 =	simm.s32 $0x300;
	s12 =	rddreg [dreg:$0xd]  }
0x53: {  	[tilespmem:s13], [sflag:$0x3] =	stream.linear.gather [hbm4b:s12+s4], $0x80, $0x38;
	[tilespmem:$0x1C000] =	vst v63  }
0x54: {  	_ = 	snop  }
0x55: {  	[tilespmem:s22], [sflag:$0x5] =	stream.indirect.gather [hbm4b:s1+s25], $0x80, s4, s25, $0xb8;
	[tilespmem:$0x1C000] =	vst v63  }
0x56: {  	_ =	swait.ge [sflag:s31], $0x4000  }
0x57: {  	[sflag:s31] =	ssyncset.done $0x0  }
0x58: {  	[sflag:s31] =	ssyncadd.s32 $0xFFFFC000  }
0x59: {  	[spmem:s3] =	stream.indirect.scatter.add.f32 [tilespmem:s22], [sflag:$0x7], $0x80, s24, s25, $0xb8;
	[tilespmem:$0x1C000] =	vst v63  }
0x5a: {  	_ =	swait.ge [sflag:s0], $0x80  }
0x5b: {  	[sflag:s0] =	ssyncset.done $0x0  }
0x5c: {  	[sflag:s0] =	ssyncadd.s32 $0xFFFFFF80  }
0x5d: {  	_ =	swait.ge [sflag:s0], $0x80  }
0x5e: {  	[sflag:s0] =	ssyncset.done $0x0  }
0x5f: {  	s15 =	simm.s32 $0x180;
	s14 =	rddreg [dreg:$0xe];
	[sflag:s0] =	ssyncadd.s32 $0xFFFFFF80  }
0x60: {  	[tilespmem:s15], [sflag:$0x4] =	stream.linear.gather [hbm4b:s14+s4], $0x80, $0x38;
	[tilespmem:$0x1C000] =	vst v63  }
0x61: {  	s17 =	simm.s32 $0x380;
	s16 =	rddreg [dreg:$0xf]  }
0x62: {  	[tilespmem:s17], [sflag:$0x4] =	stream.linear.gather [hbm4b:s16+s4], $0x80, $0x38;
	[tilespmem:$0x1C000] =	vst v63  }
0x63: {  	_ = 	snop  }
0x64: {  	[tilespmem:s30], [sflag:$0x6] =	stream.indirect.gather [hbm4b:s1+s25], $0x80, s25, s25, $0xb8;
	[tilespmem:$0x1C000] =	vst v63  }
0x65: {  	s18 =	simm.s32 $0x2;
	_ =	swait.ge [sflag:s2], $0x4000  }
0x66: {  	p0 =	por $0x0, $0x0;
	s11 =	sand.u32 $0x1, s18;
	[sflag:s2] =	ssyncset.done $0x0  }
0x67: {  	s9 =	simm.s32 $0x4;
	s12 =	sadd.s32 $0x7, s11;
	[sflag:s2] =	ssyncadd.s32 $0xFFFFC000  }
0x68: {  	[spmem:s3] =	stream.indirect.scatter.add.f32 [tilespmem:s30], [sflag:$0x8], $0x80, s26, s25, $0xb8;
	[tilespmem:$0x1C000] =	vst v63  }
0x69: {  	s8 =	sand.u32 @!p0 $0x3, s9;
	_ =	swait.ge [sflag:s12], $0x4000  }
0x6a: {  	s9 =	simm.s32 @!p0 $0x0;
	s10 =	sadd.s32 @!p0 $0x1, s8;
	[sflag:s12] =	ssyncset.done $0x0  }
0x6b: {  	s8 =	sshll.u32 @!p0 s8, $0x7;
	s14 =	sand.u32 $0x3, s18;
	[sflag:s12] =	ssyncadd.s32 $0xFFFFC000  }
0x6c: {  	[tilespmem:s8], [sflag:s10] =	stream.linear.gather @!p0 [hbm4b:s21+s9], $0x80, $0x38;
	[tilespmem:$0x1C000] =	vst v63  }
0x6d: {  	s17 =	sadd.s32 $0x1, s14;
	s8 =	sor.u32 @!p0 $0x200, s8  }
0x6e: {  	[tilespmem:s8], [sflag:s10] =	stream.linear.gather @!p0 [hbm4b:s20+s9], $0x80, $0x38;
	[tilespmem:$0x1C000] =	vst v63  }
0x6f: {  	_ =	swait.ge [sflag:s17], $0x80  }
0x70: {  	[sflag:s17] =	ssyncset.done $0x0  }
0x71: {  	s13 =	simm.s32 $0x5;
	s15 =	sadd.s32 $0x5, s11;
	[sflag:s17] =	ssyncadd.s32 $0xFFFFFF80  }
0x72: {  	s11 =	sshll.u32 s11, $0xE;
	s19 =	sshll.u32 s14, $0x7;
	_ =	swait.ge [sflag:s17], $0x80  }
0x73: {  	s16 =	sor.u32 $0x400, s11;
	s18 =	sor.u32 $0x200, s19;
	[sflag:s17] =	ssyncset.done $0x0  }
0x74: {  	s10 =	simm.s32 $0x6;
	s8 =	sadd.s32 $0x10, s21;
	[sflag:s17] =	ssyncadd.s32 $0xFFFFFF80  }
0x75: {  	[tilespmem:s16], [sflag:s15] =	stream.indirect.gather [hbm4b:s1+s25], $0x80, s19, s25, $0xb8;
	[tilespmem:$0x1C000] =	vst v63  }
0x76: {  	s9 =	sadd.s32 $0x10, s20;
	s17 =	simm.s32 $0x3;
	_ =	swait.ge [sflag:s15], $0x4000  }
0x77: {  	s14 =	sand.u32 $0x1, s17;
	s11 =	sand.u32 $0x3, s17;
	[sflag:s15] =	ssyncset.done $0x0  }
.LBB2_4:
0x78: {  	s19 =	sadd.s32 $0x7, s14  }
0x79: {  	[sflag:s15] =	ssyncadd.s32 $0xFFFFC000;
	s15 =	smov.u32 s10;
	s10 =	sadd.s32 $0x1, s10  }
0x7a: {  	[spmem:s3] =	stream.indirect.scatter.add.f32 [tilespmem:s16], [sflag:s12], $0x80, s18, s25, $0xb8;
	[tilespmem:$0x1C000] =	vst v63  }
0x7b: {  	p1 =	sgt.u32 s17, $0x4D;
	p0 =	sne.s32 s10, $0x52;
	_ =	swait.ge [sflag:s19], $0x4000  }
0x7c: {  	s12 =	sand.u32 @!p1 $0x3, s13;
	s16 =	simm.s32 @!p1 $0x0;
	[sflag:s19] =	ssyncset.done $0x0  }
0x7d: {  	s17 =	sadd.s32 @!p1 $0x1, s12;
	s12 =	sshll.u32 @!p1 s12, $0x7;
	[sflag:s19] =	ssyncadd.s32 $0xFFFFC000  }
0x7e: {  	[tilespmem:s12], [sflag:s17] =	stream.linear.gather @!p1 [hbm4b:s8+s16], $0x80, $0x38;
	[tilespmem:$0x1C000] =	vst v63  }
0x7f: {  	s18 =	sadd.s32 $0x1, s11;
	s13 =	smov.u32 s15;
	s12 =	sor.u32 @!p1 $0x200, s12  }
0x80: {  	[tilespmem:s12], [sflag:s17] =	stream.linear.gather @!p1 [hbm4b:s9+s16], $0x80, $0x38;
	[tilespmem:$0x1C000] =	vst v63  }
0x81: {  	s12 =	smov.u32 s19;
	_ =	swait.ge [sflag:s18], $0x80  }
0x82: {  	[sflag:s18] =	ssyncset.done $0x0  }
0x83: {  	s8 =	sadd.s32 $0x10, s8;
	[sflag:s18] =	ssyncadd.s32 $0xFFFFFF80  }
0x84: {  	s15 =	sadd.s32 $0x5, s14;
	s9 =	sadd.s32 $0x10, s9;
	_ =	swait.ge [sflag:s18], $0x80  }
.Ltmp1:
0x85: {  	s14 =	sshll.u32 s14, $0xE;
	[sflag:s18] =	ssyncset.done $0x0;
	(pc) =	sbr.rel @p0 .LBB2_4-.Ltmp1, $4  }
0x86: {  	s11 =	sshll.u32 s11, $0x7;
	s16 =	sor.u32 $0x400, s14;
	[sflag:s18] =	ssyncadd.s32 $0xFFFFFF80  }
0x87: {  	[tilespmem:s16], [sflag:s15] =	stream.indirect.gather [hbm4b:s1+s25], $0x80, s11, s25, $0xb8;
	[tilespmem:$0x1C000] =	vst v63  }
0x88: {  	s17 =	sadd.s32 $0xFFFFFFFE, s13;
	s18 =	sor.u32 $0x200, s11;
	_ =	swait.ge [sflag:s15], $0x4000  }
0x89: {  	s14 =	sand.u32 $0x1, s17;
	s11 =	sand.u32 $0x3, s17;
	[sflag:s15] =	ssyncset.done $0x0  }
0x8a: {  	s10 =	sadd.s32 $0x7, s14;
	[sflag:s15] =	ssyncadd.s32 $0xFFFFC000  }
0x8b: {  	[spmem:s3] =	stream.indirect.scatter.add.f32 [tilespmem:s16], [sflag:s12], $0x80, s18, s25, $0xb8;
	[tilespmem:$0x1C000] =	vst v63  }
0x8c: {  	p0 =	sgt.u32 s17, $0x4D;
	_ =	swait.ge [sflag:s10], $0x4000  }
0x8d: {  	s12 =	sand.u32 @!p0 $0x3, s13;
	s13 =	simm.s32 @!p0 $0x0;
	[sflag:s10] =	ssyncset.done $0x0  }
0x8e: {  	s15 =	sadd.s32 @!p0 $0x1, s12;
	s12 =	sshll.u32 @!p0 s12, $0x7;
	[sflag:s10] =	ssyncadd.s32 $0xFFFFC000  }
0x8f: {  	[tilespmem:s12], [sflag:s15] =	stream.linear.gather @!p0 [hbm4b:s8+s13], $0x80, $0x38;
	[tilespmem:$0x1C000] =	vst v63  }
0x90: {  	s19 =	sadd.s32 $0x1, s11;
	s8 =	sor.u32 @!p0 $0x200, s12  }
0x91: {  	[tilespmem:s8], [sflag:s15] =	stream.linear.gather @!p0 [hbm4b:s9+s13], $0x80, $0x38;
	[tilespmem:$0x1C000] =	vst v63  }
0x92: {  	_ =	swait.ge [sflag:s19], $0x80  }
0x93: {  	[sflag:s19] =	ssyncset.done $0x0  }
0x94: {  	[sflag:s19] =	ssyncadd.s32 $0xFFFFFF80  }
0x95: {  	_ =	swait.ge [sflag:s19], $0x80  }
0x96: {  	s13 =	sadd.s32 $0x5, s14;
	s14 =	sshll.u32 s14, $0xE;
	[sflag:s19] =	ssyncset.done $0x0  }
0x97: {  	s15 =	sshll.u32 s11, $0x7;
	s9 =	sor.u32 $0x400, s14;
	[sflag:s19] =	ssyncadd.s32 $0xFFFFFF80  }
0x98: {  	[tilespmem:s9], [sflag:s13] =	stream.indirect.gather [hbm4b:s1+s25], $0x80, s15, s25, $0xb8;
	[tilespmem:$0x1C000] =	vst v63  }
0x99: {  	_ =	swait.ge [sflag:s13], $0x4000  }
0x9a: {  	[sflag:s13] =	ssyncset.done $0x0  }
0x9b: {  	s11 =	sor.u32 $0x200, s15;
	[sflag:s13] =	ssyncadd.s32 $0xFFFFC000  }
0x9c: {  	[spmem:s3] =	stream.indirect.scatter.add.f32 [tilespmem:s9], [sflag:s10], $0x80, s11, s25, $0xb8;
	[tilespmem:$0x1C000] =	vst v63  }
0x9d: {  	_ =	swait.ge [sflag:s29], $0x4000  }
0x9e: {  	[sflag:s29] =	ssyncset.done $0x0  }
0x9f: {  	[sflag:s29] =	ssyncadd.s32 $0xFFFFC000  }
0xa0: {  	_ =	swait.ge [sflag:s6], $0x4000  }
0xa1: {  	[sflag:s6] =	ssyncset.done $0x0  }
0xa2: {  	s16 =	stileid.u32;
	[sflag:s6] =	ssyncadd.s32 $0xFFFFC000  }
0xa3: {  	s8 =	sshll.u32 s16, $0x6;
	[bflag:$0x0] =	sbarrier.arrive $0xFFFF  }
0xa4: {  	s17 =	sshrl.u32 s5, $0x3;
	s8 =	sor.u32 $0x1C09, s8;
	s18 =	rddreg [dreg:$0x10]  }
0xa5: {  	[hbm:s18], [sflag:s8] =	dma.local [spmem:s17], $0x2780  }
0xa6: {  	_ =	swait.ge [sflag:s23], $0x2780  }
0xa7: {  	s7 =	sadd.s32 $0x1, s7;
	s19 =	rddreg [dreg:$0x11]  }
0xa8: {  	p0 =	sne.s32 s7, s19  }
.Ltmp2:
0xa9: {  	_ = 	snop;
	(pc) =	sbr.rel @p0 .LBB2_1-.Ltmp2, $3  }
0xaa: {  	_ =	sdelay $0x1  }
0xab: {  	[sflag:s23] =	ssyncset.done $0x0  }
0xac: {  	[sflag:s23] =	ssyncadd.s32 $0xFFFFD880  }
0xad: {  	_ =	sfence.sel $0x180000  }
0xae: {  	[bflag:$0x0] =	sbarrier.arrive $0xFFFF  }
0xaf: {  	_ =	strace $0x9000004A  }
0xb0: {  	s0 =	stileid.u32;
	[bflag:$0x2] =	sbarrier.arrive $0xFFFF  }
0xb1: {  	p0 =	sne.s32 s0, $0x0;
	s0 =	rddreg [dreg:$0x3]  }
0xb2: {  	s0 =	sadd.s32 @!p0 $0x100000, s0  }
0xb3: {  	[sflag:s0] =	ssyncadd.tile.s32 @!p0 $0x1;
	_ =	shalt  }
.Lfunc_end2:
_tile_overlayer_lowered:
.L_overlay_start_2:
0xb4: {  	(tag) =	ssettag $0x2  }
0xb5: {  	s0 =	rddreg [dreg:$0x0];
	s2 =	stileid.u32  }
0xb6: {  	s1 =	rddreg [dreg:$0x1];
	p0 =	sne.s32 s2, $0x0  }
0xb7: {  	s3 =	rddreg [dreg:$0x2];
	[bflag:$0x3] =	sbarrier.arrive $0xFFFF;
	s2 =	simm.s32 @!p0 $0x1C09  }
0xb8: {  	[timem:s3], [sflag:s2] =	dma.local @!p0 [hbm:s0], s1  }
0xb9: {  	s0 =	simm.s32 @!p0 $0x9  }
0xba: {  	_ =	swait.ge @!p0 [sflag:s0], s1  }
0xbb: {  	s1 =	ssub.s32 @!p0 $0x0, s1;
	[sflag:s0] =	ssyncset.done @!p0 $0x0  }
0xbc: {  	[sflag:s0] =	ssyncadd.s32 @!p0 s1  }
0xbd: {  	[bflag:$0x3] =	sbarrier.arrive $0xFFFF  }
0xbe: {  	_ =	shalt  }

</sc_bundles>
